<compile_context>
chip_gen: v7x
topology: tpu7x:2x2x1
jax: 0.10.2.dev20260603
libtpu: 0.0.44.dev20260713+nightly
codegen_flags: <defaults>
</compile_context>

<pallas_src>
import functools

import jax
import jax.numpy as jnp
from jax import lax
from jax.experimental import pallas as pl
from jax.experimental.pallas import tpu as pltpu
from jax.experimental.pallas import tpu_sc as plsc

_N = 10000
_E = 320000
_D = 128
_NC = 2
_NS = 16
_NW = _NC * _NS
_CHUNK = 128
_NCHUNK = 80
_WIN = 40
_EW = _E // _NW
_EWP = _NCHUNK * _CHUNK
_CNTW = 128
_NP = 10112
_RPT = _NP // _NS


def _mesh():
    return plsc.VectorSubcoreMesh(
        core_axis_name="c", subcore_axis_name="s",
        num_cores=_NC, num_subcores=_NS)


def _worker_ids():
    c = lax.axis_index("c")
    s = lax.axis_index("s")
    return c, s, c * _NS + s


def _sc_agg_body(h_hbm, src_hbm, dst_hbm, z128_hbm, out_hbm,
                 src_v, dst_v, rows0_v, rows1_v, acc_sh,
                 semg0, semg1, sems0, sems1):
    c, s, wid = _worker_ids()
    row0 = s * _RPT
    pltpu.sync_copy(z128_hbm, acc_sh.at[pl.ds(row0, _RPT)])
    plsc.subcore_barrier()

    def gather(j, buf, sem):
        pltpu.async_copy(h_hbm.at[src_v.at[j]], buf, sem)

    def scatter(j, buf, sem):
        pltpu.async_copy(buf, acc_sh.at[dst_v.at[j]], sem, add=True)

    def drain_gather(j, buf, sem):
        pltpu.make_async_copy(h_hbm.at[src_v.at[j]], buf, sem).wait()

    def drain_scatter(j, buf, sem):
        pltpu.make_async_copy(buf, acc_sh.at[dst_v.at[j]], sem).wait()

    def phase(base):
        pltpu.sync_copy(src_hbm.at[wid, pl.ds(base, _WIN)], src_v)
        pltpu.sync_copy(dst_hbm.at[wid, pl.ds(base, _WIN)], dst_v)
        bufs = (rows0_v, rows1_v)
        gsems = (semg0, semg1)
        ssems = (sems0, sems1)
        gather(0, bufs[0], gsems[0])

        def step(j, b, first=False):
            bp = (b + 1) % 2
            if not first:
                drain_scatter(j - 1, bufs[bp], ssems[bp])
            gather(jnp.minimum(j + 1, _WIN - 1), bufs[bp], gsems[bp])
            drain_gather(j, bufs[b], gsems[b])
            scatter(j, bufs[b], ssems[b])

        step(0, 0, first=True)
        step(1, 1)

        def body(i, carry):
            j0 = 2 * i + 2
            step(j0, 0)
            step(j0 + 1, 1)
            return carry

        lax.fori_loop(0, (_WIN - 2) // 2, body, 0)
        drain_scatter(_WIN - 1, bufs[1], ssems[1])
        drain_gather(_WIN - 1, bufs[0], gsems[0])

    for p in range(_NCHUNK // _WIN):
        phase(p * _WIN)

    plsc.subcore_barrier()
    pltpu.sync_copy(acc_sh.at[pl.ds(row0, _RPT)],
                    out_hbm.at[c, pl.ds(row0, _RPT)])


def _sc_cnt_body(dst_hbm, z128_hbm, ones_hbm, cnt_out_hbm,
                 dst_v, ones_v, cnt_sh, sem):
    c, s, wid = _worker_ids()
    row0 = s * _RPT
    pltpu.sync_copy(z128_hbm, cnt_sh.at[pl.ds(row0, _RPT)])
    pltpu.sync_copy(ones_hbm, ones_v)
    pltpu.sync_copy(dst_hbm.at[wid], dst_v)
    plsc.subcore_barrier()

    def issue(j):
        pltpu.async_copy(ones_v, cnt_sh.at[dst_v.at[j]], sem, add=True)

    def drain(j):
        pltpu.make_async_copy(ones_v, cnt_sh.at[dst_v.at[j]], sem).wait()

    for k in range(4):
        issue(k)

    def body(j, carry):
        drain(j - 4)
        issue(j)
        return carry

    lax.fori_loop(4, _NCHUNK, body, 0)
    for k in range(_NCHUNK - 4, _NCHUNK):
        drain(k)
    plsc.subcore_barrier()
    pltpu.sync_copy(cnt_sh.at[pl.ds(row0, _RPT)],
                    cnt_out_hbm.at[c, pl.ds(row0, _RPT)])


def _make_agg(interpret=False):
    return pl.kernel(
        _sc_agg_body,
        out_type=jax.ShapeDtypeStruct((_NC, _NP, _D), jnp.float32),
        mesh=_mesh(),
        scratch_types=[
            pltpu.VMEM((_WIN, _CHUNK), jnp.int32),
            pltpu.VMEM((_WIN, _CHUNK), jnp.int32),
            pltpu.VMEM((_CHUNK, _D), jnp.float32),
            pltpu.VMEM((_CHUNK, _D), jnp.float32),
            pltpu.VMEM_SHARED((_NP, _D), jnp.float32),
        ] + [pltpu.SemaphoreType.DMA] * 4,
        interpret=interpret,
    )


def _make_cnt(interpret=False):
    return pl.kernel(
        _sc_cnt_body,
        out_type=jax.ShapeDtypeStruct((_NC, _NP, _CNTW), jnp.float32),
        mesh=_mesh(),
        scratch_types=[
            pltpu.VMEM((_NCHUNK, _CHUNK), jnp.int32),
            pltpu.VMEM((_CHUNK, _CNTW), jnp.float32),
            pltpu.VMEM_SHARED((_NP, _CNTW), jnp.float32),
            pltpu.SemaphoreType.DMA,
        ],
        interpret=interpret,
    )


def _dense_body(relu, p_ref, c_ref, h_ref, wl_ref, wr_ref, bl_ref, o_ref):
    ssum = p_ref[0] + p_ref[1]
    cnt = c_ref[0, :, 0:1] + c_ref[1, :, 0:1]
    mean = ssum / jnp.maximum(cnt, 1.0)
    acc = lax.dot_general(mean, wl_ref[...], (((1,), (1,)), ((), ())),
                          preferred_element_type=jnp.float32)
    acc = acc + lax.dot_general(h_ref[...], wr_ref[...], (((1,), (1,)), ((), ())),
                                preferred_element_type=jnp.float32)
    acc = acc + bl_ref[...]
    o_ref[...] = jnp.maximum(acc, 0.0) if relu else acc


def _dense(part, cnt, h, Wl, bl, Wr, relu, interpret=False):
    bm = 632
    return pl.pallas_call(
        functools.partial(_dense_body, relu),
        grid=(_NP // bm,),
        in_specs=[
            pl.BlockSpec((_NC, bm, _D), lambda i: (0, i, 0)),
            pl.BlockSpec((_NC, bm, 8), lambda i: (0, i, 0)),
            pl.BlockSpec((bm, _D), lambda i: (i, 0)),
            pl.BlockSpec((_D, _D), lambda i: (0, 0)),
            pl.BlockSpec((_D, _D), lambda i: (0, 0)),
            pl.BlockSpec((1, _D), lambda i: (0, 0)),
        ],
        out_specs=pl.BlockSpec((bm, _D), lambda i: (i, 0)),
        out_shape=jax.ShapeDtypeStruct((_NP, _D), jnp.float32),
        interpret=interpret,
    )(part, cnt, h, Wl, Wr, bl.reshape(1, _D))


def kernel(x, edge_index, Wl1, bl1, Wr1, Wl2, bl2, Wr2, Wl3, bl3, Wr3):
    xp = jnp.pad(x, ((0, _NP - _N), (0, 0)))
    padn = _EWP - _EW
    pad_dst = (_N + 3 * jnp.arange(_NW, dtype=jnp.int32)[:, None]
               + (jnp.arange(padn, dtype=jnp.int32)[None, :] % 3))
    pad_src = jnp.broadcast_to(
        (37 * jnp.arange(padn, dtype=jnp.int32)) % _N, (_NW, padn))
    src = jnp.concatenate(
        [edge_index[0].astype(jnp.int32).reshape(_NW, _EW), pad_src], axis=1,
    ).reshape(_NW, _NCHUNK, _CHUNK)
    dst = jnp.concatenate(
        [edge_index[1].astype(jnp.int32).reshape(_NW, _EW), pad_dst], axis=1,
    ).reshape(_NW, _NCHUNK, _CHUNK)
    z128 = jnp.zeros((_RPT, _D), jnp.float32)
    ones = jnp.ones((_CHUNK, _CNTW), jnp.float32)

    agg = _make_agg()
    cnt = _make_cnt()(dst, z128, ones)[:, :, :8]

    part1 = agg(xp, src, dst, z128)
    h1 = _dense(part1, cnt, xp, Wl1, bl1, Wr1, True)
    part2 = agg(h1, src, dst, z128)
    h2 = _dense(part2, cnt, h1, Wl2, bl2, Wr2, True)
    part3 = agg(h2, src, dst, z128)
    out = _dense(part3, cnt, h2, Wl3, bl3, Wr3, False)
    return out[:_N]

# --- scband reference (transcript-rebuilt; emitter-appended) ---
"""Pipeline reference for scband-sage-8134668058765 (READ-ONLY COPY).

The authoritative reference and input builder live on the scoring server;
editing this copy changes nothing except your own understanding.
"""

import jax, jax.numpy as jnp
import numpy as np

N = 10000
E = 320000
D_IN = 128
D_HID = 128
D_OUT = 128


def setup_inputs(seed: int = 0) -> dict:
    key = jax.random.key(seed)
    ks = jax.random.split(key, 12)
    x = jax.random.normal(ks[0], (N, D_IN), dtype=jnp.float32)
    edge_index = jax.random.randint(ks[1], (2, E), 0, N, dtype=jnp.int64)
    # SAGEConv params per layer: Wl (neighbor linear, with bias), Wr (root linear, no bias)
    Wl1 = jax.random.normal(ks[2], (D_HID, D_IN), dtype=jnp.float32) * 0.05
    bl1 = jnp.zeros((D_HID,), dtype=jnp.float32)
    Wr1 = jax.random.normal(ks[3], (D_HID, D_IN), dtype=jnp.float32) * 0.05
    Wl2 = jax.random.normal(ks[4], (D_HID, D_HID), dtype=jnp.float32) * 0.05
    bl2 = jnp.zeros((D_HID,), dtype=jnp.float32)
    Wr2 = jax.random.normal(ks[5], (D_HID, D_HID), dtype=jnp.float32) * 0.05
    Wl3 = jax.random.normal(ks[6], (D_OUT, D_HID), dtype=jnp.float32) * 0.05
    bl3 = jnp.zeros((D_OUT,), dtype=jnp.float32)
    Wr3 = jax.random.normal(ks[7], (D_OUT, D_HID), dtype=jnp.float32) * 0.05
    return {"x": x, "edge_index": edge_index,
            "Wl1": Wl1, "bl1": bl1, "Wr1": Wr1,
            "Wl2": Wl2, "bl2": bl2, "Wr2": Wr2,
            "Wl3": Wl3, "bl3": bl3, "Wr3": Wr3}


def _sage_conv(x, edge_index, Wl, bl, Wr):
    # PyG SAGEConv with mean aggregation:
    # out = lin_l(mean_{j in N(i)} x_j) + lin_r(x_i)
    src = edge_index[0]
    dst = edge_index[1]
    msg = jnp.take(x, src, axis=0)
    summed = jax.ops.segment_sum(msg, dst, num_segments=N)
    cnt = jax.ops.segment_sum(jnp.ones((msg.shape[0],), dtype=x.dtype), dst, num_segments=N)
    mean = summed / jnp.clip(cnt, 1.0, None)[:, None]
    return mean @ Wl.T + bl + x @ Wr.T


def reference(x, edge_index, Wl1, bl1, Wr1, Wl2, bl2, Wr2, Wl3, bl3, Wr3):
    # Eval-mode forward (dropout is identity, norm_type='none', cold_dropout=False)
    h = _sage_conv(x, edge_index, Wl1, bl1, Wr1)
    h = jax.nn.relu(h)
    h = _sage_conv(h, edge_index, Wl2, bl2, Wr2)
    h = jax.nn.relu(h)
    out = _sage_conv(h, edge_index, Wl3, bl3, Wr3)
    return out

if __name__ == "__main__":
    import jax
    _d = setup_inputs()
    print(jax.jit(kernel)(*tuple(_d.values())))

</pallas_src>

<mosaic_0001>
#map = affine_map<(d0, d1) -> (0, 0)>
#map1 = affine_map<(d0, d1) -> (0, 0, 0)>
module attributes {stable_mosaic.version = 14 : i64} {
  func.func @_sc_agg_body(%arg0: i32, %arg1: i32, %arg2: memref<10112x128xf32, #tpu.memory_space<hbm>>, %arg3: memref<32x80x128xi32, #tpu.memory_space<hbm>>, %arg4: memref<32x80x128xi32, #tpu.memory_space<hbm>>, %arg5: memref<632x128xf32, #tpu.memory_space<hbm>>, %arg6: memref<2x10112x128xf32, #tpu.memory_space<hbm>>, %arg7: memref<40x128xi32, #tpu.memory_space<vmem>>, %arg8: memref<40x128xi32, #tpu.memory_space<vmem>>, %arg9: memref<128x128xf32, #tpu.memory_space<vmem>>, %arg10: memref<128x128xf32, #tpu.memory_space<vmem>>, %arg11: memref<10112x128xf32, #tpu.memory_space<vmem_shared>>, %arg12: memref<!tpu.dma_semaphore, #tpu.memory_space<semaphore_mem>>, %arg13: memref<!tpu.dma_semaphore, #tpu.memory_space<semaphore_mem>>, %arg14: memref<!tpu.dma_semaphore, #tpu.memory_space<semaphore_mem>>, %arg15: memref<!tpu.dma_semaphore, #tpu.memory_space<semaphore_mem>>) attributes {dimension_semantics = [#tpu.dimension_semantics<core_parallel>, #tpu.dimension_semantics<subcore_parallel>], iteration_bounds = array<i64: 2, 16>, scalar_prefetch = 0 : i64, scratch_operands = 9 : i64, tpu.core_type = #tpu.core_type<sc_vector_subcore>, window_params = [{transform_indices = #map}, {transform_indices = #map1}, {transform_indices = #map1}, {transform_indices = #map}, {transform_indices = #map1}]} {
    %mul3A = arith.constant 16 : i32
    %mul3A_0 = arith.muli %arg0, %mul3A : i32
    %add3A = arith.addi %mul3A_0, %arg1 : i32
    %mul3A_1 = arith.constant 632 : i32
    %mul3A_2 = arith.muli %arg1, %mul3A_1 : i32
    "tpu.region"() ({
      %run_scoped3A = tpu.sem_alloc : memref<!tpu.dma_semaphore, #tpu.memory_space<semaphore_mem>>
      %dma_start3A_160 = arith.constant 0 : i32
      %dma_start3A_161 = tpu.memref_slice %arg11[%mul3A_2, %dma_start3A_160] : memref<10112x128xf32, #tpu.memory_space<vmem_shared>> -> memref<632x128xf32, #tpu.memory_space<vmem_shared>>
      tpu.enqueue_dma source(%arg5 : memref<632x128xf32, #tpu.memory_space<hbm>>) target(%dma_start3A_161 : memref<632x128xf32, #tpu.memory_space<vmem_shared>>) target_semaphore(%run_scoped3A : memref<!tpu.dma_semaphore, #tpu.memory_space<semaphore_mem>>)
      %dma_wait3A_162 = arith.constant 0 : i32
      %dma_wait3A_163 = tpu.memref_slice %arg11[%mul3A_2, %dma_wait3A_162] : memref<10112x128xf32, #tpu.memory_space<vmem_shared>> -> memref<632x128xf32, #tpu.memory_space<vmem_shared>>
      tpu.wait_dma2 semaphore(%run_scoped3A : memref<!tpu.dma_semaphore, #tpu.memory_space<semaphore_mem>>) src(%arg5 : memref<632x128xf32, #tpu.memory_space<hbm>>) dst(%dma_wait3A_163 : memref<632x128xf32, #tpu.memory_space<vmem_shared>>)
      tpu.yield
    }) : () -> ()
    %barrier3A = arith.constant 0 : index
    tpu.barrier barrier_id(%barrier3A)
    "tpu.region"() ({
      %run_scoped3A = tpu.sem_alloc : memref<!tpu.dma_semaphore, #tpu.memory_space<semaphore_mem>>
      %dma_start3A_160 = arith.constant 0 : i32
      %dma_start3A_161 = arith.constant 0 : i32
      %dma_start3A_162 = tpu.memref_slice %arg3[%add3A, %dma_start3A_160, %dma_start3A_161] : memref<32x80x128xi32, #tpu.memory_space<hbm>> -> memref<1x40x128xi32, #tpu.memory_space<hbm>>
      %dma_start3A_163 = tpu.memref_squeeze %dma_start3A_162 : memref<1x40x128xi32, #tpu.memory_space<hbm>> -> memref<40x128xi32, #tpu.memory_space<hbm>>
      %dma_start3A_164 = arith.constant 0 : i32
      %dma_start3A_165 = arith.constant 0 : i32
      %dma_start3A_166 = tpu.memref_slice %arg3[%add3A, %dma_start3A_164, %dma_start3A_165] : memref<32x80x128xi32, #tpu.memory_space<hbm>> -> memref<1x40x128xi32, #tpu.memory_space<hbm>>
      %dma_start3A_167 = tpu.memref_squeeze %dma_start3A_166 : memref<1x40x128xi32, #tpu.memory_space<hbm>> -> memref<40x128xi32, #tpu.memory_space<hbm>>
      tpu.enqueue_dma source(%dma_start3A_167 : memref<40x128xi32, #tpu.memory_space<hbm>>) target(%arg7 : memref<40x128xi32, #tpu.memory_space<vmem>>) target_semaphore(%run_scoped3A : memref<!tpu.dma_semaphore, #tpu.memory_space<semaphore_mem>>)
      %dma_wait3A_168 = arith.constant 0 : i32
      %dma_wait3A_169 = arith.constant 0 : i32
      %dma_wait3A_170 = tpu.memref_slice %arg3[%add3A, %dma_wait3A_168, %dma_wait3A_169] : memref<32x80x128xi32, #tpu.memory_space<hbm>> -> memref<1x40x128xi32, #tpu.memory_space<hbm>>
      %dma_wait3A_171 = tpu.memref_squeeze %dma_wait3A_170 : memref<1x40x128xi32, #tpu.memory_space<hbm>> -> memref<40x128xi32, #tpu.memory_space<hbm>>
      %dma_wait3A_172 = arith.constant 0 : i32
      %dma_wait3A_173 = arith.constant 0 : i32
      %dma_wait3A_174 = tpu.memref_slice %arg3[%add3A, %dma_wait3A_172, %dma_wait3A_173] : memref<32x80x128xi32, #tpu.memory_space<hbm>> -> memref<1x40x128xi32, #tpu.memory_space<hbm>>
      %dma_wait3A_175 = tpu.memref_squeeze %dma_wait3A_174 : memref<1x40x128xi32, #tpu.memory_space<hbm>> -> memref<40x128xi32, #tpu.memory_space<hbm>>
      tpu.wait_dma2 semaphore(%run_scoped3A : memref<!tpu.dma_semaphore, #tpu.memory_space<semaphore_mem>>) src(%dma_wait3A_175 : memref<40x128xi32, #tpu.memory_space<hbm>>) dst(%arg7 : memref<40x128xi32, #tpu.memory_space<vmem>>)
      tpu.yield
    }) : () -> ()
    "tpu.region"() ({
      %run_scoped3A = tpu.sem_alloc : memref<!tpu.dma_semaphore, #tpu.memory_space<semaphore_mem>>
      %dma_start3A_160 = arith.constant 0 : i32
      %dma_start3A_161 = arith.constant 0 : i32
      %dma_start3A_162 = tpu.memref_slice %arg4[%add3A, %dma_start3A_160, %dma_start3A_161] : memref<32x80x128xi32, #tpu.memory_space<hbm>> -> memref<1x40x128xi32, #tpu.memory_space<hbm>>
      %dma_start3A_163 = tpu.memref_squeeze %dma_start3A_162 : memref<1x40x128xi32, #tpu.memory_space<hbm>> -> memref<40x128xi32, #tpu.memory_space<hbm>>
      %dma_start3A_164 = arith.constant 0 : i32
      %dma_start3A_165 = arith.constant 0 : i32
      %dma_start3A_166 = tpu.memref_slice %arg4[%add3A, %dma_start3A_164, %dma_start3A_165] : memref<32x80x128xi32, #tpu.memory_space<hbm>> -> memref<1x40x128xi32, #tpu.memory_space<hbm>>
      %dma_start3A_167 = tpu.memref_squeeze %dma_start3A_166 : memref<1x40x128xi32, #tpu.memory_space<hbm>> -> memref<40x128xi32, #tpu.memory_space<hbm>>
      tpu.enqueue_dma source(%dma_start3A_167 : memref<40x128xi32, #tpu.memory_space<hbm>>) target(%arg8 : memref<40x128xi32, #tpu.memory_space<vmem>>) target_semaphore(%run_scoped3A : memref<!tpu.dma_semaphore, #tpu.memory_space<semaphore_mem>>)
      %dma_wait3A_168 = arith.constant 0 : i32
      %dma_wait3A_169 = arith.constant 0 : i32
      %dma_wait3A_170 = tpu.memref_slice %arg4[%add3A, %dma_wait3A_168, %dma_wait3A_169] : memref<32x80x128xi32, #tpu.memory_space<hbm>> -> memref<1x40x128xi32, #tpu.memory_space<hbm>>
      %dma_wait3A_171 = tpu.memref_squeeze %dma_wait3A_170 : memref<1x40x128xi32, #tpu.memory_space<hbm>> -> memref<40x128xi32, #tpu.memory_space<hbm>>
      %dma_wait3A_172 = arith.constant 0 : i32
      %dma_wait3A_173 = arith.constant 0 : i32
      %dma_wait3A_174 = tpu.memref_slice %arg4[%add3A, %dma_wait3A_172, %dma_wait3A_173] : memref<32x80x128xi32, #tpu.memory_space<hbm>> -> memref<1x40x128xi32, #tpu.memory_space<hbm>>
      %dma_wait3A_175 = tpu.memref_squeeze %dma_wait3A_174 : memref<1x40x128xi32, #tpu.memory_space<hbm>> -> memref<40x128xi32, #tpu.memory_space<hbm>>
      tpu.wait_dma2 semaphore(%run_scoped3A : memref<!tpu.dma_semaphore, #tpu.memory_space<semaphore_mem>>) src(%dma_wait3A_175 : memref<40x128xi32, #tpu.memory_space<hbm>>) dst(%arg8 : memref<40x128xi32, #tpu.memory_space<vmem>>)
      tpu.yield
    }) : () -> ()
    %dma_start3A = arith.constant 0 : i32
    %dma_start3A_3 = arith.constant 0 : i32
    %dma_start3A_4 = tpu.memref_slice %arg7[%dma_start3A, %dma_start3A_3] : memref<40x128xi32, #tpu.memory_space<vmem>> -> memref<1x128xi32, #tpu.memory_space<vmem>>
    %dma_start3A_5 = tpu.memref_squeeze %dma_start3A_4 : memref<1x128xi32, #tpu.memory_space<vmem>> -> memref<128xi32, #tpu.memory_space<vmem>>
    %dma_start3A_6 = arith.constant 0 : i32
    %dma_start3A_7 = arith.constant 0 : i32
    %dma_start3A_8 = tpu.memref_slice %arg2[%dma_start3A_6, %dma_start3A_7] : memref<10112x128xf32, #tpu.memory_space<hbm>> -> memref<10112x128xf32, #tpu.memory_space<hbm>>
    tpu.enqueue_indirect_dma source(%dma_start3A_8 : memref<10112x128xf32, #tpu.memory_space<hbm>>) target(%arg9 : memref<128x128xf32, #tpu.memory_space<vmem>>) offsets(%dma_start3A_5 : memref<128xi32, #tpu.memory_space<vmem>>) semaphore(%arg12 : memref<!tpu.dma_semaphore, #tpu.memory_space<semaphore_mem>>)
    %min3A = arith.constant 1 : i32
    %min3A_9 = arith.constant 39 : i32
    %min3A_10 = arith.minsi %min3A, %min3A_9 : i32
    %dma_start3A_11 = arith.constant 0 : i32
    %dma_start3A_12 = tpu.memref_slice %arg7[%min3A_10, %dma_start3A_11] : memref<40x128xi32, #tpu.memory_space<vmem>> -> memref<1x128xi32, #tpu.memory_space<vmem>>
    %dma_start3A_13 = tpu.memref_squeeze %dma_start3A_12 : memref<1x128xi32, #tpu.memory_space<vmem>> -> memref<128xi32, #tpu.memory_space<vmem>>
    %dma_start3A_14 = arith.constant 0 : i32
    %dma_start3A_15 = arith.constant 0 : i32
    %dma_start3A_16 = tpu.memref_slice %arg2[%dma_start3A_14, %dma_start3A_15] : memref<10112x128xf32, #tpu.memory_space<hbm>> -> memref<10112x128xf32, #tpu.memory_space<hbm>>
    tpu.enqueue_indirect_dma source(%dma_start3A_16 : memref<10112x128xf32, #tpu.memory_space<hbm>>) target(%arg10 : memref<128x128xf32, #tpu.memory_space<vmem>>) offsets(%dma_start3A_13 : memref<128xi32, #tpu.memory_space<vmem>>) semaphore(%arg13 : memref<!tpu.dma_semaphore, #tpu.memory_space<semaphore_mem>>)
    %dma_wait3A = arith.constant 0 : i32
    %dma_wait3A_17 = arith.constant 0 : i32
    %dma_wait3A_18 = tpu.memref_slice %arg7[%dma_wait3A, %dma_wait3A_17] : memref<40x128xi32, #tpu.memory_space<vmem>> -> memref<1x128xi32, #tpu.memory_space<vmem>>
    %dma_wait3A_19 = tpu.memref_squeeze %dma_wait3A_18 : memref<1x128xi32, #tpu.memory_space<vmem>> -> memref<128xi32, #tpu.memory_space<vmem>>
    %dma_wait3A_20 = arith.constant 0 : i32
    %dma_wait3A_21 = arith.constant 0 : i32
    %dma_wait3A_22 = tpu.memref_slice %arg2[%dma_wait3A_20, %dma_wait3A_21] : memref<10112x128xf32, #tpu.memory_space<hbm>> -> memref<10112x128xf32, #tpu.memory_space<hbm>>
    tpu.wait_indirect_dma semaphore(%arg12 : memref<!tpu.dma_semaphore, #tpu.memory_space<semaphore_mem>>) src(%dma_wait3A_22 : memref<10112x128xf32, #tpu.memory_space<hbm>>) dst(%arg9 : memref<128x128xf32, #tpu.memory_space<vmem>>)
    %dma_start3A_23 = arith.constant 0 : i32
    %dma_start3A_24 = arith.constant 0 : i32
    %dma_start3A_25 = tpu.memref_slice %arg8[%dma_start3A_23, %dma_start3A_24] : memref<40x128xi32, #tpu.memory_space<vmem>> -> memref<1x128xi32, #tpu.memory_space<vmem>>
    %dma_start3A_26 = tpu.memref_squeeze %dma_start3A_25 : memref<1x128xi32, #tpu.memory_space<vmem>> -> memref<128xi32, #tpu.memory_space<vmem>>
    %dma_start3A_27 = arith.constant 0 : i32
    %dma_start3A_28 = arith.constant 0 : i32
    %dma_start3A_29 = tpu.memref_slice %arg11[%dma_start3A_27, %dma_start3A_28] : memref<10112x128xf32, #tpu.memory_space<vmem_shared>> -> memref<10112x128xf32, #tpu.memory_space<vmem_shared>>
    tpu.enqueue_indirect_dma source(%arg9 : memref<128x128xf32, #tpu.memory_space<vmem>>) target(%dma_start3A_29 : memref<10112x128xf32, #tpu.memory_space<vmem_shared>>) offsets(%dma_start3A_26 : memref<128xi32, #tpu.memory_space<vmem>>) semaphore(%arg14 : memref<!tpu.dma_semaphore, #tpu.memory_space<semaphore_mem>>) {add = true}
    %dma_wait3A_30 = arith.constant 0 : i32
    %dma_wait3A_31 = arith.constant 0 : i32
    %dma_wait3A_32 = tpu.memref_slice %arg8[%dma_wait3A_30, %dma_wait3A_31] : memref<40x128xi32, #tpu.memory_space<vmem>> -> memref<1x128xi32, #tpu.memory_space<vmem>>
    %dma_wait3A_33 = tpu.memref_squeeze %dma_wait3A_32 : memref<1x128xi32, #tpu.memory_space<vmem>> -> memref<128xi32, #tpu.memory_space<vmem>>
    %dma_wait3A_34 = arith.constant 0 : i32
    %dma_wait3A_35 = arith.constant 0 : i32
    %dma_wait3A_36 = tpu.memref_slice %arg11[%dma_wait3A_34, %dma_wait3A_35] : memref<10112x128xf32, #tpu.memory_space<vmem_shared>> -> memref<10112x128xf32, #tpu.memory_space<vmem_shared>>
    tpu.wait_indirect_dma semaphore(%arg14 : memref<!tpu.dma_semaphore, #tpu.memory_space<semaphore_mem>>) src(%arg9 : memref<128x128xf32, #tpu.memory_space<vmem>>) dst(%dma_wait3A_36 : memref<10112x128xf32, #tpu.memory_space<vmem_shared>>)
    %min3A_37 = arith.constant 2 : i32
    %min3A_38 = arith.constant 39 : i32
    %min3A_39 = arith.minsi %min3A_37, %min3A_38 : i32
    %dma_start3A_40 = arith.constant 0 : i32
    %dma_start3A_41 = tpu.memref_slice %arg7[%min3A_39, %dma_start3A_40] : memref<40x128xi32, #tpu.memory_space<vmem>> -> memref<1x128xi32, #tpu.memory_space<vmem>>
    %dma_start3A_42 = tpu.memref_squeeze %dma_start3A_41 : memref<1x128xi32, #tpu.memory_space<vmem>> -> memref<128xi32, #tpu.memory_space<vmem>>
    %dma_start3A_43 = arith.constant 0 : i32
    %dma_start3A_44 = arith.constant 0 : i32
    %dma_start3A_45 = tpu.memref_slice %arg2[%dma_start3A_43, %dma_start3A_44] : memref<10112x128xf32, #tpu.memory_space<hbm>> -> memref<10112x128xf32, #tpu.memory_space<hbm>>
    tpu.enqueue_indirect_dma source(%dma_start3A_45 : memref<10112x128xf32, #tpu.memory_space<hbm>>) target(%arg9 : memref<128x128xf32, #tpu.memory_space<vmem>>) offsets(%dma_start3A_42 : memref<128xi32, #tpu.memory_space<vmem>>) semaphore(%arg12 : memref<!tpu.dma_semaphore, #tpu.memory_space<semaphore_mem>>)
    %dma_wait3A_46 = arith.constant 1 : i32
    %dma_wait3A_47 = arith.constant 0 : i32
    %dma_wait3A_48 = tpu.memref_slice %arg7[%dma_wait3A_46, %dma_wait3A_47] : memref<40x128xi32, #tpu.memory_space<vmem>> -> memref<1x128xi32, #tpu.memory_space<vmem>>
    %dma_wait3A_49 = tpu.memref_squeeze %dma_wait3A_48 : memref<1x128xi32, #tpu.memory_space<vmem>> -> memref<128xi32, #tpu.memory_space<vmem>>
    %dma_wait3A_50 = arith.constant 0 : i32
    %dma_wait3A_51 = arith.constant 0 : i32
    %dma_wait3A_52 = tpu.memref_slice %arg2[%dma_wait3A_50, %dma_wait3A_51] : memref<10112x128xf32, #tpu.memory_space<hbm>> -> memref<10112x128xf32, #tpu.memory_space<hbm>>
    tpu.wait_indirect_dma semaphore(%arg13 : memref<!tpu.dma_semaphore, #tpu.memory_space<semaphore_mem>>) src(%dma_wait3A_52 : memref<10112x128xf32, #tpu.memory_space<hbm>>) dst(%arg10 : memref<128x128xf32, #tpu.memory_space<vmem>>)
    %dma_start3A_53 = arith.constant 1 : i32
    %dma_start3A_54 = arith.constant 0 : i32
    %dma_start3A_55 = tpu.memref_slice %arg8[%dma_start3A_53, %dma_start3A_54] : memref<40x128xi32, #tpu.memory_space<vmem>> -> memref<1x128xi32, #tpu.memory_space<vmem>>
    %dma_start3A_56 = tpu.memref_squeeze %dma_start3A_55 : memref<1x128xi32, #tpu.memory_space<vmem>> -> memref<128xi32, #tpu.memory_space<vmem>>
    %dma_start3A_57 = arith.constant 0 : i32
    %dma_start3A_58 = arith.constant 0 : i32
    %dma_start3A_59 = tpu.memref_slice %arg11[%dma_start3A_57, %dma_start3A_58] : memref<10112x128xf32, #tpu.memory_space<vmem_shared>> -> memref<10112x128xf32, #tpu.memory_space<vmem_shared>>
    tpu.enqueue_indirect_dma source(%arg10 : memref<128x128xf32, #tpu.memory_space<vmem>>) target(%dma_start3A_59 : memref<10112x128xf32, #tpu.memory_space<vmem_shared>>) offsets(%dma_start3A_56 : memref<128xi32, #tpu.memory_space<vmem>>) semaphore(%arg15 : memref<!tpu.dma_semaphore, #tpu.memory_space<semaphore_mem>>) {add = true}
    %scan3A = arith.constant 0 : i32
    %scan3A_60 = arith.constant 0 : i32
    %scan3A_61 = arith.constant 19 : i32
    %scan3A_62 = arith.addi %scan3A_60, %scan3A_61 : i32
    %scan3A_63 = arith.constant 1 : i32
    scf.for %scan3A_160 = %scan3A_60 to %scan3A_62 step %scan3A_63  : i32 {
      %mul3A_161 = arith.constant 2 : i32
      %mul3A_162 = arith.muli %mul3A_161, %scan3A_160 : i32
      %add3A_163 = arith.constant 2 : i32
      %add3A_164 = arith.addi %mul3A_162, %add3A_163 : i32
      %sub3A = arith.constant 1 : i32
      %sub3A_165 = arith.subi %add3A_164, %sub3A : i32
      %dma_wait3A_166 = arith.constant 0 : i32
      %dma_wait3A_167 = tpu.memref_slice %arg8[%sub3A_165, %dma_wait3A_166] : memref<40x128xi32, #tpu.memory_space<vmem>> -> memref<1x128xi32, #tpu.memory_space<vmem>>
      %dma_wait3A_168 = tpu.memref_squeeze %dma_wait3A_167 : memref<1x128xi32, #tpu.memory_space<vmem>> -> memref<128xi32, #tpu.memory_space<vmem>>
      %dma_wait3A_169 = arith.constant 0 : i32
      %dma_wait3A_170 = arith.constant 0 : i32
      %dma_wait3A_171 = tpu.memref_slice %arg11[%dma_wait3A_169, %dma_wait3A_170] : memref<10112x128xf32, #tpu.memory_space<vmem_shared>> -> memref<10112x128xf32, #tpu.memory_space<vmem_shared>>
      tpu.wait_indirect_dma semaphore(%arg15 : memref<!tpu.dma_semaphore, #tpu.memory_space<semaphore_mem>>) src(%arg10 : memref<128x128xf32, #tpu.memory_space<vmem>>) dst(%dma_wait3A_171 : memref<10112x128xf32, #tpu.memory_space<vmem_shared>>)
      %add3A_172 = arith.constant 1 : i32
      %add3A_173 = arith.addi %add3A_164, %add3A_172 : i32
      %min3A_174 = arith.constant 39 : i32
      %min3A_175 = arith.minsi %add3A_173, %min3A_174 : i32
      %dma_start3A_176 = arith.constant 0 : i32
      %dma_start3A_177 = tpu.memref_slice %arg7[%min3A_175, %dma_start3A_176] : memref<40x128xi32, #tpu.memory_space<vmem>> -> memref<1x128xi32, #tpu.memory_space<vmem>>
      %dma_start3A_178 = tpu.memref_squeeze %dma_start3A_177 : memref<1x128xi32, #tpu.memory_space<vmem>> -> memref<128xi32, #tpu.memory_space<vmem>>
      %dma_start3A_179 = arith.constant 0 : i32
      %dma_start3A_180 = arith.constant 0 : i32
      %dma_start3A_181 = tpu.memref_slice %arg2[%dma_start3A_179, %dma_start3A_180] : memref<10112x128xf32, #tpu.memory_space<hbm>> -> memref<10112x128xf32, #tpu.memory_space<hbm>>
      tpu.enqueue_indirect_dma source(%dma_start3A_181 : memref<10112x128xf32, #tpu.memory_space<hbm>>) target(%arg10 : memref<128x128xf32, #tpu.memory_space<vmem>>) offsets(%dma_start3A_178 : memref<128xi32, #tpu.memory_space<vmem>>) semaphore(%arg13 : memref<!tpu.dma_semaphore, #tpu.memory_space<semaphore_mem>>)
      %dma_wait3A_182 = arith.constant 0 : i32
      %dma_wait3A_183 = tpu.memref_slice %arg7[%add3A_164, %dma_wait3A_182] : memref<40x128xi32, #tpu.memory_space<vmem>> -> memref<1x128xi32, #tpu.memory_space<vmem>>
      %dma_wait3A_184 = tpu.memref_squeeze %dma_wait3A_183 : memref<1x128xi32, #tpu.memory_space<vmem>> -> memref<128xi32, #tpu.memory_space<vmem>>
      %dma_wait3A_185 = arith.constant 0 : i32
      %dma_wait3A_186 = arith.constant 0 : i32
      %dma_wait3A_187 = tpu.memref_slice %arg2[%dma_wait3A_185, %dma_wait3A_186] : memref<10112x128xf32, #tpu.memory_space<hbm>> -> memref<10112x128xf32, #tpu.memory_space<hbm>>
      tpu.wait_indirect_dma semaphore(%arg12 : memref<!tpu.dma_semaphore, #tpu.memory_space<semaphore_mem>>) src(%dma_wait3A_187 : memref<10112x128xf32, #tpu.memory_space<hbm>>) dst(%arg9 : memref<128x128xf32, #tpu.memory_space<vmem>>)
      %dma_start3A_188 = arith.constant 0 : i32
      %dma_start3A_189 = tpu.memref_slice %arg8[%add3A_164, %dma_start3A_188] : memref<40x128xi32, #tpu.memory_space<vmem>> -> memref<1x128xi32, #tpu.memory_space<vmem>>
      %dma_start3A_190 = tpu.memref_squeeze %dma_start3A_189 : memref<1x128xi32, #tpu.memory_space<vmem>> -> memref<128xi32, #tpu.memory_space<vmem>>
      %dma_start3A_191 = arith.constant 0 : i32
      %dma_start3A_192 = arith.constant 0 : i32
      %dma_start3A_193 = tpu.memref_slice %arg11[%dma_start3A_191, %dma_start3A_192] : memref<10112x128xf32, #tpu.memory_space<vmem_shared>> -> memref<10112x128xf32, #tpu.memory_space<vmem_shared>>
      tpu.enqueue_indirect_dma source(%arg9 : memref<128x128xf32, #tpu.memory_space<vmem>>) target(%dma_start3A_193 : memref<10112x128xf32, #tpu.memory_space<vmem_shared>>) offsets(%dma_start3A_190 : memref<128xi32, #tpu.memory_space<vmem>>) semaphore(%arg14 : memref<!tpu.dma_semaphore, #tpu.memory_space<semaphore_mem>>) {add = true}
      %add3A_194 = arith.constant 1 : i32
      %add3A_195 = arith.addi %add3A_164, %add3A_194 : i32
      %sub3A_196 = arith.constant 1 : i32
      %sub3A_197 = arith.subi %add3A_195, %sub3A_196 : i32
      %dma_wait3A_198 = arith.constant 0 : i32
      %dma_wait3A_199 = tpu.memref_slice %arg8[%sub3A_197, %dma_wait3A_198] : memref<40x128xi32, #tpu.memory_space<vmem>> -> memref<1x128xi32, #tpu.memory_space<vmem>>
      %dma_wait3A_200 = tpu.memref_squeeze %dma_wait3A_199 : memref<1x128xi32, #tpu.memory_space<vmem>> -> memref<128xi32, #tpu.memory_space<vmem>>
      %dma_wait3A_201 = arith.constant 0 : i32
      %dma_wait3A_202 = arith.constant 0 : i32
      %dma_wait3A_203 = tpu.memref_slice %arg11[%dma_wait3A_201, %dma_wait3A_202] : memref<10112x128xf32, #tpu.memory_space<vmem_shared>> -> memref<10112x128xf32, #tpu.memory_space<vmem_shared>>
      tpu.wait_indirect_dma semaphore(%arg14 : memref<!tpu.dma_semaphore, #tpu.memory_space<semaphore_mem>>) src(%arg9 : memref<128x128xf32, #tpu.memory_space<vmem>>) dst(%dma_wait3A_203 : memref<10112x128xf32, #tpu.memory_space<vmem_shared>>)
      %add3A_204 = arith.constant 1 : i32
      %add3A_205 = arith.addi %add3A_195, %add3A_204 : i32
      %min3A_206 = arith.constant 39 : i32
      %min3A_207 = arith.minsi %add3A_205, %min3A_206 : i32
      %dma_start3A_208 = arith.constant 0 : i32
      %dma_start3A_209 = tpu.memref_slice %arg7[%min3A_207, %dma_start3A_208] : memref<40x128xi32, #tpu.memory_space<vmem>> -> memref<1x128xi32, #tpu.memory_space<vmem>>
      %dma_start3A_210 = tpu.memref_squeeze %dma_start3A_209 : memref<1x128xi32, #tpu.memory_space<vmem>> -> memref<128xi32, #tpu.memory_space<vmem>>
      %dma_start3A_211 = arith.constant 0 : i32
      %dma_start3A_212 = arith.constant 0 : i32
      %dma_start3A_213 = tpu.memref_slice %arg2[%dma_start3A_211, %dma_start3A_212] : memref<10112x128xf32, #tpu.memory_space<hbm>> -> memref<10112x128xf32, #tpu.memory_space<hbm>>
      tpu.enqueue_indirect_dma source(%dma_start3A_213 : memref<10112x128xf32, #tpu.memory_space<hbm>>) target(%arg9 : memref<128x128xf32, #tpu.memory_space<vmem>>) offsets(%dma_start3A_210 : memref<128xi32, #tpu.memory_space<vmem>>) semaphore(%arg12 : memref<!tpu.dma_semaphore, #tpu.memory_space<semaphore_mem>>)
      %dma_wait3A_214 = arith.constant 0 : i32
      %dma_wait3A_215 = tpu.memref_slice %arg7[%add3A_195, %dma_wait3A_214] : memref<40x128xi32, #tpu.memory_space<vmem>> -> memref<1x128xi32, #tpu.memory_space<vmem>>
      %dma_wait3A_216 = tpu.memref_squeeze %dma_wait3A_215 : memref<1x128xi32, #tpu.memory_space<vmem>> -> memref<128xi32, #tpu.memory_space<vmem>>
      %dma_wait3A_217 = arith.constant 0 : i32
      %dma_wait3A_218 = arith.constant 0 : i32
      %dma_wait3A_219 = tpu.memref_slice %arg2[%dma_wait3A_217, %dma_wait3A_218] : memref<10112x128xf32, #tpu.memory_space<hbm>> -> memref<10112x128xf32, #tpu.memory_space<hbm>>
      tpu.wait_indirect_dma semaphore(%arg13 : memref<!tpu.dma_semaphore, #tpu.memory_space<semaphore_mem>>) src(%dma_wait3A_219 : memref<10112x128xf32, #tpu.memory_space<hbm>>) dst(%arg10 : memref<128x128xf32, #tpu.memory_space<vmem>>)
      %dma_start3A_220 = arith.constant 0 : i32
      %dma_start3A_221 = tpu.memref_slice %arg8[%add3A_195, %dma_start3A_220] : memref<40x128xi32, #tpu.memory_space<vmem>> -> memref<1x128xi32, #tpu.memory_space<vmem>>
      %dma_start3A_222 = tpu.memref_squeeze %dma_start3A_221 : memref<1x128xi32, #tpu.memory_space<vmem>> -> memref<128xi32, #tpu.memory_space<vmem>>
      %dma_start3A_223 = arith.constant 0 : i32
      %dma_start3A_224 = arith.constant 0 : i32
      %dma_start3A_225 = tpu.memref_slice %arg11[%dma_start3A_223, %dma_start3A_224] : memref<10112x128xf32, #tpu.memory_space<vmem_shared>> -> memref<10112x128xf32, #tpu.memory_space<vmem_shared>>
      tpu.enqueue_indirect_dma source(%arg10 : memref<128x128xf32, #tpu.memory_space<vmem>>) target(%dma_start3A_225 : memref<10112x128xf32, #tpu.memory_space<vmem_shared>>) offsets(%dma_start3A_222 : memref<128xi32, #tpu.memory_space<vmem>>) semaphore(%arg15 : memref<!tpu.dma_semaphore, #tpu.memory_space<semaphore_mem>>) {add = true}
    }
    %scan3A_64 = arith.constant 19 : i32
    %dma_wait3A_65 = arith.constant 39 : i32
    %dma_wait3A_66 = arith.constant 0 : i32
    %dma_wait3A_67 = tpu.memref_slice %arg8[%dma_wait3A_65, %dma_wait3A_66] : memref<40x128xi32, #tpu.memory_space<vmem>> -> memref<1x128xi32, #tpu.memory_space<vmem>>
    %dma_wait3A_68 = tpu.memref_squeeze %dma_wait3A_67 : memref<1x128xi32, #tpu.memory_space<vmem>> -> memref<128xi32, #tpu.memory_space<vmem>>
    %dma_wait3A_69 = arith.constant 0 : i32
    %dma_wait3A_70 = arith.constant 0 : i32
    %dma_wait3A_71 = tpu.memref_slice %arg11[%dma_wait3A_69, %dma_wait3A_70] : memref<10112x128xf32, #tpu.memory_space<vmem_shared>> -> memref<10112x128xf32, #tpu.memory_space<vmem_shared>>
    tpu.wait_indirect_dma semaphore(%arg15 : memref<!tpu.dma_semaphore, #tpu.memory_space<semaphore_mem>>) src(%arg10 : memref<128x128xf32, #tpu.memory_space<vmem>>) dst(%dma_wait3A_71 : memref<10112x128xf32, #tpu.memory_space<vmem_shared>>)
    %dma_wait3A_72 = arith.constant 39 : i32
    %dma_wait3A_73 = arith.constant 0 : i32
    %dma_wait3A_74 = tpu.memref_slice %arg7[%dma_wait3A_72, %dma_wait3A_73] : memref<40x128xi32, #tpu.memory_space<vmem>> -> memref<1x128xi32, #tpu.memory_space<vmem>>
    %dma_wait3A_75 = tpu.memref_squeeze %dma_wait3A_74 : memref<1x128xi32, #tpu.memory_space<vmem>> -> memref<128xi32, #tpu.memory_space<vmem>>
    %dma_wait3A_76 = arith.constant 0 : i32
    %dma_wait3A_77 = arith.constant 0 : i32
    %dma_wait3A_78 = tpu.memref_slice %arg2[%dma_wait3A_76, %dma_wait3A_77] : memref<10112x128xf32, #tpu.memory_space<hbm>> -> memref<10112x128xf32, #tpu.memory_space<hbm>>
    tpu.wait_indirect_dma semaphore(%arg12 : memref<!tpu.dma_semaphore, #tpu.memory_space<semaphore_mem>>) src(%dma_wait3A_78 : memref<10112x128xf32, #tpu.memory_space<hbm>>) dst(%arg9 : memref<128x128xf32, #tpu.memory_space<vmem>>)
    "tpu.region"() ({
      %run_scoped3A = tpu.sem_alloc : memref<!tpu.dma_semaphore, #tpu.memory_space<semaphore_mem>>
      %dma_start3A_160 = arith.constant 40 : i32
      %dma_start3A_161 = arith.constant 0 : i32
      %dma_start3A_162 = tpu.memref_slice %arg3[%add3A, %dma_start3A_160, %dma_start3A_161] : memref<32x80x128xi32, #tpu.memory_space<hbm>> -> memref<1x40x128xi32, #tpu.memory_space<hbm>>
      %dma_start3A_163 = tpu.memref_squeeze %dma_start3A_162 : memref<1x40x128xi32, #tpu.memory_space<hbm>> -> memref<40x128xi32, #tpu.memory_space<hbm>>
      %dma_start3A_164 = arith.constant 40 : i32
      %dma_start3A_165 = arith.constant 0 : i32
      %dma_start3A_166 = tpu.memref_slice %arg3[%add3A, %dma_start3A_164, %dma_start3A_165] : memref<32x80x128xi32, #tpu.memory_space<hbm>> -> memref<1x40x128xi32, #tpu.memory_space<hbm>>
      %dma_start3A_167 = tpu.memref_squeeze %dma_start3A_166 : memref<1x40x128xi32, #tpu.memory_space<hbm>> -> memref<40x128xi32, #tpu.memory_space<hbm>>
      tpu.enqueue_dma source(%dma_start3A_167 : memref<40x128xi32, #tpu.memory_space<hbm>>) target(%arg7 : memref<40x128xi32, #tpu.memory_space<vmem>>) target_semaphore(%run_scoped3A : memref<!tpu.dma_semaphore, #tpu.memory_space<semaphore_mem>>)
      %dma_wait3A_168 = arith.constant 40 : i32
      %dma_wait3A_169 = arith.constant 0 : i32
      %dma_wait3A_170 = tpu.memref_slice %arg3[%add3A, %dma_wait3A_168, %dma_wait3A_169] : memref<32x80x128xi32, #tpu.memory_space<hbm>> -> memref<1x40x128xi32, #tpu.memory_space<hbm>>
      %dma_wait3A_171 = tpu.memref_squeeze %dma_wait3A_170 : memref<1x40x128xi32, #tpu.memory_space<hbm>> -> memref<40x128xi32, #tpu.memory_space<hbm>>
      %dma_wait3A_172 = arith.constant 40 : i32
      %dma_wait3A_173 = arith.constant 0 : i32
      %dma_wait3A_174 = tpu.memref_slice %arg3[%add3A, %dma_wait3A_172, %dma_wait3A_173] : memref<32x80x128xi32, #tpu.memory_space<hbm>> -> memref<1x40x128xi32, #tpu.memory_space<hbm>>
      %dma_wait3A_175 = tpu.memref_squeeze %dma_wait3A_174 : memref<1x40x128xi32, #tpu.memory_space<hbm>> -> memref<40x128xi32, #tpu.memory_space<hbm>>
      tpu.wait_dma2 semaphore(%run_scoped3A : memref<!tpu.dma_semaphore, #tpu.memory_space<semaphore_mem>>) src(%dma_wait3A_175 : memref<40x128xi32, #tpu.memory_space<hbm>>) dst(%arg7 : memref<40x128xi32, #tpu.memory_space<vmem>>)
      tpu.yield
    }) : () -> ()
    "tpu.region"() ({
      %run_scoped3A = tpu.sem_alloc : memref<!tpu.dma_semaphore, #tpu.memory_space<semaphore_mem>>
      %dma_start3A_160 = arith.constant 40 : i32
      %dma_start3A_161 = arith.constant 0 : i32
      %dma_start3A_162 = tpu.memref_slice %arg4[%add3A, %dma_start3A_160, %dma_start3A_161] : memref<32x80x128xi32, #tpu.memory_space<hbm>> -> memref<1x40x128xi32, #tpu.memory_space<hbm>>
      %dma_start3A_163 = tpu.memref_squeeze %dma_start3A_162 : memref<1x40x128xi32, #tpu.memory_space<hbm>> -> memref<40x128xi32, #tpu.memory_space<hbm>>
      %dma_start3A_164 = arith.constant 40 : i32
      %dma_start3A_165 = arith.constant 0 : i32
      %dma_start3A_166 = tpu.memref_slice %arg4[%add3A, %dma_start3A_164, %dma_start3A_165] : memref<32x80x128xi32, #tpu.memory_space<hbm>> -> memref<1x40x128xi32, #tpu.memory_space<hbm>>
      %dma_start3A_167 = tpu.memref_squeeze %dma_start3A_166 : memref<1x40x128xi32, #tpu.memory_space<hbm>> -> memref<40x128xi32, #tpu.memory_space<hbm>>
      tpu.enqueue_dma source(%dma_start3A_167 : memref<40x128xi32, #tpu.memory_space<hbm>>) target(%arg8 : memref<40x128xi32, #tpu.memory_space<vmem>>) target_semaphore(%run_scoped3A : memref<!tpu.dma_semaphore, #tpu.memory_space<semaphore_mem>>)
      %dma_wait3A_168 = arith.constant 40 : i32
      %dma_wait3A_169 = arith.constant 0 : i32
      %dma_wait3A_170 = tpu.memref_slice %arg4[%add3A, %dma_wait3A_168, %dma_wait3A_169] : memref<32x80x128xi32, #tpu.memory_space<hbm>> -> memref<1x40x128xi32, #tpu.memory_space<hbm>>
      %dma_wait3A_171 = tpu.memref_squeeze %dma_wait3A_170 : memref<1x40x128xi32, #tpu.memory_space<hbm>> -> memref<40x128xi32, #tpu.memory_space<hbm>>
      %dma_wait3A_172 = arith.constant 40 : i32
      %dma_wait3A_173 = arith.constant 0 : i32
      %dma_wait3A_174 = tpu.memref_slice %arg4[%add3A, %dma_wait3A_172, %dma_wait3A_173] : memref<32x80x128xi32, #tpu.memory_space<hbm>> -> memref<1x40x128xi32, #tpu.memory_space<hbm>>
      %dma_wait3A_175 = tpu.memref_squeeze %dma_wait3A_174 : memref<1x40x128xi32, #tpu.memory_space<hbm>> -> memref<40x128xi32, #tpu.memory_space<hbm>>
      tpu.wait_dma2 semaphore(%run_scoped3A : memref<!tpu.dma_semaphore, #tpu.memory_space<semaphore_mem>>) src(%dma_wait3A_175 : memref<40x128xi32, #tpu.memory_space<hbm>>) dst(%arg8 : memref<40x128xi32, #tpu.memory_space<vmem>>)
      tpu.yield
    }) : () -> ()
    %dma_start3A_79 = arith.constant 0 : i32
    %dma_start3A_80 = arith.constant 0 : i32
    %dma_start3A_81 = tpu.memref_slice %arg7[%dma_start3A_79, %dma_start3A_80] : memref<40x128xi32, #tpu.memory_space<vmem>> -> memref<1x128xi32, #tpu.memory_space<vmem>>
    %dma_start3A_82 = tpu.memref_squeeze %dma_start3A_81 : memref<1x128xi32, #tpu.memory_space<vmem>> -> memref<128xi32, #tpu.memory_space<vmem>>
    %dma_start3A_83 = arith.constant 0 : i32
    %dma_start3A_84 = arith.constant 0 : i32
    %dma_start3A_85 = tpu.memref_slice %arg2[%dma_start3A_83, %dma_start3A_84] : memref<10112x128xf32, #tpu.memory_space<hbm>> -> memref<10112x128xf32, #tpu.memory_space<hbm>>
    tpu.enqueue_indirect_dma source(%dma_start3A_85 : memref<10112x128xf32, #tpu.memory_space<hbm>>) target(%arg9 : memref<128x128xf32, #tpu.memory_space<vmem>>) offsets(%dma_start3A_82 : memref<128xi32, #tpu.memory_space<vmem>>) semaphore(%arg12 : memref<!tpu.dma_semaphore, #tpu.memory_space<semaphore_mem>>)
    %min3A_86 = arith.constant 1 : i32
    %min3A_87 = arith.constant 39 : i32
    %min3A_88 = arith.minsi %min3A_86, %min3A_87 : i32
    %dma_start3A_89 = arith.constant 0 : i32
    %dma_start3A_90 = tpu.memref_slice %arg7[%min3A_88, %dma_start3A_89] : memref<40x128xi32, #tpu.memory_space<vmem>> -> memref<1x128xi32, #tpu.memory_space<vmem>>
    %dma_start3A_91 = tpu.memref_squeeze %dma_start3A_90 : memref<1x128xi32, #tpu.memory_space<vmem>> -> memref<128xi32, #tpu.memory_space<vmem>>
    %dma_start3A_92 = arith.constant 0 : i32
    %dma_start3A_93 = arith.constant 0 : i32
    %dma_start3A_94 = tpu.memref_slice %arg2[%dma_start3A_92, %dma_start3A_93] : memref<10112x128xf32, #tpu.memory_space<hbm>> -> memref<10112x128xf32, #tpu.memory_space<hbm>>
    tpu.enqueue_indirect_dma source(%dma_start3A_94 : memref<10112x128xf32, #tpu.memory_space<hbm>>) target(%arg10 : memref<128x128xf32, #tpu.memory_space<vmem>>) offsets(%dma_start3A_91 : memref<128xi32, #tpu.memory_space<vmem>>) semaphore(%arg13 : memref<!tpu.dma_semaphore, #tpu.memory_space<semaphore_mem>>)
    %dma_wait3A_95 = arith.constant 0 : i32
    %dma_wait3A_96 = arith.constant 0 : i32
    %dma_wait3A_97 = tpu.memref_slice %arg7[%dma_wait3A_95, %dma_wait3A_96] : memref<40x128xi32, #tpu.memory_space<vmem>> -> memref<1x128xi32, #tpu.memory_space<vmem>>
    %dma_wait3A_98 = tpu.memref_squeeze %dma_wait3A_97 : memref<1x128xi32, #tpu.memory_space<vmem>> -> memref<128xi32, #tpu.memory_space<vmem>>
    %dma_wait3A_99 = arith.constant 0 : i32
    %dma_wait3A_100 = arith.constant 0 : i32
    %dma_wait3A_101 = tpu.memref_slice %arg2[%dma_wait3A_99, %dma_wait3A_100] : memref<10112x128xf32, #tpu.memory_space<hbm>> -> memref<10112x128xf32, #tpu.memory_space<hbm>>
    tpu.wait_indirect_dma semaphore(%arg12 : memref<!tpu.dma_semaphore, #tpu.memory_space<semaphore_mem>>) src(%dma_wait3A_101 : memref<10112x128xf32, #tpu.memory_space<hbm>>) dst(%arg9 : memref<128x128xf32, #tpu.memory_space<vmem>>)
    %dma_start3A_102 = arith.constant 0 : i32
    %dma_start3A_103 = arith.constant 0 : i32
    %dma_start3A_104 = tpu.memref_slice %arg8[%dma_start3A_102, %dma_start3A_103] : memref<40x128xi32, #tpu.memory_space<vmem>> -> memref<1x128xi32, #tpu.memory_space<vmem>>
    %dma_start3A_105 = tpu.memref_squeeze %dma_start3A_104 : memref<1x128xi32, #tpu.memory_space<vmem>> -> memref<128xi32, #tpu.memory_space<vmem>>
    %dma_start3A_106 = arith.constant 0 : i32
    %dma_start3A_107 = arith.constant 0 : i32
    %dma_start3A_108 = tpu.memref_slice %arg11[%dma_start3A_106, %dma_start3A_107] : memref<10112x128xf32, #tpu.memory_space<vmem_shared>> -> memref<10112x128xf32, #tpu.memory_space<vmem_shared>>
    tpu.enqueue_indirect_dma source(%arg9 : memref<128x128xf32, #tpu.memory_space<vmem>>) target(%dma_start3A_108 : memref<10112x128xf32, #tpu.memory_space<vmem_shared>>) offsets(%dma_start3A_105 : memref<128xi32, #tpu.memory_space<vmem>>) semaphore(%arg14 : memref<!tpu.dma_semaphore, #tpu.memory_space<semaphore_mem>>) {add = true}
    %dma_wait3A_109 = arith.constant 0 : i32
    %dma_wait3A_110 = arith.constant 0 : i32
    %dma_wait3A_111 = tpu.memref_slice %arg8[%dma_wait3A_109, %dma_wait3A_110] : memref<40x128xi32, #tpu.memory_space<vmem>> -> memref<1x128xi32, #tpu.memory_space<vmem>>
    %dma_wait3A_112 = tpu.memref_squeeze %dma_wait3A_111 : memref<1x128xi32, #tpu.memory_space<vmem>> -> memref<128xi32, #tpu.memory_space<vmem>>
    %dma_wait3A_113 = arith.constant 0 : i32
    %dma_wait3A_114 = arith.constant 0 : i32
    %dma_wait3A_115 = tpu.memref_slice %arg11[%dma_wait3A_113, %dma_wait3A_114] : memref<10112x128xf32, #tpu.memory_space<vmem_shared>> -> memref<10112x128xf32, #tpu.memory_space<vmem_shared>>
    tpu.wait_indirect_dma semaphore(%arg14 : memref<!tpu.dma_semaphore, #tpu.memory_space<semaphore_mem>>) src(%arg9 : memref<128x128xf32, #tpu.memory_space<vmem>>) dst(%dma_wait3A_115 : memref<10112x128xf32, #tpu.memory_space<vmem_shared>>)
    %min3A_116 = arith.constant 2 : i32
    %min3A_117 = arith.constant 39 : i32
    %min3A_118 = arith.minsi %min3A_116, %min3A_117 : i32
    %dma_start3A_119 = arith.constant 0 : i32
    %dma_start3A_120 = tpu.memref_slice %arg7[%min3A_118, %dma_start3A_119] : memref<40x128xi32, #tpu.memory_space<vmem>> -> memref<1x128xi32, #tpu.memory_space<vmem>>
    %dma_start3A_121 = tpu.memref_squeeze %dma_start3A_120 : memref<1x128xi32, #tpu.memory_space<vmem>> -> memref<128xi32, #tpu.memory_space<vmem>>
    %dma_start3A_122 = arith.constant 0 : i32
    %dma_start3A_123 = arith.constant 0 : i32
    %dma_start3A_124 = tpu.memref_slice %arg2[%dma_start3A_122, %dma_start3A_123] : memref<10112x128xf32, #tpu.memory_space<hbm>> -> memref<10112x128xf32, #tpu.memory_space<hbm>>
    tpu.enqueue_indirect_dma source(%dma_start3A_124 : memref<10112x128xf32, #tpu.memory_space<hbm>>) target(%arg9 : memref<128x128xf32, #tpu.memory_space<vmem>>) offsets(%dma_start3A_121 : memref<128xi32, #tpu.memory_space<vmem>>) semaphore(%arg12 : memref<!tpu.dma_semaphore, #tpu.memory_space<semaphore_mem>>)
    %dma_wait3A_125 = arith.constant 1 : i32
    %dma_wait3A_126 = arith.constant 0 : i32
    %dma_wait3A_127 = tpu.memref_slice %arg7[%dma_wait3A_125, %dma_wait3A_126] : memref<40x128xi32, #tpu.memory_space<vmem>> -> memref<1x128xi32, #tpu.memory_space<vmem>>
    %dma_wait3A_128 = tpu.memref_squeeze %dma_wait3A_127 : memref<1x128xi32, #tpu.memory_space<vmem>> -> memref<128xi32, #tpu.memory_space<vmem>>
    %dma_wait3A_129 = arith.constant 0 : i32
    %dma_wait3A_130 = arith.constant 0 : i32
    %dma_wait3A_131 = tpu.memref_slice %arg2[%dma_wait3A_129, %dma_wait3A_130] : memref<10112x128xf32, #tpu.memory_space<hbm>> -> memref<10112x128xf32, #tpu.memory_space<hbm>>
    tpu.wait_indirect_dma semaphore(%arg13 : memref<!tpu.dma_semaphore, #tpu.memory_space<semaphore_mem>>) src(%dma_wait3A_131 : memref<10112x128xf32, #tpu.memory_space<hbm>>) dst(%arg10 : memref<128x128xf32, #tpu.memory_space<vmem>>)
    %dma_start3A_132 = arith.constant 1 : i32
    %dma_start3A_133 = arith.constant 0 : i32
    %dma_start3A_134 = tpu.memref_slice %arg8[%dma_start3A_132, %dma_start3A_133] : memref<40x128xi32, #tpu.memory_space<vmem>> -> memref<1x128xi32, #tpu.memory_space<vmem>>
    %dma_start3A_135 = tpu.memref_squeeze %dma_start3A_134 : memref<1x128xi32, #tpu.memory_space<vmem>> -> memref<128xi32, #tpu.memory_space<vmem>>
    %dma_start3A_136 = arith.constant 0 : i32
    %dma_start3A_137 = arith.constant 0 : i32
    %dma_start3A_138 = tpu.memref_slice %arg11[%dma_start3A_136, %dma_start3A_137] : memref<10112x128xf32, #tpu.memory_space<vmem_shared>> -> memref<10112x128xf32, #tpu.memory_space<vmem_shared>>
    tpu.enqueue_indirect_dma source(%arg10 : memref<128x128xf32, #tpu.memory_space<vmem>>) target(%dma_start3A_138 : memref<10112x128xf32, #tpu.memory_space<vmem_shared>>) offsets(%dma_start3A_135 : memref<128xi32, #tpu.memory_space<vmem>>) semaphore(%arg15 : memref<!tpu.dma_semaphore, #tpu.memory_space<semaphore_mem>>) {add = true}
    %scan3A_139 = arith.constant 0 : i32
    %scan3A_140 = arith.constant 0 : i32
    %scan3A_141 = arith.constant 19 : i32
    %scan3A_142 = arith.addi %scan3A_140, %scan3A_141 : i32
    %scan3A_143 = arith.constant 1 : i32
    scf.for %scan3A_160 = %scan3A_140 to %scan3A_142 step %scan3A_143  : i32 {
      %mul3A_161 = arith.constant 2 : i32
      %mul3A_162 = arith.muli %mul3A_161, %scan3A_160 : i32
      %add3A_163 = arith.constant 2 : i32
      %add3A_164 = arith.addi %mul3A_162, %add3A_163 : i32
      %sub3A = arith.constant 1 : i32
      %sub3A_165 = arith.subi %add3A_164, %sub3A : i32
      %dma_wait3A_166 = arith.constant 0 : i32
      %dma_wait3A_167 = tpu.memref_slice %arg8[%sub3A_165, %dma_wait3A_166] : memref<40x128xi32, #tpu.memory_space<vmem>> -> memref<1x128xi32, #tpu.memory_space<vmem>>
      %dma_wait3A_168 = tpu.memref_squeeze %dma_wait3A_167 : memref<1x128xi32, #tpu.memory_space<vmem>> -> memref<128xi32, #tpu.memory_space<vmem>>
      %dma_wait3A_169 = arith.constant 0 : i32
      %dma_wait3A_170 = arith.constant 0 : i32
      %dma_wait3A_171 = tpu.memref_slice %arg11[%dma_wait3A_169, %dma_wait3A_170] : memref<10112x128xf32, #tpu.memory_space<vmem_shared>> -> memref<10112x128xf32, #tpu.memory_space<vmem_shared>>
      tpu.wait_indirect_dma semaphore(%arg15 : memref<!tpu.dma_semaphore, #tpu.memory_space<semaphore_mem>>) src(%arg10 : memref<128x128xf32, #tpu.memory_space<vmem>>) dst(%dma_wait3A_171 : memref<10112x128xf32, #tpu.memory_space<vmem_shared>>)
      %add3A_172 = arith.constant 1 : i32
      %add3A_173 = arith.addi %add3A_164, %add3A_172 : i32
      %min3A_174 = arith.constant 39 : i32
      %min3A_175 = arith.minsi %add3A_173, %min3A_174 : i32
      %dma_start3A_176 = arith.constant 0 : i32
      %dma_start3A_177 = tpu.memref_slice %arg7[%min3A_175, %dma_start3A_176] : memref<40x128xi32, #tpu.memory_space<vmem>> -> memref<1x128xi32, #tpu.memory_space<vmem>>
      %dma_start3A_178 = tpu.memref_squeeze %dma_start3A_177 : memref<1x128xi32, #tpu.memory_space<vmem>> -> memref<128xi32, #tpu.memory_space<vmem>>
      %dma_start3A_179 = arith.constant 0 : i32
      %dma_start3A_180 = arith.constant 0 : i32
      %dma_start3A_181 = tpu.memref_slice %arg2[%dma_start3A_179, %dma_start3A_180] : memref<10112x128xf32, #tpu.memory_space<hbm>> -> memref<10112x128xf32, #tpu.memory_space<hbm>>
      tpu.enqueue_indirect_dma source(%dma_start3A_181 : memref<10112x128xf32, #tpu.memory_space<hbm>>) target(%arg10 : memref<128x128xf32, #tpu.memory_space<vmem>>) offsets(%dma_start3A_178 : memref<128xi32, #tpu.memory_space<vmem>>) semaphore(%arg13 : memref<!tpu.dma_semaphore, #tpu.memory_space<semaphore_mem>>)
      %dma_wait3A_182 = arith.constant 0 : i32
      %dma_wait3A_183 = tpu.memref_slice %arg7[%add3A_164, %dma_wait3A_182] : memref<40x128xi32, #tpu.memory_space<vmem>> -> memref<1x128xi32, #tpu.memory_space<vmem>>
      %dma_wait3A_184 = tpu.memref_squeeze %dma_wait3A_183 : memref<1x128xi32, #tpu.memory_space<vmem>> -> memref<128xi32, #tpu.memory_space<vmem>>
      %dma_wait3A_185 = arith.constant 0 : i32
      %dma_wait3A_186 = arith.constant 0 : i32
      %dma_wait3A_187 = tpu.memref_slice %arg2[%dma_wait3A_185, %dma_wait3A_186] : memref<10112x128xf32, #tpu.memory_space<hbm>> -> memref<10112x128xf32, #tpu.memory_space<hbm>>
      tpu.wait_indirect_dma semaphore(%arg12 : memref<!tpu.dma_semaphore, #tpu.memory_space<semaphore_mem>>) src(%dma_wait3A_187 : memref<10112x128xf32, #tpu.memory_space<hbm>>) dst(%arg9 : memref<128x128xf32, #tpu.memory_space<vmem>>)
      %dma_start3A_188 = arith.constant 0 : i32
      %dma_start3A_189 = tpu.memref_slice %arg8[%add3A_164, %dma_start3A_188] : memref<40x128xi32, #tpu.memory_space<vmem>> -> memref<1x128xi32, #tpu.memory_space<vmem>>
      %dma_start3A_190 = tpu.memref_squeeze %dma_start3A_189 : memref<1x128xi32, #tpu.memory_space<vmem>> -> memref<128xi32, #tpu.memory_space<vmem>>
      %dma_start3A_191 = arith.constant 0 : i32
      %dma_start3A_192 = arith.constant 0 : i32
      %dma_start3A_193 = tpu.memref_slice %arg11[%dma_start3A_191, %dma_start3A_192] : memref<10112x128xf32, #tpu.memory_space<vmem_shared>> -> memref<10112x128xf32, #tpu.memory_space<vmem_shared>>
      tpu.enqueue_indirect_dma source(%arg9 : memref<128x128xf32, #tpu.memory_space<vmem>>) target(%dma_start3A_193 : memref<10112x128xf32, #tpu.memory_space<vmem_shared>>) offsets(%dma_start3A_190 : memref<128xi32, #tpu.memory_space<vmem>>) semaphore(%arg14 : memref<!tpu.dma_semaphore, #tpu.memory_space<semaphore_mem>>) {add = true}
      %add3A_194 = arith.constant 1 : i32
      %add3A_195 = arith.addi %add3A_164, %add3A_194 : i32
      %sub3A_196 = arith.constant 1 : i32
      %sub3A_197 = arith.subi %add3A_195, %sub3A_196 : i32
      %dma_wait3A_198 = arith.constant 0 : i32
      %dma_wait3A_199 = tpu.memref_slice %arg8[%sub3A_197, %dma_wait3A_198] : memref<40x128xi32, #tpu.memory_space<vmem>> -> memref<1x128xi32, #tpu.memory_space<vmem>>
      %dma_wait3A_200 = tpu.memref_squeeze %dma_wait3A_199 : memref<1x128xi32, #tpu.memory_space<vmem>> -> memref<128xi32, #tpu.memory_space<vmem>>
      %dma_wait3A_201 = arith.constant 0 : i32
      %dma_wait3A_202 = arith.constant 0 : i32
      %dma_wait3A_203 = tpu.memref_slice %arg11[%dma_wait3A_201, %dma_wait3A_202] : memref<10112x128xf32, #tpu.memory_space<vmem_shared>> -> memref<10112x128xf32, #tpu.memory_space<vmem_shared>>
      tpu.wait_indirect_dma semaphore(%arg14 : memref<!tpu.dma_semaphore, #tpu.memory_space<semaphore_mem>>) src(%arg9 : memref<128x128xf32, #tpu.memory_space<vmem>>) dst(%dma_wait3A_203 : memref<10112x128xf32, #tpu.memory_space<vmem_shared>>)
      %add3A_204 = arith.constant 1 : i32
      %add3A_205 = arith.addi %add3A_195, %add3A_204 : i32
      %min3A_206 = arith.constant 39 : i32
      %min3A_207 = arith.minsi %add3A_205, %min3A_206 : i32
      %dma_start3A_208 = arith.constant 0 : i32
      %dma_start3A_209 = tpu.memref_slice %arg7[%min3A_207, %dma_start3A_208] : memref<40x128xi32, #tpu.memory_space<vmem>> -> memref<1x128xi32, #tpu.memory_space<vmem>>
      %dma_start3A_210 = tpu.memref_squeeze %dma_start3A_209 : memref<1x128xi32, #tpu.memory_space<vmem>> -> memref<128xi32, #tpu.memory_space<vmem>>
      %dma_start3A_211 = arith.constant 0 : i32
      %dma_start3A_212 = arith.constant 0 : i32
      %dma_start3A_213 = tpu.memref_slice %arg2[%dma_start3A_211, %dma_start3A_212] : memref<10112x128xf32, #tpu.memory_space<hbm>> -> memref<10112x128xf32, #tpu.memory_space<hbm>>
      tpu.enqueue_indirect_dma source(%dma_start3A_213 : memref<10112x128xf32, #tpu.memory_space<hbm>>) target(%arg9 : memref<128x128xf32, #tpu.memory_space<vmem>>) offsets(%dma_start3A_210 : memref<128xi32, #tpu.memory_space<vmem>>) semaphore(%arg12 : memref<!tpu.dma_semaphore, #tpu.memory_space<semaphore_mem>>)
      %dma_wait3A_214 = arith.constant 0 : i32
      %dma_wait3A_215 = tpu.memref_slice %arg7[%add3A_195, %dma_wait3A_214] : memref<40x128xi32, #tpu.memory_space<vmem>> -> memref<1x128xi32, #tpu.memory_space<vmem>>
      %dma_wait3A_216 = tpu.memref_squeeze %dma_wait3A_215 : memref<1x128xi32, #tpu.memory_space<vmem>> -> memref<128xi32, #tpu.memory_space<vmem>>
      %dma_wait3A_217 = arith.constant 0 : i32
      %dma_wait3A_218 = arith.constant 0 : i32
      %dma_wait3A_219 = tpu.memref_slice %arg2[%dma_wait3A_217, %dma_wait3A_218] : memref<10112x128xf32, #tpu.memory_space<hbm>> -> memref<10112x128xf32, #tpu.memory_space<hbm>>
      tpu.wait_indirect_dma semaphore(%arg13 : memref<!tpu.dma_semaphore, #tpu.memory_space<semaphore_mem>>) src(%dma_wait3A_219 : memref<10112x128xf32, #tpu.memory_space<hbm>>) dst(%arg10 : memref<128x128xf32, #tpu.memory_space<vmem>>)
      %dma_start3A_220 = arith.constant 0 : i32
      %dma_start3A_221 = tpu.memref_slice %arg8[%add3A_195, %dma_start3A_220] : memref<40x128xi32, #tpu.memory_space<vmem>> -> memref<1x128xi32, #tpu.memory_space<vmem>>
      %dma_start3A_222 = tpu.memref_squeeze %dma_start3A_221 : memref<1x128xi32, #tpu.memory_space<vmem>> -> memref<128xi32, #tpu.memory_space<vmem>>
      %dma_start3A_223 = arith.constant 0 : i32
      %dma_start3A_224 = arith.constant 0 : i32
      %dma_start3A_225 = tpu.memref_slice %arg11[%dma_start3A_223, %dma_start3A_224] : memref<10112x128xf32, #tpu.memory_space<vmem_shared>> -> memref<10112x128xf32, #tpu.memory_space<vmem_shared>>
      tpu.enqueue_indirect_dma source(%arg10 : memref<128x128xf32, #tpu.memory_space<vmem>>) target(%dma_start3A_225 : memref<10112x128xf32, #tpu.memory_space<vmem_shared>>) offsets(%dma_start3A_222 : memref<128xi32, #tpu.memory_space<vmem>>) semaphore(%arg15 : memref<!tpu.dma_semaphore, #tpu.memory_space<semaphore_mem>>) {add = true}
    }
    %scan3A_144 = arith.constant 19 : i32
    %dma_wait3A_145 = arith.constant 39 : i32
    %dma_wait3A_146 = arith.constant 0 : i32
    %dma_wait3A_147 = tpu.memref_slice %arg8[%dma_wait3A_145, %dma_wait3A_146] : memref<40x128xi32, #tpu.memory_space<vmem>> -> memref<1x128xi32, #tpu.memory_space<vmem>>
    %dma_wait3A_148 = tpu.memref_squeeze %dma_wait3A_147 : memref<1x128xi32, #tpu.memory_space<vmem>> -> memref<128xi32, #tpu.memory_space<vmem>>
    %dma_wait3A_149 = arith.constant 0 : i32
    %dma_wait3A_150 = arith.constant 0 : i32
    %dma_wait3A_151 = tpu.memref_slice %arg11[%dma_wait3A_149, %dma_wait3A_150] : memref<10112x128xf32, #tpu.memory_space<vmem_shared>> -> memref<10112x128xf32, #tpu.memory_space<vmem_shared>>
    tpu.wait_indirect_dma semaphore(%arg15 : memref<!tpu.dma_semaphore, #tpu.memory_space<semaphore_mem>>) src(%arg10 : memref<128x128xf32, #tpu.memory_space<vmem>>) dst(%dma_wait3A_151 : memref<10112x128xf32, #tpu.memory_space<vmem_shared>>)
    %dma_wait3A_152 = arith.constant 39 : i32
    %dma_wait3A_153 = arith.constant 0 : i32
    %dma_wait3A_154 = tpu.memref_slice %arg7[%dma_wait3A_152, %dma_wait3A_153] : memref<40x128xi32, #tpu.memory_space<vmem>> -> memref<1x128xi32, #tpu.memory_space<vmem>>
    %dma_wait3A_155 = tpu.memref_squeeze %dma_wait3A_154 : memref<1x128xi32, #tpu.memory_space<vmem>> -> memref<128xi32, #tpu.memory_space<vmem>>
    %dma_wait3A_156 = arith.constant 0 : i32
    %dma_wait3A_157 = arith.constant 0 : i32
    %dma_wait3A_158 = tpu.memref_slice %arg2[%dma_wait3A_156, %dma_wait3A_157] : memref<10112x128xf32, #tpu.memory_space<hbm>> -> memref<10112x128xf32, #tpu.memory_space<hbm>>
    tpu.wait_indirect_dma semaphore(%arg12 : memref<!tpu.dma_semaphore, #tpu.memory_space<semaphore_mem>>) src(%dma_wait3A_158 : memref<10112x128xf32, #tpu.memory_space<hbm>>) dst(%arg9 : memref<128x128xf32, #tpu.memory_space<vmem>>)
    %barrier3A_159 = arith.constant 0 : index
    tpu.barrier barrier_id(%barrier3A_159)
    "tpu.region"() ({
      %run_scoped3A = tpu.sem_alloc : memref<!tpu.dma_semaphore, #tpu.memory_space<semaphore_mem>>
      %dma_start3A_160 = arith.constant 0 : i32
      %dma_start3A_161 = tpu.memref_slice %arg6[%arg0, %mul3A_2, %dma_start3A_160] : memref<2x10112x128xf32, #tpu.memory_space<hbm>> -> memref<1x632x128xf32, #tpu.memory_space<hbm>>
      %dma_start3A_162 = tpu.memref_squeeze %dma_start3A_161 : memref<1x632x128xf32, #tpu.memory_space<hbm>> -> memref<632x128xf32, #tpu.memory_space<hbm>>
      %dma_start3A_163 = arith.constant 0 : i32
      %dma_start3A_164 = tpu.memref_slice %arg11[%mul3A_2, %dma_start3A_163] : memref<10112x128xf32, #tpu.memory_space<vmem_shared>> -> memref<632x128xf32, #tpu.memory_space<vmem_shared>>
      tpu.enqueue_dma source(%dma_start3A_164 : memref<632x128xf32, #tpu.memory_space<vmem_shared>>) target(%dma_start3A_162 : memref<632x128xf32, #tpu.memory_space<hbm>>) target_semaphore(%run_scoped3A : memref<!tpu.dma_semaphore, #tpu.memory_space<semaphore_mem>>)
      %dma_wait3A_165 = arith.constant 0 : i32
      %dma_wait3A_166 = tpu.memref_slice %arg6[%arg0, %mul3A_2, %dma_wait3A_165] : memref<2x10112x128xf32, #tpu.memory_space<hbm>> -> memref<1x632x128xf32, #tpu.memory_space<hbm>>
      %dma_wait3A_167 = tpu.memref_squeeze %dma_wait3A_166 : memref<1x632x128xf32, #tpu.memory_space<hbm>> -> memref<632x128xf32, #tpu.memory_space<hbm>>
      %dma_wait3A_168 = arith.constant 0 : i32
      %dma_wait3A_169 = tpu.memref_slice %arg11[%mul3A_2, %dma_wait3A_168] : memref<10112x128xf32, #tpu.memory_space<vmem_shared>> -> memref<632x128xf32, #tpu.memory_space<vmem_shared>>
      tpu.wait_dma2 semaphore(%run_scoped3A : memref<!tpu.dma_semaphore, #tpu.memory_space<semaphore_mem>>) src(%dma_wait3A_169 : memref<632x128xf32, #tpu.memory_space<vmem_shared>>) dst(%dma_wait3A_167 : memref<632x128xf32, #tpu.memory_space<hbm>>)
      tpu.yield
    }) : () -> ()
    return
  }
}

#map = affine_map<(d0, d1) -> (0, 0, 0)>
#map1 = affine_map<(d0, d1) -> (0, 0)>
module attributes {stable_mosaic.version = 14 : i64} {
  func.func @_sc_cnt_body(%arg0: i32, %arg1: i32, %arg2: memref<32x80x128xi32, #tpu.memory_space<hbm>>, %arg3: memref<632x128xf32, #tpu.memory_space<hbm>>, %arg4: memref<128x128xf32, #tpu.memory_space<hbm>>, %arg5: memref<2x10112x128xf32, #tpu.memory_space<hbm>>, %arg6: memref<80x128xi32, #tpu.memory_space<vmem>>, %arg7: memref<128x128xf32, #tpu.memory_space<vmem>>, %arg8: memref<10112x128xf32, #tpu.memory_space<vmem_shared>>, %arg9: memref<!tpu.dma_semaphore, #tpu.memory_space<semaphore_mem>>) attributes {dimension_semantics = [#tpu.dimension_semantics<core_parallel>, #tpu.dimension_semantics<subcore_parallel>], iteration_bounds = array<i64: 2, 16>, scalar_prefetch = 0 : i64, scratch_operands = 4 : i64, tpu.core_type = #tpu.core_type<sc_vector_subcore>, window_params = [{transform_indices = #map}, {transform_indices = #map1}, {transform_indices = #map1}, {transform_indices = #map}]} {
    %mul3A = arith.constant 16 : i32
    %mul3A_0 = arith.muli %arg0, %mul3A : i32
    %add3A = arith.addi %mul3A_0, %arg1 : i32
    %mul3A_1 = arith.constant 632 : i32
    %mul3A_2 = arith.muli %arg1, %mul3A_1 : i32
    "tpu.region"() ({
      %run_scoped3A = tpu.sem_alloc : memref<!tpu.dma_semaphore, #tpu.memory_space<semaphore_mem>>
      %dma_start3A_63 = arith.constant 0 : i32
      %dma_start3A_64 = tpu.memref_slice %arg8[%mul3A_2, %dma_start3A_63] : memref<10112x128xf32, #tpu.memory_space<vmem_shared>> -> memref<632x128xf32, #tpu.memory_space<vmem_shared>>
      tpu.enqueue_dma source(%arg3 : memref<632x128xf32, #tpu.memory_space<hbm>>) target(%dma_start3A_64 : memref<632x128xf32, #tpu.memory_space<vmem_shared>>) target_semaphore(%run_scoped3A : memref<!tpu.dma_semaphore, #tpu.memory_space<semaphore_mem>>)
      %dma_wait3A_65 = arith.constant 0 : i32
      %dma_wait3A_66 = tpu.memref_slice %arg8[%mul3A_2, %dma_wait3A_65] : memref<10112x128xf32, #tpu.memory_space<vmem_shared>> -> memref<632x128xf32, #tpu.memory_space<vmem_shared>>
      tpu.wait_dma2 semaphore(%run_scoped3A : memref<!tpu.dma_semaphore, #tpu.memory_space<semaphore_mem>>) src(%arg3 : memref<632x128xf32, #tpu.memory_space<hbm>>) dst(%dma_wait3A_66 : memref<632x128xf32, #tpu.memory_space<vmem_shared>>)
      tpu.yield
    }) : () -> ()
    "tpu.region"() ({
      %run_scoped3A = tpu.sem_alloc : memref<!tpu.dma_semaphore, #tpu.memory_space<semaphore_mem>>
      tpu.enqueue_dma source(%arg4 : memref<128x128xf32, #tpu.memory_space<hbm>>) target(%arg7 : memref<128x128xf32, #tpu.memory_space<vmem>>) target_semaphore(%run_scoped3A : memref<!tpu.dma_semaphore, #tpu.memory_space<semaphore_mem>>)
      tpu.wait_dma2 semaphore(%run_scoped3A : memref<!tpu.dma_semaphore, #tpu.memory_space<semaphore_mem>>) src(%arg4 : memref<128x128xf32, #tpu.memory_space<hbm>>) dst(%arg7 : memref<128x128xf32, #tpu.memory_space<vmem>>)
      tpu.yield
    }) : () -> ()
    "tpu.region"() ({
      %run_scoped3A = tpu.sem_alloc : memref<!tpu.dma_semaphore, #tpu.memory_space<semaphore_mem>>
      %dma_start3A_63 = arith.constant 0 : i32
      %dma_start3A_64 = arith.constant 0 : i32
      %dma_start3A_65 = tpu.memref_slice %arg2[%add3A, %dma_start3A_63, %dma_start3A_64] : memref<32x80x128xi32, #tpu.memory_space<hbm>> -> memref<1x80x128xi32, #tpu.memory_space<hbm>>
      %dma_start3A_66 = tpu.memref_squeeze %dma_start3A_65 : memref<1x80x128xi32, #tpu.memory_space<hbm>> -> memref<80x128xi32, #tpu.memory_space<hbm>>
      %dma_start3A_67 = arith.constant 0 : i32
      %dma_start3A_68 = arith.constant 0 : i32
      %dma_start3A_69 = tpu.memref_slice %arg2[%add3A, %dma_start3A_67, %dma_start3A_68] : memref<32x80x128xi32, #tpu.memory_space<hbm>> -> memref<1x80x128xi32, #tpu.memory_space<hbm>>
      %dma_start3A_70 = tpu.memref_squeeze %dma_start3A_69 : memref<1x80x128xi32, #tpu.memory_space<hbm>> -> memref<80x128xi32, #tpu.memory_space<hbm>>
      tpu.enqueue_dma source(%dma_start3A_70 : memref<80x128xi32, #tpu.memory_space<hbm>>) target(%arg6 : memref<80x128xi32, #tpu.memory_space<vmem>>) target_semaphore(%run_scoped3A : memref<!tpu.dma_semaphore, #tpu.memory_space<semaphore_mem>>)
      %dma_wait3A_71 = arith.constant 0 : i32
      %dma_wait3A_72 = arith.constant 0 : i32
      %dma_wait3A_73 = tpu.memref_slice %arg2[%add3A, %dma_wait3A_71, %dma_wait3A_72] : memref<32x80x128xi32, #tpu.memory_space<hbm>> -> memref<1x80x128xi32, #tpu.memory_space<hbm>>
      %dma_wait3A_74 = tpu.memref_squeeze %dma_wait3A_73 : memref<1x80x128xi32, #tpu.memory_space<hbm>> -> memref<80x128xi32, #tpu.memory_space<hbm>>
      %dma_wait3A_75 = arith.constant 0 : i32
      %dma_wait3A_76 = arith.constant 0 : i32
      %dma_wait3A_77 = tpu.memref_slice %arg2[%add3A, %dma_wait3A_75, %dma_wait3A_76] : memref<32x80x128xi32, #tpu.memory_space<hbm>> -> memref<1x80x128xi32, #tpu.memory_space<hbm>>
      %dma_wait3A_78 = tpu.memref_squeeze %dma_wait3A_77 : memref<1x80x128xi32, #tpu.memory_space<hbm>> -> memref<80x128xi32, #tpu.memory_space<hbm>>
      tpu.wait_dma2 semaphore(%run_scoped3A : memref<!tpu.dma_semaphore, #tpu.memory_space<semaphore_mem>>) src(%dma_wait3A_78 : memref<80x128xi32, #tpu.memory_space<hbm>>) dst(%arg6 : memref<80x128xi32, #tpu.memory_space<vmem>>)
      tpu.yield
    }) : () -> ()
    %barrier3A = arith.constant 0 : index
    tpu.barrier barrier_id(%barrier3A)
    %dma_start3A = arith.constant 0 : i32
    %dma_start3A_3 = arith.constant 0 : i32
    %dma_start3A_4 = tpu.memref_slice %arg6[%dma_start3A, %dma_start3A_3] : memref<80x128xi32, #tpu.memory_space<vmem>> -> memref<1x128xi32, #tpu.memory_space<vmem>>
    %dma_start3A_5 = tpu.memref_squeeze %dma_start3A_4 : memref<1x128xi32, #tpu.memory_space<vmem>> -> memref<128xi32, #tpu.memory_space<vmem>>
    %dma_start3A_6 = arith.constant 0 : i32
    %dma_start3A_7 = arith.constant 0 : i32
    %dma_start3A_8 = tpu.memref_slice %arg8[%dma_start3A_6, %dma_start3A_7] : memref<10112x128xf32, #tpu.memory_space<vmem_shared>> -> memref<10112x128xf32, #tpu.memory_space<vmem_shared>>
    tpu.enqueue_indirect_dma source(%arg7 : memref<128x128xf32, #tpu.memory_space<vmem>>) target(%dma_start3A_8 : memref<10112x128xf32, #tpu.memory_space<vmem_shared>>) offsets(%dma_start3A_5 : memref<128xi32, #tpu.memory_space<vmem>>) semaphore(%arg9 : memref<!tpu.dma_semaphore, #tpu.memory_space<semaphore_mem>>) {add = true}
    %dma_start3A_9 = arith.constant 1 : i32
    %dma_start3A_10 = arith.constant 0 : i32
    %dma_start3A_11 = tpu.memref_slice %arg6[%dma_start3A_9, %dma_start3A_10] : memref<80x128xi32, #tpu.memory_space<vmem>> -> memref<1x128xi32, #tpu.memory_space<vmem>>
    %dma_start3A_12 = tpu.memref_squeeze %dma_start3A_11 : memref<1x128xi32, #tpu.memory_space<vmem>> -> memref<128xi32, #tpu.memory_space<vmem>>
    %dma_start3A_13 = arith.constant 0 : i32
    %dma_start3A_14 = arith.constant 0 : i32
    %dma_start3A_15 = tpu.memref_slice %arg8[%dma_start3A_13, %dma_start3A_14] : memref<10112x128xf32, #tpu.memory_space<vmem_shared>> -> memref<10112x128xf32, #tpu.memory_space<vmem_shared>>
    tpu.enqueue_indirect_dma source(%arg7 : memref<128x128xf32, #tpu.memory_space<vmem>>) target(%dma_start3A_15 : memref<10112x128xf32, #tpu.memory_space<vmem_shared>>) offsets(%dma_start3A_12 : memref<128xi32, #tpu.memory_space<vmem>>) semaphore(%arg9 : memref<!tpu.dma_semaphore, #tpu.memory_space<semaphore_mem>>) {add = true}
    %dma_start3A_16 = arith.constant 2 : i32
    %dma_start3A_17 = arith.constant 0 : i32
    %dma_start3A_18 = tpu.memref_slice %arg6[%dma_start3A_16, %dma_start3A_17] : memref<80x128xi32, #tpu.memory_space<vmem>> -> memref<1x128xi32, #tpu.memory_space<vmem>>
    %dma_start3A_19 = tpu.memref_squeeze %dma_start3A_18 : memref<1x128xi32, #tpu.memory_space<vmem>> -> memref<128xi32, #tpu.memory_space<vmem>>
    %dma_start3A_20 = arith.constant 0 : i32
    %dma_start3A_21 = arith.constant 0 : i32
    %dma_start3A_22 = tpu.memref_slice %arg8[%dma_start3A_20, %dma_start3A_21] : memref<10112x128xf32, #tpu.memory_space<vmem_shared>> -> memref<10112x128xf32, #tpu.memory_space<vmem_shared>>
    tpu.enqueue_indirect_dma source(%arg7 : memref<128x128xf32, #tpu.memory_space<vmem>>) target(%dma_start3A_22 : memref<10112x128xf32, #tpu.memory_space<vmem_shared>>) offsets(%dma_start3A_19 : memref<128xi32, #tpu.memory_space<vmem>>) semaphore(%arg9 : memref<!tpu.dma_semaphore, #tpu.memory_space<semaphore_mem>>) {add = true}
    %dma_start3A_23 = arith.constant 3 : i32
    %dma_start3A_24 = arith.constant 0 : i32
    %dma_start3A_25 = tpu.memref_slice %arg6[%dma_start3A_23, %dma_start3A_24] : memref<80x128xi32, #tpu.memory_space<vmem>> -> memref<1x128xi32, #tpu.memory_space<vmem>>
    %dma_start3A_26 = tpu.memref_squeeze %dma_start3A_25 : memref<1x128xi32, #tpu.memory_space<vmem>> -> memref<128xi32, #tpu.memory_space<vmem>>
    %dma_start3A_27 = arith.constant 0 : i32
    %dma_start3A_28 = arith.constant 0 : i32
    %dma_start3A_29 = tpu.memref_slice %arg8[%dma_start3A_27, %dma_start3A_28] : memref<10112x128xf32, #tpu.memory_space<vmem_shared>> -> memref<10112x128xf32, #tpu.memory_space<vmem_shared>>
    tpu.enqueue_indirect_dma source(%arg7 : memref<128x128xf32, #tpu.memory_space<vmem>>) target(%dma_start3A_29 : memref<10112x128xf32, #tpu.memory_space<vmem_shared>>) offsets(%dma_start3A_26 : memref<128xi32, #tpu.memory_space<vmem>>) semaphore(%arg9 : memref<!tpu.dma_semaphore, #tpu.memory_space<semaphore_mem>>) {add = true}
    %scan3A = arith.constant 0 : i32
    %scan3A_30 = arith.constant 4 : i32
    %scan3A_31 = arith.constant 76 : i32
    %scan3A_32 = arith.addi %scan3A_30, %scan3A_31 : i32
    %scan3A_33 = arith.constant 1 : i32
    scf.for %scan3A_63 = %scan3A_30 to %scan3A_32 step %scan3A_33  : i32 {
      %sub3A = arith.constant 4 : i32
      %sub3A_64 = arith.subi %scan3A_63, %sub3A : i32
      %dma_wait3A_65 = arith.constant 0 : i32
      %dma_wait3A_66 = tpu.memref_slice %arg6[%sub3A_64, %dma_wait3A_65] : memref<80x128xi32, #tpu.memory_space<vmem>> -> memref<1x128xi32, #tpu.memory_space<vmem>>
      %dma_wait3A_67 = tpu.memref_squeeze %dma_wait3A_66 : memref<1x128xi32, #tpu.memory_space<vmem>> -> memref<128xi32, #tpu.memory_space<vmem>>
      %dma_wait3A_68 = arith.constant 0 : i32
      %dma_wait3A_69 = arith.constant 0 : i32
      %dma_wait3A_70 = tpu.memref_slice %arg8[%dma_wait3A_68, %dma_wait3A_69] : memref<10112x128xf32, #tpu.memory_space<vmem_shared>> -> memref<10112x128xf32, #tpu.memory_space<vmem_shared>>
      tpu.wait_indirect_dma semaphore(%arg9 : memref<!tpu.dma_semaphore, #tpu.memory_space<semaphore_mem>>) src(%arg7 : memref<128x128xf32, #tpu.memory_space<vmem>>) dst(%dma_wait3A_70 : memref<10112x128xf32, #tpu.memory_space<vmem_shared>>)
      %dma_start3A_71 = arith.constant 0 : i32
      %dma_start3A_72 = tpu.memref_slice %arg6[%scan3A_63, %dma_start3A_71] : memref<80x128xi32, #tpu.memory_space<vmem>> -> memref<1x128xi32, #tpu.memory_space<vmem>>
      %dma_start3A_73 = tpu.memref_squeeze %dma_start3A_72 : memref<1x128xi32, #tpu.memory_space<vmem>> -> memref<128xi32, #tpu.memory_space<vmem>>
      %dma_start3A_74 = arith.constant 0 : i32
      %dma_start3A_75 = arith.constant 0 : i32
      %dma_start3A_76 = tpu.memref_slice %arg8[%dma_start3A_74, %dma_start3A_75] : memref<10112x128xf32, #tpu.memory_space<vmem_shared>> -> memref<10112x128xf32, #tpu.memory_space<vmem_shared>>
      tpu.enqueue_indirect_dma source(%arg7 : memref<128x128xf32, #tpu.memory_space<vmem>>) target(%dma_start3A_76 : memref<10112x128xf32, #tpu.memory_space<vmem_shared>>) offsets(%dma_start3A_73 : memref<128xi32, #tpu.memory_space<vmem>>) semaphore(%arg9 : memref<!tpu.dma_semaphore, #tpu.memory_space<semaphore_mem>>) {add = true}
    }
    %scan3A_34 = arith.constant 76 : i32
    %dma_wait3A = arith.constant 76 : i32
    %dma_wait3A_35 = arith.constant 0 : i32
    %dma_wait3A_36 = tpu.memref_slice %arg6[%dma_wait3A, %dma_wait3A_35] : memref<80x128xi32, #tpu.memory_space<vmem>> -> memref<1x128xi32, #tpu.memory_space<vmem>>
    %dma_wait3A_37 = tpu.memref_squeeze %dma_wait3A_36 : memref<1x128xi32, #tpu.memory_space<vmem>> -> memref<128xi32, #tpu.memory_space<vmem>>
    %dma_wait3A_38 = arith.constant 0 : i32
    %dma_wait3A_39 = arith.constant 0 : i32
    %dma_wait3A_40 = tpu.memref_slice %arg8[%dma_wait3A_38, %dma_wait3A_39] : memref<10112x128xf32, #tpu.memory_space<vmem_shared>> -> memref<10112x128xf32, #tpu.memory_space<vmem_shared>>
    tpu.wait_indirect_dma semaphore(%arg9 : memref<!tpu.dma_semaphore, #tpu.memory_space<semaphore_mem>>) src(%arg7 : memref<128x128xf32, #tpu.memory_space<vmem>>) dst(%dma_wait3A_40 : memref<10112x128xf32, #tpu.memory_space<vmem_shared>>)
    %dma_wait3A_41 = arith.constant 77 : i32
    %dma_wait3A_42 = arith.constant 0 : i32
    %dma_wait3A_43 = tpu.memref_slice %arg6[%dma_wait3A_41, %dma_wait3A_42] : memref<80x128xi32, #tpu.memory_space<vmem>> -> memref<1x128xi32, #tpu.memory_space<vmem>>
    %dma_wait3A_44 = tpu.memref_squeeze %dma_wait3A_43 : memref<1x128xi32, #tpu.memory_space<vmem>> -> memref<128xi32, #tpu.memory_space<vmem>>
    %dma_wait3A_45 = arith.constant 0 : i32
    %dma_wait3A_46 = arith.constant 0 : i32
    %dma_wait3A_47 = tpu.memref_slice %arg8[%dma_wait3A_45, %dma_wait3A_46] : memref<10112x128xf32, #tpu.memory_space<vmem_shared>> -> memref<10112x128xf32, #tpu.memory_space<vmem_shared>>
    tpu.wait_indirect_dma semaphore(%arg9 : memref<!tpu.dma_semaphore, #tpu.memory_space<semaphore_mem>>) src(%arg7 : memref<128x128xf32, #tpu.memory_space<vmem>>) dst(%dma_wait3A_47 : memref<10112x128xf32, #tpu.memory_space<vmem_shared>>)
    %dma_wait3A_48 = arith.constant 78 : i32
    %dma_wait3A_49 = arith.constant 0 : i32
    %dma_wait3A_50 = tpu.memref_slice %arg6[%dma_wait3A_48, %dma_wait3A_49] : memref<80x128xi32, #tpu.memory_space<vmem>> -> memref<1x128xi32, #tpu.memory_space<vmem>>
    %dma_wait3A_51 = tpu.memref_squeeze %dma_wait3A_50 : memref<1x128xi32, #tpu.memory_space<vmem>> -> memref<128xi32, #tpu.memory_space<vmem>>
    %dma_wait3A_52 = arith.constant 0 : i32
    %dma_wait3A_53 = arith.constant 0 : i32
    %dma_wait3A_54 = tpu.memref_slice %arg8[%dma_wait3A_52, %dma_wait3A_53] : memref<10112x128xf32, #tpu.memory_space<vmem_shared>> -> memref<10112x128xf32, #tpu.memory_space<vmem_shared>>
    tpu.wait_indirect_dma semaphore(%arg9 : memref<!tpu.dma_semaphore, #tpu.memory_space<semaphore_mem>>) src(%arg7 : memref<128x128xf32, #tpu.memory_space<vmem>>) dst(%dma_wait3A_54 : memref<10112x128xf32, #tpu.memory_space<vmem_shared>>)
    %dma_wait3A_55 = arith.constant 79 : i32
    %dma_wait3A_56 = arith.constant 0 : i32
    %dma_wait3A_57 = tpu.memref_slice %arg6[%dma_wait3A_55, %dma_wait3A_56] : memref<80x128xi32, #tpu.memory_space<vmem>> -> memref<1x128xi32, #tpu.memory_space<vmem>>
    %dma_wait3A_58 = tpu.memref_squeeze %dma_wait3A_57 : memref<1x128xi32, #tpu.memory_space<vmem>> -> memref<128xi32, #tpu.memory_space<vmem>>
    %dma_wait3A_59 = arith.constant 0 : i32
    %dma_wait3A_60 = arith.constant 0 : i32
    %dma_wait3A_61 = tpu.memref_slice %arg8[%dma_wait3A_59, %dma_wait3A_60] : memref<10112x128xf32, #tpu.memory_space<vmem_shared>> -> memref<10112x128xf32, #tpu.memory_space<vmem_shared>>
    tpu.wait_indirect_dma semaphore(%arg9 : memref<!tpu.dma_semaphore, #tpu.memory_space<semaphore_mem>>) src(%arg7 : memref<128x128xf32, #tpu.memory_space<vmem>>) dst(%dma_wait3A_61 : memref<10112x128xf32, #tpu.memory_space<vmem_shared>>)
    %barrier3A_62 = arith.constant 0 : index
    tpu.barrier barrier_id(%barrier3A_62)
    "tpu.region"() ({
      %run_scoped3A = tpu.sem_alloc : memref<!tpu.dma_semaphore, #tpu.memory_space<semaphore_mem>>
      %dma_start3A_63 = arith.constant 0 : i32
      %dma_start3A_64 = tpu.memref_slice %arg5[%arg0, %mul3A_2, %dma_start3A_63] : memref<2x10112x128xf32, #tpu.memory_space<hbm>> -> memref<1x632x128xf32, #tpu.memory_space<hbm>>
      %dma_start3A_65 = tpu.memref_squeeze %dma_start3A_64 : memref<1x632x128xf32, #tpu.memory_space<hbm>> -> memref<632x128xf32, #tpu.memory_space<hbm>>
      %dma_start3A_66 = arith.constant 0 : i32
      %dma_start3A_67 = tpu.memref_slice %arg8[%mul3A_2, %dma_start3A_66] : memref<10112x128xf32, #tpu.memory_space<vmem_shared>> -> memref<632x128xf32, #tpu.memory_space<vmem_shared>>
      tpu.enqueue_dma source(%dma_start3A_67 : memref<632x128xf32, #tpu.memory_space<vmem_shared>>) target(%dma_start3A_65 : memref<632x128xf32, #tpu.memory_space<hbm>>) target_semaphore(%run_scoped3A : memref<!tpu.dma_semaphore, #tpu.memory_space<semaphore_mem>>)
      %dma_wait3A_68 = arith.constant 0 : i32
      %dma_wait3A_69 = tpu.memref_slice %arg5[%arg0, %mul3A_2, %dma_wait3A_68] : memref<2x10112x128xf32, #tpu.memory_space<hbm>> -> memref<1x632x128xf32, #tpu.memory_space<hbm>>
      %dma_wait3A_70 = tpu.memref_squeeze %dma_wait3A_69 : memref<1x632x128xf32, #tpu.memory_space<hbm>> -> memref<632x128xf32, #tpu.memory_space<hbm>>
      %dma_wait3A_71 = arith.constant 0 : i32
      %dma_wait3A_72 = tpu.memref_slice %arg8[%mul3A_2, %dma_wait3A_71] : memref<10112x128xf32, #tpu.memory_space<vmem_shared>> -> memref<632x128xf32, #tpu.memory_space<vmem_shared>>
      tpu.wait_dma2 semaphore(%run_scoped3A : memref<!tpu.dma_semaphore, #tpu.memory_space<semaphore_mem>>) src(%dma_wait3A_72 : memref<632x128xf32, #tpu.memory_space<vmem_shared>>) dst(%dma_wait3A_70 : memref<632x128xf32, #tpu.memory_space<hbm>>)
      tpu.yield
    }) : () -> ()
    return
  }
}

#map = affine_map<(d0, d1) -> (0, 0)>
#map1 = affine_map<(d0, d1) -> (0, 0, 0)>
module attributes {stable_mosaic.version = 14 : i64} {
  func.func @_sc_agg_body(%arg0: i32, %arg1: i32, %arg2: memref<10112x128xf32, #tpu.memory_space<hbm>>, %arg3: memref<32x80x128xi32, #tpu.memory_space<hbm>>, %arg4: memref<32x80x128xi32, #tpu.memory_space<hbm>>, %arg5: memref<632x128xf32, #tpu.memory_space<hbm>>, %arg6: memref<2x10112x128xf32, #tpu.memory_space<hbm>>, %arg7: memref<40x128xi32, #tpu.memory_space<vmem>>, %arg8: memref<40x128xi32, #tpu.memory_space<vmem>>, %arg9: memref<128x128xf32, #tpu.memory_space<vmem>>, %arg10: memref<128x128xf32, #tpu.memory_space<vmem>>, %arg11: memref<10112x128xf32, #tpu.memory_space<vmem_shared>>, %arg12: memref<!tpu.dma_semaphore, #tpu.memory_space<semaphore_mem>>, %arg13: memref<!tpu.dma_semaphore, #tpu.memory_space<semaphore_mem>>, %arg14: memref<!tpu.dma_semaphore, #tpu.memory_space<semaphore_mem>>, %arg15: memref<!tpu.dma_semaphore, #tpu.memory_space<semaphore_mem>>) attributes {dimension_semantics = [#tpu.dimension_semantics<core_parallel>, #tpu.dimension_semantics<subcore_parallel>], iteration_bounds = array<i64: 2, 16>, scalar_prefetch = 0 : i64, scratch_operands = 9 : i64, tpu.core_type = #tpu.core_type<sc_vector_subcore>, window_params = [{transform_indices = #map}, {transform_indices = #map1}, {transform_indices = #map1}, {transform_indices = #map}, {transform_indices = #map1}]} {
    %mul3A = arith.constant 16 : i32
    %mul3A_0 = arith.muli %arg0, %mul3A : i32
    %add3A = arith.addi %mul3A_0, %arg1 : i32
    %mul3A_1 = arith.constant 632 : i32
    %mul3A_2 = arith.muli %arg1, %mul3A_1 : i32
    "tpu.region"() ({
      %run_scoped3A = tpu.sem_alloc : memref<!tpu.dma_semaphore, #tpu.memory_space<semaphore_mem>>
      %dma_start3A_160 = arith.constant 0 : i32
      %dma_start3A_161 = tpu.memref_slice %arg11[%mul3A_2, %dma_start3A_160] : memref<10112x128xf32, #tpu.memory_space<vmem_shared>> -> memref<632x128xf32, #tpu.memory_space<vmem_shared>>
      tpu.enqueue_dma source(%arg5 : memref<632x128xf32, #tpu.memory_space<hbm>>) target(%dma_start3A_161 : memref<632x128xf32, #tpu.memory_space<vmem_shared>>) target_semaphore(%run_scoped3A : memref<!tpu.dma_semaphore, #tpu.memory_space<semaphore_mem>>)
      %dma_wait3A_162 = arith.constant 0 : i32
      %dma_wait3A_163 = tpu.memref_slice %arg11[%mul3A_2, %dma_wait3A_162] : memref<10112x128xf32, #tpu.memory_space<vmem_shared>> -> memref<632x128xf32, #tpu.memory_space<vmem_shared>>
      tpu.wait_dma2 semaphore(%run_scoped3A : memref<!tpu.dma_semaphore, #tpu.memory_space<semaphore_mem>>) src(%arg5 : memref<632x128xf32, #tpu.memory_space<hbm>>) dst(%dma_wait3A_163 : memref<632x128xf32, #tpu.memory_space<vmem_shared>>)
      tpu.yield
    }) : () -> ()
    %barrier3A = arith.constant 0 : index
    tpu.barrier barrier_id(%barrier3A)
    "tpu.region"() ({
      %run_scoped3A = tpu.sem_alloc : memref<!tpu.dma_semaphore, #tpu.memory_space<semaphore_mem>>
      %dma_start3A_160 = arith.constant 0 : i32
      %dma_start3A_161 = arith.constant 0 : i32
      %dma_start3A_162 = tpu.memref_slice %arg3[%add3A, %dma_start3A_160, %dma_start3A_161] : memref<32x80x128xi32, #tpu.memory_space<hbm>> -> memref<1x40x128xi32, #tpu.memory_space<hbm>>
      %dma_start3A_163 = tpu.memref_squeeze %dma_start3A_162 : memref<1x40x128xi32, #tpu.memory_space<hbm>> -> memref<40x128xi32, #tpu.memory_space<hbm>>
      %dma_start3A_164 = arith.constant 0 : i32
      %dma_start3A_165 = arith.constant 0 : i32
      %dma_start3A_166 = tpu.memref_slice %arg3[%add3A, %dma_start3A_164, %dma_start3A_165] : memref<32x80x128xi32, #tpu.memory_space<hbm>> -> memref<1x40x128xi32, #tpu.memory_space<hbm>>
      %dma_start3A_167 = tpu.memref_squeeze %dma_start3A_166 : memref<1x40x128xi32, #tpu.memory_space<hbm>> -> memref<40x128xi32, #tpu.memory_space<hbm>>
      tpu.enqueue_dma source(%dma_start3A_167 : memref<40x128xi32, #tpu.memory_space<hbm>>) target(%arg7 : memref<40x128xi32, #tpu.memory_space<vmem>>) target_semaphore(%run_scoped3A : memref<!tpu.dma_semaphore, #tpu.memory_space<semaphore_mem>>)
      %dma_wait3A_168 = arith.constant 0 : i32
      %dma_wait3A_169 = arith.constant 0 : i32
      %dma_wait3A_170 = tpu.memref_slice %arg3[%add3A, %dma_wait3A_168, %dma_wait3A_169] : memref<32x80x128xi32, #tpu.memory_space<hbm>> -> memref<1x40x128xi32, #tpu.memory_space<hbm>>
      %dma_wait3A_171 = tpu.memref_squeeze %dma_wait3A_170 : memref<1x40x128xi32, #tpu.memory_space<hbm>> -> memref<40x128xi32, #tpu.memory_space<hbm>>
      %dma_wait3A_172 = arith.constant 0 : i32
      %dma_wait3A_173 = arith.constant 0 : i32
      %dma_wait3A_174 = tpu.memref_slice %arg3[%add3A, %dma_wait3A_172, %dma_wait3A_173] : memref<32x80x128xi32, #tpu.memory_space<hbm>> -> memref<1x40x128xi32, #tpu.memory_space<hbm>>
      %dma_wait3A_175 = tpu.memref_squeeze %dma_wait3A_174 : memref<1x40x128xi32, #tpu.memory_space<hbm>> -> memref<40x128xi32, #tpu.memory_space<hbm>>
      tpu.wait_dma2 semaphore(%run_scoped3A : memref<!tpu.dma_semaphore, #tpu.memory_space<semaphore_mem>>) src(%dma_wait3A_175 : memref<40x128xi32, #tpu.memory_space<hbm>>) dst(%arg7 : memref<40x128xi32, #tpu.memory_space<vmem>>)
      tpu.yield
    }) : () -> ()
    "tpu.region"() ({
      %run_scoped3A = tpu.sem_alloc : memref<!tpu.dma_semaphore, #tpu.memory_space<semaphore_mem>>
      %dma_start3A_160 = arith.constant 0 : i32
      %dma_start3A_161 = arith.constant 0 : i32
      %dma_start3A_162 = tpu.memref_slice %arg4[%add3A, %dma_start3A_160, %dma_start3A_161] : memref<32x80x128xi32, #tpu.memory_space<hbm>> -> memref<1x40x128xi32, #tpu.memory_space<hbm>>
      %dma_start3A_163 = tpu.memref_squeeze %dma_start3A_162 : memref<1x40x128xi32, #tpu.memory_space<hbm>> -> memref<40x128xi32, #tpu.memory_space<hbm>>
      %dma_start3A_164 = arith.constant 0 : i32
      %dma_start3A_165 = arith.constant 0 : i32
      %dma_start3A_166 = tpu.memref_slice %arg4[%add3A, %dma_start3A_164, %dma_start3A_165] : memref<32x80x128xi32, #tpu.memory_space<hbm>> -> memref<1x40x128xi32, #tpu.memory_space<hbm>>
      %dma_start3A_167 = tpu.memref_squeeze %dma_start3A_166 : memref<1x40x128xi32, #tpu.memory_space<hbm>> -> memref<40x128xi32, #tpu.memory_space<hbm>>
      tpu.enqueue_dma source(%dma_start3A_167 : memref<40x128xi32, #tpu.memory_space<hbm>>) target(%arg8 : memref<40x128xi32, #tpu.memory_space<vmem>>) target_semaphore(%run_scoped3A : memref<!tpu.dma_semaphore, #tpu.memory_space<semaphore_mem>>)
      %dma_wait3A_168 = arith.constant 0 : i32
      %dma_wait3A_169 = arith.constant 0 : i32
      %dma_wait3A_170 = tpu.memref_slice %arg4[%add3A, %dma_wait3A_168, %dma_wait3A_169] : memref<32x80x128xi32, #tpu.memory_space<hbm>> -> memref<1x40x128xi32, #tpu.memory_space<hbm>>
      %dma_wait3A_171 = tpu.memref_squeeze %dma_wait3A_170 : memref<1x40x128xi32, #tpu.memory_space<hbm>> -> memref<40x128xi32, #tpu.memory_space<hbm>>
      %dma_wait3A_172 = arith.constant 0 : i32
      %dma_wait3A_173 = arith.constant 0 : i32
      %dma_wait3A_174 = tpu.memref_slice %arg4[%add3A, %dma_wait3A_172, %dma_wait3A_173] : memref<32x80x128xi32, #tpu.memory_space<hbm>> -> memref<1x40x128xi32, #tpu.memory_space<hbm>>
      %dma_wait3A_175 = tpu.memref_squeeze %dma_wait3A_174 : memref<1x40x128xi32, #tpu.memory_space<hbm>> -> memref<40x128xi32, #tpu.memory_space<hbm>>
      tpu.wait_dma2 semaphore(%run_scoped3A : memref<!tpu.dma_semaphore, #tpu.memory_space<semaphore_mem>>) src(%dma_wait3A_175 : memref<40x128xi32, #tpu.memory_space<hbm>>) dst(%arg8 : memref<40x128xi32, #tpu.memory_space<vmem>>)
      tpu.yield
    }) : () -> ()
    %dma_start3A = arith.constant 0 : i32
    %dma_start3A_3 = arith.constant 0 : i32
    %dma_start3A_4 = tpu.memref_slice %arg7[%dma_start3A, %dma_start3A_3] : memref<40x128xi32, #tpu.memory_space<vmem>> -> memref<1x128xi32, #tpu.memory_space<vmem>>
    %dma_start3A_5 = tpu.memref_squeeze %dma_start3A_4 : memref<1x128xi32, #tpu.memory_space<vmem>> -> memref<128xi32, #tpu.memory_space<vmem>>
    %dma_start3A_6 = arith.constant 0 : i32
    %dma_start3A_7 = arith.constant 0 : i32
    %dma_start3A_8 = tpu.memref_slice %arg2[%dma_start3A_6, %dma_start3A_7] : memref<10112x128xf32, #tpu.memory_space<hbm>> -> memref<10112x128xf32, #tpu.memory_space<hbm>>
    tpu.enqueue_indirect_dma source(%dma_start3A_8 : memref<10112x128xf32, #tpu.memory_space<hbm>>) target(%arg9 : memref<128x128xf32, #tpu.memory_space<vmem>>) offsets(%dma_start3A_5 : memref<128xi32, #tpu.memory_space<vmem>>) semaphore(%arg12 : memref<!tpu.dma_semaphore, #tpu.memory_space<semaphore_mem>>)
    %min3A = arith.constant 1 : i32
    %min3A_9 = arith.constant 39 : i32
    %min3A_10 = arith.minsi %min3A, %min3A_9 : i32
    %dma_start3A_11 = arith.constant 0 : i32
    %dma_start3A_12 = tpu.memref_slice %arg7[%min3A_10, %dma_start3A_11] : memref<40x128xi32, #tpu.memory_space<vmem>> -> memref<1x128xi32, #tpu.memory_space<vmem>>
    %dma_start3A_13 = tpu.memref_squeeze %dma_start3A_12 : memref<1x128xi32, #tpu.memory_space<vmem>> -> memref<128xi32, #tpu.memory_space<vmem>>
    %dma_start3A_14 = arith.constant 0 : i32
    %dma_start3A_15 = arith.constant 0 : i32
    %dma_start3A_16 = tpu.memref_slice %arg2[%dma_start3A_14, %dma_start3A_15] : memref<10112x128xf32, #tpu.memory_space<hbm>> -> memref<10112x128xf32, #tpu.memory_space<hbm>>
    tpu.enqueue_indirect_dma source(%dma_start3A_16 : memref<10112x128xf32, #tpu.memory_space<hbm>>) target(%arg10 : memref<128x128xf32, #tpu.memory_space<vmem>>) offsets(%dma_start3A_13 : memref<128xi32, #tpu.memory_space<vmem>>) semaphore(%arg13 : memref<!tpu.dma_semaphore, #tpu.memory_space<semaphore_mem>>)
    %dma_wait3A = arith.constant 0 : i32
    %dma_wait3A_17 = arith.constant 0 : i32
    %dma_wait3A_18 = tpu.memref_slice %arg7[%dma_wait3A, %dma_wait3A_17] : memref<40x128xi32, #tpu.memory_space<vmem>> -> memref<1x128xi32, #tpu.memory_space<vmem>>
    %dma_wait3A_19 = tpu.memref_squeeze %dma_wait3A_18 : memref<1x128xi32, #tpu.memory_space<vmem>> -> memref<128xi32, #tpu.memory_space<vmem>>
    %dma_wait3A_20 = arith.constant 0 : i32
    %dma_wait3A_21 = arith.constant 0 : i32
    %dma_wait3A_22 = tpu.memref_slice %arg2[%dma_wait3A_20, %dma_wait3A_21] : memref<10112x128xf32, #tpu.memory_space<hbm>> -> memref<10112x128xf32, #tpu.memory_space<hbm>>
    tpu.wait_indirect_dma semaphore(%arg12 : memref<!tpu.dma_semaphore, #tpu.memory_space<semaphore_mem>>) src(%dma_wait3A_22 : memref<10112x128xf32, #tpu.memory_space<hbm>>) dst(%arg9 : memref<128x128xf32, #tpu.memory_space<vmem>>)
    %dma_start3A_23 = arith.constant 0 : i32
    %dma_start3A_24 = arith.constant 0 : i32
    %dma_start3A_25 = tpu.memref_slice %arg8[%dma_start3A_23, %dma_start3A_24] : memref<40x128xi32, #tpu.memory_space<vmem>> -> memref<1x128xi32, #tpu.memory_space<vmem>>
    %dma_start3A_26 = tpu.memref_squeeze %dma_start3A_25 : memref<1x128xi32, #tpu.memory_space<vmem>> -> memref<128xi32, #tpu.memory_space<vmem>>
    %dma_start3A_27 = arith.constant 0 : i32
    %dma_start3A_28 = arith.constant 0 : i32
    %dma_start3A_29 = tpu.memref_slice %arg11[%dma_start3A_27, %dma_start3A_28] : memref<10112x128xf32, #tpu.memory_space<vmem_shared>> -> memref<10112x128xf32, #tpu.memory_space<vmem_shared>>
    tpu.enqueue_indirect_dma source(%arg9 : memref<128x128xf32, #tpu.memory_space<vmem>>) target(%dma_start3A_29 : memref<10112x128xf32, #tpu.memory_space<vmem_shared>>) offsets(%dma_start3A_26 : memref<128xi32, #tpu.memory_space<vmem>>) semaphore(%arg14 : memref<!tpu.dma_semaphore, #tpu.memory_space<semaphore_mem>>) {add = true}
    %dma_wait3A_30 = arith.constant 0 : i32
    %dma_wait3A_31 = arith.constant 0 : i32
    %dma_wait3A_32 = tpu.memref_slice %arg8[%dma_wait3A_30, %dma_wait3A_31] : memref<40x128xi32, #tpu.memory_space<vmem>> -> memref<1x128xi32, #tpu.memory_space<vmem>>
    %dma_wait3A_33 = tpu.memref_squeeze %dma_wait3A_32 : memref<1x128xi32, #tpu.memory_space<vmem>> -> memref<128xi32, #tpu.memory_space<vmem>>
    %dma_wait3A_34 = arith.constant 0 : i32
    %dma_wait3A_35 = arith.constant 0 : i32
    %dma_wait3A_36 = tpu.memref_slice %arg11[%dma_wait3A_34, %dma_wait3A_35] : memref<10112x128xf32, #tpu.memory_space<vmem_shared>> -> memref<10112x128xf32, #tpu.memory_space<vmem_shared>>
    tpu.wait_indirect_dma semaphore(%arg14 : memref<!tpu.dma_semaphore, #tpu.memory_space<semaphore_mem>>) src(%arg9 : memref<128x128xf32, #tpu.memory_space<vmem>>) dst(%dma_wait3A_36 : memref<10112x128xf32, #tpu.memory_space<vmem_shared>>)
    %min3A_37 = arith.constant 2 : i32
    %min3A_38 = arith.constant 39 : i32
    %min3A_39 = arith.minsi %min3A_37, %min3A_38 : i32
    %dma_start3A_40 = arith.constant 0 : i32
    %dma_start3A_41 = tpu.memref_slice %arg7[%min3A_39, %dma_start3A_40] : memref<40x128xi32, #tpu.memory_space<vmem>> -> memref<1x128xi32, #tpu.memory_space<vmem>>
    %dma_start3A_42 = tpu.memref_squeeze %dma_start3A_41 : memref<1x128xi32, #tpu.memory_space<vmem>> -> memref<128xi32, #tpu.memory_space<vmem>>
    %dma_start3A_43 = arith.constant 0 : i32
    %dma_start3A_44 = arith.constant 0 : i32
    %dma_start3A_45 = tpu.memref_slice %arg2[%dma_start3A_43, %dma_start3A_44] : memref<10112x128xf32, #tpu.memory_space<hbm>> -> memref<10112x128xf32, #tpu.memory_space<hbm>>
    tpu.enqueue_indirect_dma source(%dma_start3A_45 : memref<10112x128xf32, #tpu.memory_space<hbm>>) target(%arg9 : memref<128x128xf32, #tpu.memory_space<vmem>>) offsets(%dma_start3A_42 : memref<128xi32, #tpu.memory_space<vmem>>) semaphore(%arg12 : memref<!tpu.dma_semaphore, #tpu.memory_space<semaphore_mem>>)
    %dma_wait3A_46 = arith.constant 1 : i32
    %dma_wait3A_47 = arith.constant 0 : i32
    %dma_wait3A_48 = tpu.memref_slice %arg7[%dma_wait3A_46, %dma_wait3A_47] : memref<40x128xi32, #tpu.memory_space<vmem>> -> memref<1x128xi32, #tpu.memory_space<vmem>>
    %dma_wait3A_49 = tpu.memref_squeeze %dma_wait3A_48 : memref<1x128xi32, #tpu.memory_space<vmem>> -> memref<128xi32, #tpu.memory_space<vmem>>
    %dma_wait3A_50 = arith.constant 0 : i32
    %dma_wait3A_51 = arith.constant 0 : i32
    %dma_wait3A_52 = tpu.memref_slice %arg2[%dma_wait3A_50, %dma_wait3A_51] : memref<10112x128xf32, #tpu.memory_space<hbm>> -> memref<10112x128xf32, #tpu.memory_space<hbm>>
    tpu.wait_indirect_dma semaphore(%arg13 : memref<!tpu.dma_semaphore, #tpu.memory_space<semaphore_mem>>) src(%dma_wait3A_52 : memref<10112x128xf32, #tpu.memory_space<hbm>>) dst(%arg10 : memref<128x128xf32, #tpu.memory_space<vmem>>)
    %dma_start3A_53 = arith.constant 1 : i32
    %dma_start3A_54 = arith.constant 0 : i32
    %dma_start3A_55 = tpu.memref_slice %arg8[%dma_start3A_53, %dma_start3A_54] : memref<40x128xi32, #tpu.memory_space<vmem>> -> memref<1x128xi32, #tpu.memory_space<vmem>>
    %dma_start3A_56 = tpu.memref_squeeze %dma_start3A_55 : memref<1x128xi32, #tpu.memory_space<vmem>> -> memref<128xi32, #tpu.memory_space<vmem>>
    %dma_start3A_57 = arith.constant 0 : i32
    %dma_start3A_58 = arith.constant 0 : i32
    %dma_start3A_59 = tpu.memref_slice %arg11[%dma_start3A_57, %dma_start3A_58] : memref<10112x128xf32, #tpu.memory_space<vmem_shared>> -> memref<10112x128xf32, #tpu.memory_space<vmem_shared>>
    tpu.enqueue_indirect_dma source(%arg10 : memref<128x128xf32, #tpu.memory_space<vmem>>) target(%dma_start3A_59 : memref<10112x128xf32, #tpu.memory_space<vmem_shared>>) offsets(%dma_start3A_56 : memref<128xi32, #tpu.memory_space<vmem>>) semaphore(%arg15 : memref<!tpu.dma_semaphore, #tpu.memory_space<semaphore_mem>>) {add = true}
    %scan3A = arith.constant 0 : i32
    %scan3A_60 = arith.constant 0 : i32
    %scan3A_61 = arith.constant 19 : i32
    %scan3A_62 = arith.addi %scan3A_60, %scan3A_61 : i32
    %scan3A_63 = arith.constant 1 : i32
    scf.for %scan3A_160 = %scan3A_60 to %scan3A_62 step %scan3A_63  : i32 {
      %mul3A_161 = arith.constant 2 : i32
      %mul3A_162 = arith.muli %mul3A_161, %scan3A_160 : i32
      %add3A_163 = arith.constant 2 : i32
      %add3A_164 = arith.addi %mul3A_162, %add3A_163 : i32
      %sub3A = arith.constant 1 : i32
      %sub3A_165 = arith.subi %add3A_164, %sub3A : i32
      %dma_wait3A_166 = arith.constant 0 : i32
      %dma_wait3A_167 = tpu.memref_slice %arg8[%sub3A_165, %dma_wait3A_166] : memref<40x128xi32, #tpu.memory_space<vmem>> -> memref<1x128xi32, #tpu.memory_space<vmem>>
      %dma_wait3A_168 = tpu.memref_squeeze %dma_wait3A_167 : memref<1x128xi32, #tpu.memory_space<vmem>> -> memref<128xi32, #tpu.memory_space<vmem>>
      %dma_wait3A_169 = arith.constant 0 : i32
      %dma_wait3A_170 = arith.constant 0 : i32
      %dma_wait3A_171 = tpu.memref_slice %arg11[%dma_wait3A_169, %dma_wait3A_170] : memref<10112x128xf32, #tpu.memory_space<vmem_shared>> -> memref<10112x128xf32, #tpu.memory_space<vmem_shared>>
      tpu.wait_indirect_dma semaphore(%arg15 : memref<!tpu.dma_semaphore, #tpu.memory_space<semaphore_mem>>) src(%arg10 : memref<128x128xf32, #tpu.memory_space<vmem>>) dst(%dma_wait3A_171 : memref<10112x128xf32, #tpu.memory_space<vmem_shared>>)
      %add3A_172 = arith.constant 1 : i32
      %add3A_173 = arith.addi %add3A_164, %add3A_172 : i32
      %min3A_174 = arith.constant 39 : i32
      %min3A_175 = arith.minsi %add3A_173, %min3A_174 : i32
      %dma_start3A_176 = arith.constant 0 : i32
      %dma_start3A_177 = tpu.memref_slice %arg7[%min3A_175, %dma_start3A_176] : memref<40x128xi32, #tpu.memory_space<vmem>> -> memref<1x128xi32, #tpu.memory_space<vmem>>
      %dma_start3A_178 = tpu.memref_squeeze %dma_start3A_177 : memref<1x128xi32, #tpu.memory_space<vmem>> -> memref<128xi32, #tpu.memory_space<vmem>>
      %dma_start3A_179 = arith.constant 0 : i32
      %dma_start3A_180 = arith.constant 0 : i32
      %dma_start3A_181 = tpu.memref_slice %arg2[%dma_start3A_179, %dma_start3A_180] : memref<10112x128xf32, #tpu.memory_space<hbm>> -> memref<10112x128xf32, #tpu.memory_space<hbm>>
      tpu.enqueue_indirect_dma source(%dma_start3A_181 : memref<10112x128xf32, #tpu.memory_space<hbm>>) target(%arg10 : memref<128x128xf32, #tpu.memory_space<vmem>>) offsets(%dma_start3A_178 : memref<128xi32, #tpu.memory_space<vmem>>) semaphore(%arg13 : memref<!tpu.dma_semaphore, #tpu.memory_space<semaphore_mem>>)
      %dma_wait3A_182 = arith.constant 0 : i32
      %dma_wait3A_183 = tpu.memref_slice %arg7[%add3A_164, %dma_wait3A_182] : memref<40x128xi32, #tpu.memory_space<vmem>> -> memref<1x128xi32, #tpu.memory_space<vmem>>
      %dma_wait3A_184 = tpu.memref_squeeze %dma_wait3A_183 : memref<1x128xi32, #tpu.memory_space<vmem>> -> memref<128xi32, #tpu.memory_space<vmem>>
      %dma_wait3A_185 = arith.constant 0 : i32
      %dma_wait3A_186 = arith.constant 0 : i32
      %dma_wait3A_187 = tpu.memref_slice %arg2[%dma_wait3A_185, %dma_wait3A_186] : memref<10112x128xf32, #tpu.memory_space<hbm>> -> memref<10112x128xf32, #tpu.memory_space<hbm>>
      tpu.wait_indirect_dma semaphore(%arg12 : memref<!tpu.dma_semaphore, #tpu.memory_space<semaphore_mem>>) src(%dma_wait3A_187 : memref<10112x128xf32, #tpu.memory_space<hbm>>) dst(%arg9 : memref<128x128xf32, #tpu.memory_space<vmem>>)
      %dma_start3A_188 = arith.constant 0 : i32
      %dma_start3A_189 = tpu.memref_slice %arg8[%add3A_164, %dma_start3A_188] : memref<40x128xi32, #tpu.memory_space<vmem>> -> memref<1x128xi32, #tpu.memory_space<vmem>>
      %dma_start3A_190 = tpu.memref_squeeze %dma_start3A_189 : memref<1x128xi32, #tpu.memory_space<vmem>> -> memref<128xi32, #tpu.memory_space<vmem>>
      %dma_start3A_191 = arith.constant 0 : i32
      %dma_start3A_192 = arith.constant 0 : i32
      %dma_start3A_193 = tpu.memref_slice %arg11[%dma_start3A_191, %dma_start3A_192] : memref<10112x128xf32, #tpu.memory_space<vmem_shared>> -> memref<10112x128xf32, #tpu.memory_space<vmem_shared>>
      tpu.enqueue_indirect_dma source(%arg9 : memref<128x128xf32, #tpu.memory_space<vmem>>) target(%dma_start3A_193 : memref<10112x128xf32, #tpu.memory_space<vmem_shared>>) offsets(%dma_start3A_190 : memref<128xi32, #tpu.memory_space<vmem>>) semaphore(%arg14 : memref<!tpu.dma_semaphore, #tpu.memory_space<semaphore_mem>>) {add = true}
      %add3A_194 = arith.constant 1 : i32
      %add3A_195 = arith.addi %add3A_164, %add3A_194 : i32
      %sub3A_196 = arith.constant 1 : i32
      %sub3A_197 = arith.subi %add3A_195, %sub3A_196 : i32
      %dma_wait3A_198 = arith.constant 0 : i32
      %dma_wait3A_199 = tpu.memref_slice %arg8[%sub3A_197, %dma_wait3A_198] : memref<40x128xi32, #tpu.memory_space<vmem>> -> memref<1x128xi32, #tpu.memory_space<vmem>>
      %dma_wait3A_200 = tpu.memref_squeeze %dma_wait3A_199 : memref<1x128xi32, #tpu.memory_space<vmem>> -> memref<128xi32, #tpu.memory_space<vmem>>
      %dma_wait3A_201 = arith.constant 0 : i32
      %dma_wait3A_202 = arith.constant 0 : i32
      %dma_wait3A_203 = tpu.memref_slice %arg11[%dma_wait3A_201, %dma_wait3A_202] : memref<10112x128xf32, #tpu.memory_space<vmem_shared>> -> memref<10112x128xf32, #tpu.memory_space<vmem_shared>>
      tpu.wait_indirect_dma semaphore(%arg14 : memref<!tpu.dma_semaphore, #tpu.memory_space<semaphore_mem>>) src(%arg9 : memref<128x128xf32, #tpu.memory_space<vmem>>) dst(%dma_wait3A_203 : memref<10112x128xf32, #tpu.memory_space<vmem_shared>>)
      %add3A_204 = arith.constant 1 : i32
      %add3A_205 = arith.addi %add3A_195, %add3A_204 : i32
      %min3A_206 = arith.constant 39 : i32
      %min3A_207 = arith.minsi %add3A_205, %min3A_206 : i32
      %dma_start3A_208 = arith.constant 0 : i32
      %dma_start3A_209 = tpu.memref_slice %arg7[%min3A_207, %dma_start3A_208] : memref<40x128xi32, #tpu.memory_space<vmem>> -> memref<1x128xi32, #tpu.memory_space<vmem>>
      %dma_start3A_210 = tpu.memref_squeeze %dma_start3A_209 : memref<1x128xi32, #tpu.memory_space<vmem>> -> memref<128xi32, #tpu.memory_space<vmem>>
      %dma_start3A_211 = arith.constant 0 : i32
      %dma_start3A_212 = arith.constant 0 : i32
      %dma_start3A_213 = tpu.memref_slice %arg2[%dma_start3A_211, %dma_start3A_212] : memref<10112x128xf32, #tpu.memory_space<hbm>> -> memref<10112x128xf32, #tpu.memory_space<hbm>>
      tpu.enqueue_indirect_dma source(%dma_start3A_213 : memref<10112x128xf32, #tpu.memory_space<hbm>>) target(%arg9 : memref<128x128xf32, #tpu.memory_space<vmem>>) offsets(%dma_start3A_210 : memref<128xi32, #tpu.memory_space<vmem>>) semaphore(%arg12 : memref<!tpu.dma_semaphore, #tpu.memory_space<semaphore_mem>>)
      %dma_wait3A_214 = arith.constant 0 : i32
      %dma_wait3A_215 = tpu.memref_slice %arg7[%add3A_195, %dma_wait3A_214] : memref<40x128xi32, #tpu.memory_space<vmem>> -> memref<1x128xi32, #tpu.memory_space<vmem>>
      %dma_wait3A_216 = tpu.memref_squeeze %dma_wait3A_215 : memref<1x128xi32, #tpu.memory_space<vmem>> -> memref<128xi32, #tpu.memory_space<vmem>>
      %dma_wait3A_217 = arith.constant 0 : i32
      %dma_wait3A_218 = arith.constant 0 : i32
      %dma_wait3A_219 = tpu.memref_slice %arg2[%dma_wait3A_217, %dma_wait3A_218] : memref<10112x128xf32, #tpu.memory_space<hbm>> -> memref<10112x128xf32, #tpu.memory_space<hbm>>
      tpu.wait_indirect_dma semaphore(%arg13 : memref<!tpu.dma_semaphore, #tpu.memory_space<semaphore_mem>>) src(%dma_wait3A_219 : memref<10112x128xf32, #tpu.memory_space<hbm>>) dst(%arg10 : memref<128x128xf32, #tpu.memory_space<vmem>>)
      %dma_start3A_220 = arith.constant 0 : i32
      %dma_start3A_221 = tpu.memref_slice %arg8[%add3A_195, %dma_start3A_220] : memref<40x128xi32, #tpu.memory_space<vmem>> -> memref<1x128xi32, #tpu.memory_space<vmem>>
      %dma_start3A_222 = tpu.memref_squeeze %dma_start3A_221 : memref<1x128xi32, #tpu.memory_space<vmem>> -> memref<128xi32, #tpu.memory_space<vmem>>
      %dma_start3A_223 = arith.constant 0 : i32
      %dma_start3A_224 = arith.constant 0 : i32
      %dma_start3A_225 = tpu.memref_slice %arg11[%dma_start3A_223, %dma_start3A_224] : memref<10112x128xf32, #tpu.memory_space<vmem_shared>> -> memref<10112x128xf32, #tpu.memory_space<vmem_shared>>
      tpu.enqueue_indirect_dma source(%arg10 : memref<128x128xf32, #tpu.memory_space<vmem>>) target(%dma_start3A_225 : memref<10112x128xf32, #tpu.memory_space<vmem_shared>>) offsets(%dma_start3A_222 : memref<128xi32, #tpu.memory_space<vmem>>) semaphore(%arg15 : memref<!tpu.dma_semaphore, #tpu.memory_space<semaphore_mem>>) {add = true}
    }
    %scan3A_64 = arith.constant 19 : i32
    %dma_wait3A_65 = arith.constant 39 : i32
    %dma_wait3A_66 = arith.constant 0 : i32
    %dma_wait3A_67 = tpu.memref_slice %arg8[%dma_wait3A_65, %dma_wait3A_66] : memref<40x128xi32, #tpu.memory_space<vmem>> -> memref<1x128xi32, #tpu.memory_space<vmem>>
    %dma_wait3A_68 = tpu.memref_squeeze %dma_wait3A_67 : memref<1x128xi32, #tpu.memory_space<vmem>> -> memref<128xi32, #tpu.memory_space<vmem>>
    %dma_wait3A_69 = arith.constant 0 : i32
    %dma_wait3A_70 = arith.constant 0 : i32
    %dma_wait3A_71 = tpu.memref_slice %arg11[%dma_wait3A_69, %dma_wait3A_70] : memref<10112x128xf32, #tpu.memory_space<vmem_shared>> -> memref<10112x128xf32, #tpu.memory_space<vmem_shared>>
    tpu.wait_indirect_dma semaphore(%arg15 : memref<!tpu.dma_semaphore, #tpu.memory_space<semaphore_mem>>) src(%arg10 : memref<128x128xf32, #tpu.memory_space<vmem>>) dst(%dma_wait3A_71 : memref<10112x128xf32, #tpu.memory_space<vmem_shared>>)
    %dma_wait3A_72 = arith.constant 39 : i32
    %dma_wait3A_73 = arith.constant 0 : i32
    %dma_wait3A_74 = tpu.memref_slice %arg7[%dma_wait3A_72, %dma_wait3A_73] : memref<40x128xi32, #tpu.memory_space<vmem>> -> memref<1x128xi32, #tpu.memory_space<vmem>>
    %dma_wait3A_75 = tpu.memref_squeeze %dma_wait3A_74 : memref<1x128xi32, #tpu.memory_space<vmem>> -> memref<128xi32, #tpu.memory_space<vmem>>
    %dma_wait3A_76 = arith.constant 0 : i32
    %dma_wait3A_77 = arith.constant 0 : i32
    %dma_wait3A_78 = tpu.memref_slice %arg2[%dma_wait3A_76, %dma_wait3A_77] : memref<10112x128xf32, #tpu.memory_space<hbm>> -> memref<10112x128xf32, #tpu.memory_space<hbm>>
    tpu.wait_indirect_dma semaphore(%arg12 : memref<!tpu.dma_semaphore, #tpu.memory_space<semaphore_mem>>) src(%dma_wait3A_78 : memref<10112x128xf32, #tpu.memory_space<hbm>>) dst(%arg9 : memref<128x128xf32, #tpu.memory_space<vmem>>)
    "tpu.region"() ({
      %run_scoped3A = tpu.sem_alloc : memref<!tpu.dma_semaphore, #tpu.memory_space<semaphore_mem>>
      %dma_start3A_160 = arith.constant 40 : i32
      %dma_start3A_161 = arith.constant 0 : i32
      %dma_start3A_162 = tpu.memref_slice %arg3[%add3A, %dma_start3A_160, %dma_start3A_161] : memref<32x80x128xi32, #tpu.memory_space<hbm>> -> memref<1x40x128xi32, #tpu.memory_space<hbm>>
      %dma_start3A_163 = tpu.memref_squeeze %dma_start3A_162 : memref<1x40x128xi32, #tpu.memory_space<hbm>> -> memref<40x128xi32, #tpu.memory_space<hbm>>
      %dma_start3A_164 = arith.constant 40 : i32
      %dma_start3A_165 = arith.constant 0 : i32
      %dma_start3A_166 = tpu.memref_slice %arg3[%add3A, %dma_start3A_164, %dma_start3A_165] : memref<32x80x128xi32, #tpu.memory_space<hbm>> -> memref<1x40x128xi32, #tpu.memory_space<hbm>>
      %dma_start3A_167 = tpu.memref_squeeze %dma_start3A_166 : memref<1x40x128xi32, #tpu.memory_space<hbm>> -> memref<40x128xi32, #tpu.memory_space<hbm>>
      tpu.enqueue_dma source(%dma_start3A_167 : memref<40x128xi32, #tpu.memory_space<hbm>>) target(%arg7 : memref<40x128xi32, #tpu.memory_space<vmem>>) target_semaphore(%run_scoped3A : memref<!tpu.dma_semaphore, #tpu.memory_space<semaphore_mem>>)
      %dma_wait3A_168 = arith.constant 40 : i32
      %dma_wait3A_169 = arith.constant 0 : i32
      %dma_wait3A_170 = tpu.memref_slice %arg3[%add3A, %dma_wait3A_168, %dma_wait3A_169] : memref<32x80x128xi32, #tpu.memory_space<hbm>> -> memref<1x40x128xi32, #tpu.memory_space<hbm>>
      %dma_wait3A_171 = tpu.memref_squeeze %dma_wait3A_170 : memref<1x40x128xi32, #tpu.memory_space<hbm>> -> memref<40x128xi32, #tpu.memory_space<hbm>>
      %dma_wait3A_172 = arith.constant 40 : i32
      %dma_wait3A_173 = arith.constant 0 : i32
      %dma_wait3A_174 = tpu.memref_slice %arg3[%add3A, %dma_wait3A_172, %dma_wait3A_173] : memref<32x80x128xi32, #tpu.memory_space<hbm>> -> memref<1x40x128xi32, #tpu.memory_space<hbm>>
      %dma_wait3A_175 = tpu.memref_squeeze %dma_wait3A_174 : memref<1x40x128xi32, #tpu.memory_space<hbm>> -> memref<40x128xi32, #tpu.memory_space<hbm>>
      tpu.wait_dma2 semaphore(%run_scoped3A : memref<!tpu.dma_semaphore, #tpu.memory_space<semaphore_mem>>) src(%dma_wait3A_175 : memref<40x128xi32, #tpu.memory_space<hbm>>) dst(%arg7 : memref<40x128xi32, #tpu.memory_space<vmem>>)
      tpu.yield
    }) : () -> ()
    "tpu.region"() ({
      %run_scoped3A = tpu.sem_alloc : memref<!tpu.dma_semaphore, #tpu.memory_space<semaphore_mem>>
      %dma_start3A_160 = arith.constant 40 : i32
      %dma_start3A_161 = arith.constant 0 : i32
      %dma_start3A_162 = tpu.memref_slice %arg4[%add3A, %dma_start3A_160, %dma_start3A_161] : memref<32x80x128xi32, #tpu.memory_space<hbm>> -> memref<1x40x128xi32, #tpu.memory_space<hbm>>
      %dma_start3A_163 = tpu.memref_squeeze %dma_start3A_162 : memref<1x40x128xi32, #tpu.memory_space<hbm>> -> memref<40x128xi32, #tpu.memory_space<hbm>>
      %dma_start3A_164 = arith.constant 40 : i32
      %dma_start3A_165 = arith.constant 0 : i32
      %dma_start3A_166 = tpu.memref_slice %arg4[%add3A, %dma_start3A_164, %dma_start3A_165] : memref<32x80x128xi32, #tpu.memory_space<hbm>> -> memref<1x40x128xi32, #tpu.memory_space<hbm>>
      %dma_start3A_167 = tpu.memref_squeeze %dma_start3A_166 : memref<1x40x128xi32, #tpu.memory_space<hbm>> -> memref<40x128xi32, #tpu.memory_space<hbm>>
      tpu.enqueue_dma source(%dma_start3A_167 : memref<40x128xi32, #tpu.memory_space<hbm>>) target(%arg8 : memref<40x128xi32, #tpu.memory_space<vmem>>) target_semaphore(%run_scoped3A : memref<!tpu.dma_semaphore, #tpu.memory_space<semaphore_mem>>)
      %dma_wait3A_168 = arith.constant 40 : i32
      %dma_wait3A_169 = arith.constant 0 : i32
      %dma_wait3A_170 = tpu.memref_slice %arg4[%add3A, %dma_wait3A_168, %dma_wait3A_169] : memref<32x80x128xi32, #tpu.memory_space<hbm>> -> memref<1x40x128xi32, #tpu.memory_space<hbm>>
      %dma_wait3A_171 = tpu.memref_squeeze %dma_wait3A_170 : memref<1x40x128xi32, #tpu.memory_space<hbm>> -> memref<40x128xi32, #tpu.memory_space<hbm>>
      %dma_wait3A_172 = arith.constant 40 : i32
      %dma_wait3A_173 = arith.constant 0 : i32
      %dma_wait3A_174 = tpu.memref_slice %arg4[%add3A, %dma_wait3A_172, %dma_wait3A_173] : memref<32x80x128xi32, #tpu.memory_space<hbm>> -> memref<1x40x128xi32, #tpu.memory_space<hbm>>
      %dma_wait3A_175 = tpu.memref_squeeze %dma_wait3A_174 : memref<1x40x128xi32, #tpu.memory_space<hbm>> -> memref<40x128xi32, #tpu.memory_space<hbm>>
      tpu.wait_dma2 semaphore(%run_scoped3A : memref<!tpu.dma_semaphore, #tpu.memory_space<semaphore_mem>>) src(%dma_wait3A_175 : memref<40x128xi32, #tpu.memory_space<hbm>>) dst(%arg8 : memref<40x128xi32, #tpu.memory_space<vmem>>)
      tpu.yield
    }) : () -> ()
    %dma_start3A_79 = arith.constant 0 : i32
    %dma_start3A_80 = arith.constant 0 : i32
    %dma_start3A_81 = tpu.memref_slice %arg7[%dma_start3A_79, %dma_start3A_80] : memref<40x128xi32, #tpu.memory_space<vmem>> -> memref<1x128xi32, #tpu.memory_space<vmem>>
    %dma_start3A_82 = tpu.memref_squeeze %dma_start3A_81 : memref<1x128xi32, #tpu.memory_space<vmem>> -> memref<128xi32, #tpu.memory_space<vmem>>
    %dma_start3A_83 = arith.constant 0 : i32
    %dma_start3A_84 = arith.constant 0 : i32
    %dma_start3A_85 = tpu.memref_slice %arg2[%dma_start3A_83, %dma_start3A_84] : memref<10112x128xf32, #tpu.memory_space<hbm>> -> memref<10112x128xf32, #tpu.memory_space<hbm>>
    tpu.enqueue_indirect_dma source(%dma_start3A_85 : memref<10112x128xf32, #tpu.memory_space<hbm>>) target(%arg9 : memref<128x128xf32, #tpu.memory_space<vmem>>) offsets(%dma_start3A_82 : memref<128xi32, #tpu.memory_space<vmem>>) semaphore(%arg12 : memref<!tpu.dma_semaphore, #tpu.memory_space<semaphore_mem>>)
    %min3A_86 = arith.constant 1 : i32
    %min3A_87 = arith.constant 39 : i32
    %min3A_88 = arith.minsi %min3A_86, %min3A_87 : i32
    %dma_start3A_89 = arith.constant 0 : i32
    %dma_start3A_90 = tpu.memref_slice %arg7[%min3A_88, %dma_start3A_89] : memref<40x128xi32, #tpu.memory_space<vmem>> -> memref<1x128xi32, #tpu.memory_space<vmem>>
    %dma_start3A_91 = tpu.memref_squeeze %dma_start3A_90 : memref<1x128xi32, #tpu.memory_space<vmem>> -> memref<128xi32, #tpu.memory_space<vmem>>
    %dma_start3A_92 = arith.constant 0 : i32
    %dma_start3A_93 = arith.constant 0 : i32
    %dma_start3A_94 = tpu.memref_slice %arg2[%dma_start3A_92, %dma_start3A_93] : memref<10112x128xf32, #tpu.memory_space<hbm>> -> memref<10112x128xf32, #tpu.memory_space<hbm>>
    tpu.enqueue_indirect_dma source(%dma_start3A_94 : memref<10112x128xf32, #tpu.memory_space<hbm>>) target(%arg10 : memref<128x128xf32, #tpu.memory_space<vmem>>) offsets(%dma_start3A_91 : memref<128xi32, #tpu.memory_space<vmem>>) semaphore(%arg13 : memref<!tpu.dma_semaphore, #tpu.memory_space<semaphore_mem>>)
    %dma_wait3A_95 = arith.constant 0 : i32
    %dma_wait3A_96 = arith.constant 0 : i32
    %dma_wait3A_97 = tpu.memref_slice %arg7[%dma_wait3A_95, %dma_wait3A_96] : memref<40x128xi32, #tpu.memory_space<vmem>> -> memref<1x128xi32, #tpu.memory_space<vmem>>
    %dma_wait3A_98 = tpu.memref_squeeze %dma_wait3A_97 : memref<1x128xi32, #tpu.memory_space<vmem>> -> memref<128xi32, #tpu.memory_space<vmem>>
    %dma_wait3A_99 = arith.constant 0 : i32
    %dma_wait3A_100 = arith.constant 0 : i32
    %dma_wait3A_101 = tpu.memref_slice %arg2[%dma_wait3A_99, %dma_wait3A_100] : memref<10112x128xf32, #tpu.memory_space<hbm>> -> memref<10112x128xf32, #tpu.memory_space<hbm>>
    tpu.wait_indirect_dma semaphore(%arg12 : memref<!tpu.dma_semaphore, #tpu.memory_space<semaphore_mem>>) src(%dma_wait3A_101 : memref<10112x128xf32, #tpu.memory_space<hbm>>) dst(%arg9 : memref<128x128xf32, #tpu.memory_space<vmem>>)
    %dma_start3A_102 = arith.constant 0 : i32
    %dma_start3A_103 = arith.constant 0 : i32
    %dma_start3A_104 = tpu.memref_slice %arg8[%dma_start3A_102, %dma_start3A_103] : memref<40x128xi32, #tpu.memory_space<vmem>> -> memref<1x128xi32, #tpu.memory_space<vmem>>
    %dma_start3A_105 = tpu.memref_squeeze %dma_start3A_104 : memref<1x128xi32, #tpu.memory_space<vmem>> -> memref<128xi32, #tpu.memory_space<vmem>>
    %dma_start3A_106 = arith.constant 0 : i32
    %dma_start3A_107 = arith.constant 0 : i32
    %dma_start3A_108 = tpu.memref_slice %arg11[%dma_start3A_106, %dma_start3A_107] : memref<10112x128xf32, #tpu.memory_space<vmem_shared>> -> memref<10112x128xf32, #tpu.memory_space<vmem_shared>>
    tpu.enqueue_indirect_dma source(%arg9 : memref<128x128xf32, #tpu.memory_space<vmem>>) target(%dma_start3A_108 : memref<10112x128xf32, #tpu.memory_space<vmem_shared>>) offsets(%dma_start3A_105 : memref<128xi32, #tpu.memory_space<vmem>>) semaphore(%arg14 : memref<!tpu.dma_semaphore, #tpu.memory_space<semaphore_mem>>) {add = true}
    %dma_wait3A_109 = arith.constant 0 : i32
    %dma_wait3A_110 = arith.constant 0 : i32
    %dma_wait3A_111 = tpu.memref_slice %arg8[%dma_wait3A_109, %dma_wait3A_110] : memref<40x128xi32, #tpu.memory_space<vmem>> -> memref<1x128xi32, #tpu.memory_space<vmem>>
    %dma_wait3A_112 = tpu.memref_squeeze %dma_wait3A_111 : memref<1x128xi32, #tpu.memory_space<vmem>> -> memref<128xi32, #tpu.memory_space<vmem>>
    %dma_wait3A_113 = arith.constant 0 : i32
    %dma_wait3A_114 = arith.constant 0 : i32
    %dma_wait3A_115 = tpu.memref_slice %arg11[%dma_wait3A_113, %dma_wait3A_114] : memref<10112x128xf32, #tpu.memory_space<vmem_shared>> -> memref<10112x128xf32, #tpu.memory_space<vmem_shared>>
    tpu.wait_indirect_dma semaphore(%arg14 : memref<!tpu.dma_semaphore, #tpu.memory_space<semaphore_mem>>) src(%arg9 : memref<128x128xf32, #tpu.memory_space<vmem>>) dst(%dma_wait3A_115 : memref<10112x128xf32, #tpu.memory_space<vmem_shared>>)
    %min3A_116 = arith.constant 2 : i32
    %min3A_117 = arith.constant 39 : i32
    %min3A_118 = arith.minsi %min3A_116, %min3A_117 : i32
    %dma_start3A_119 = arith.constant 0 : i32
    %dma_start3A_120 = tpu.memref_slice %arg7[%min3A_118, %dma_start3A_119] : memref<40x128xi32, #tpu.memory_space<vmem>> -> memref<1x128xi32, #tpu.memory_space<vmem>>
    %dma_start3A_121 = tpu.memref_squeeze %dma_start3A_120 : memref<1x128xi32, #tpu.memory_space<vmem>> -> memref<128xi32, #tpu.memory_space<vmem>>
    %dma_start3A_122 = arith.constant 0 : i32
    %dma_start3A_123 = arith.constant 0 : i32
    %dma_start3A_124 = tpu.memref_slice %arg2[%dma_start3A_122, %dma_start3A_123] : memref<10112x128xf32, #tpu.memory_space<hbm>> -> memref<10112x128xf32, #tpu.memory_space<hbm>>
    tpu.enqueue_indirect_dma source(%dma_start3A_124 : memref<10112x128xf32, #tpu.memory_space<hbm>>) target(%arg9 : memref<128x128xf32, #tpu.memory_space<vmem>>) offsets(%dma_start3A_121 : memref<128xi32, #tpu.memory_space<vmem>>) semaphore(%arg12 : memref<!tpu.dma_semaphore, #tpu.memory_space<semaphore_mem>>)
    %dma_wait3A_125 = arith.constant 1 : i32
    %dma_wait3A_126 = arith.constant 0 : i32
    %dma_wait3A_127 = tpu.memref_slice %arg7[%dma_wait3A_125, %dma_wait3A_126] : memref<40x128xi32, #tpu.memory_space<vmem>> -> memref<1x128xi32, #tpu.memory_space<vmem>>
    %dma_wait3A_128 = tpu.memref_squeeze %dma_wait3A_127 : memref<1x128xi32, #tpu.memory_space<vmem>> -> memref<128xi32, #tpu.memory_space<vmem>>
    %dma_wait3A_129 = arith.constant 0 : i32
    %dma_wait3A_130 = arith.constant 0 : i32
    %dma_wait3A_131 = tpu.memref_slice %arg2[%dma_wait3A_129, %dma_wait3A_130] : memref<10112x128xf32, #tpu.memory_space<hbm>> -> memref<10112x128xf32, #tpu.memory_space<hbm>>
    tpu.wait_indirect_dma semaphore(%arg13 : memref<!tpu.dma_semaphore, #tpu.memory_space<semaphore_mem>>) src(%dma_wait3A_131 : memref<10112x128xf32, #tpu.memory_space<hbm>>) dst(%arg10 : memref<128x128xf32, #tpu.memory_space<vmem>>)
    %dma_start3A_132 = arith.constant 1 : i32
    %dma_start3A_133 = arith.constant 0 : i32
    %dma_start3A_134 = tpu.memref_slice %arg8[%dma_start3A_132, %dma_start3A_133] : memref<40x128xi32, #tpu.memory_space<vmem>> -> memref<1x128xi32, #tpu.memory_space<vmem>>
    %dma_start3A_135 = tpu.memref_squeeze %dma_start3A_134 : memref<1x128xi32, #tpu.memory_space<vmem>> -> memref<128xi32, #tpu.memory_space<vmem>>
    %dma_start3A_136 = arith.constant 0 : i32
    %dma_start3A_137 = arith.constant 0 : i32
    %dma_start3A_138 = tpu.memref_slice %arg11[%dma_start3A_136, %dma_start3A_137] : memref<10112x128xf32, #tpu.memory_space<vmem_shared>> -> memref<10112x128xf32, #tpu.memory_space<vmem_shared>>
    tpu.enqueue_indirect_dma source(%arg10 : memref<128x128xf32, #tpu.memory_space<vmem>>) target(%dma_start3A_138 : memref<10112x128xf32, #tpu.memory_space<vmem_shared>>) offsets(%dma_start3A_135 : memref<128xi32, #tpu.memory_space<vmem>>) semaphore(%arg15 : memref<!tpu.dma_semaphore, #tpu.memory_space<semaphore_mem>>) {add = true}
    %scan3A_139 = arith.constant 0 : i32
    %scan3A_140 = arith.constant 0 : i32
    %scan3A_141 = arith.constant 19 : i32
    %scan3A_142 = arith.addi %scan3A_140, %scan3A_141 : i32
    %scan3A_143 = arith.constant 1 : i32
    scf.for %scan3A_160 = %scan3A_140 to %scan3A_142 step %scan3A_143  : i32 {
      %mul3A_161 = arith.constant 2 : i32
      %mul3A_162 = arith.muli %mul3A_161, %scan3A_160 : i32
      %add3A_163 = arith.constant 2 : i32
      %add3A_164 = arith.addi %mul3A_162, %add3A_163 : i32
      %sub3A = arith.constant 1 : i32
      %sub3A_165 = arith.subi %add3A_164, %sub3A : i32
      %dma_wait3A_166 = arith.constant 0 : i32
      %dma_wait3A_167 = tpu.memref_slice %arg8[%sub3A_165, %dma_wait3A_166] : memref<40x128xi32, #tpu.memory_space<vmem>> -> memref<1x128xi32, #tpu.memory_space<vmem>>
      %dma_wait3A_168 = tpu.memref_squeeze %dma_wait3A_167 : memref<1x128xi32, #tpu.memory_space<vmem>> -> memref<128xi32, #tpu.memory_space<vmem>>
      %dma_wait3A_169 = arith.constant 0 : i32
      %dma_wait3A_170 = arith.constant 0 : i32
      %dma_wait3A_171 = tpu.memref_slice %arg11[%dma_wait3A_169, %dma_wait3A_170] : memref<10112x128xf32, #tpu.memory_space<vmem_shared>> -> memref<10112x128xf32, #tpu.memory_space<vmem_shared>>
      tpu.wait_indirect_dma semaphore(%arg15 : memref<!tpu.dma_semaphore, #tpu.memory_space<semaphore_mem>>) src(%arg10 : memref<128x128xf32, #tpu.memory_space<vmem>>) dst(%dma_wait3A_171 : memref<10112x128xf32, #tpu.memory_space<vmem_shared>>)
      %add3A_172 = arith.constant 1 : i32
      %add3A_173 = arith.addi %add3A_164, %add3A_172 : i32
      %min3A_174 = arith.constant 39 : i32
      %min3A_175 = arith.minsi %add3A_173, %min3A_174 : i32
      %dma_start3A_176 = arith.constant 0 : i32
      %dma_start3A_177 = tpu.memref_slice %arg7[%min3A_175, %dma_start3A_176] : memref<40x128xi32, #tpu.memory_space<vmem>> -> memref<1x128xi32, #tpu.memory_space<vmem>>
      %dma_start3A_178 = tpu.memref_squeeze %dma_start3A_177 : memref<1x128xi32, #tpu.memory_space<vmem>> -> memref<128xi32, #tpu.memory_space<vmem>>
      %dma_start3A_179 = arith.constant 0 : i32
      %dma_start3A_180 = arith.constant 0 : i32
      %dma_start3A_181 = tpu.memref_slice %arg2[%dma_start3A_179, %dma_start3A_180] : memref<10112x128xf32, #tpu.memory_space<hbm>> -> memref<10112x128xf32, #tpu.memory_space<hbm>>
      tpu.enqueue_indirect_dma source(%dma_start3A_181 : memref<10112x128xf32, #tpu.memory_space<hbm>>) target(%arg10 : memref<128x128xf32, #tpu.memory_space<vmem>>) offsets(%dma_start3A_178 : memref<128xi32, #tpu.memory_space<vmem>>) semaphore(%arg13 : memref<!tpu.dma_semaphore, #tpu.memory_space<semaphore_mem>>)
      %dma_wait3A_182 = arith.constant 0 : i32
      %dma_wait3A_183 = tpu.memref_slice %arg7[%add3A_164, %dma_wait3A_182] : memref<40x128xi32, #tpu.memory_space<vmem>> -> memref<1x128xi32, #tpu.memory_space<vmem>>
      %dma_wait3A_184 = tpu.memref_squeeze %dma_wait3A_183 : memref<1x128xi32, #tpu.memory_space<vmem>> -> memref<128xi32, #tpu.memory_space<vmem>>
      %dma_wait3A_185 = arith.constant 0 : i32
      %dma_wait3A_186 = arith.constant 0 : i32
      %dma_wait3A_187 = tpu.memref_slice %arg2[%dma_wait3A_185, %dma_wait3A_186] : memref<10112x128xf32, #tpu.memory_space<hbm>> -> memref<10112x128xf32, #tpu.memory_space<hbm>>
      tpu.wait_indirect_dma semaphore(%arg12 : memref<!tpu.dma_semaphore, #tpu.memory_space<semaphore_mem>>) src(%dma_wait3A_187 : memref<10112x128xf32, #tpu.memory_space<hbm>>) dst(%arg9 : memref<128x128xf32, #tpu.memory_space<vmem>>)
      %dma_start3A_188 = arith.constant 0 : i32
      %dma_start3A_189 = tpu.memref_slice %arg8[%add3A_164, %dma_start3A_188] : memref<40x128xi32, #tpu.memory_space<vmem>> -> memref<1x128xi32, #tpu.memory_space<vmem>>
      %dma_start3A_190 = tpu.memref_squeeze %dma_start3A_189 : memref<1x128xi32, #tpu.memory_space<vmem>> -> memref<128xi32, #tpu.memory_space<vmem>>
      %dma_start3A_191 = arith.constant 0 : i32
      %dma_start3A_192 = arith.constant 0 : i32
      %dma_start3A_193 = tpu.memref_slice %arg11[%dma_start3A_191, %dma_start3A_192] : memref<10112x128xf32, #tpu.memory_space<vmem_shared>> -> memref<10112x128xf32, #tpu.memory_space<vmem_shared>>
      tpu.enqueue_indirect_dma source(%arg9 : memref<128x128xf32, #tpu.memory_space<vmem>>) target(%dma_start3A_193 : memref<10112x128xf32, #tpu.memory_space<vmem_shared>>) offsets(%dma_start3A_190 : memref<128xi32, #tpu.memory_space<vmem>>) semaphore(%arg14 : memref<!tpu.dma_semaphore, #tpu.memory_space<semaphore_mem>>) {add = true}
      %add3A_194 = arith.constant 1 : i32
      %add3A_195 = arith.addi %add3A_164, %add3A_194 : i32
      %sub3A_196 = arith.constant 1 : i32
      %sub3A_197 = arith.subi %add3A_195, %sub3A_196 : i32
      %dma_wait3A_198 = arith.constant 0 : i32
      %dma_wait3A_199 = tpu.memref_slice %arg8[%sub3A_197, %dma_wait3A_198] : memref<40x128xi32, #tpu.memory_space<vmem>> -> memref<1x128xi32, #tpu.memory_space<vmem>>
      %dma_wait3A_200 = tpu.memref_squeeze %dma_wait3A_199 : memref<1x128xi32, #tpu.memory_space<vmem>> -> memref<128xi32, #tpu.memory_space<vmem>>
      %dma_wait3A_201 = arith.constant 0 : i32
      %dma_wait3A_202 = arith.constant 0 : i32
      %dma_wait3A_203 = tpu.memref_slice %arg11[%dma_wait3A_201, %dma_wait3A_202] : memref<10112x128xf32, #tpu.memory_space<vmem_shared>> -> memref<10112x128xf32, #tpu.memory_space<vmem_shared>>
      tpu.wait_indirect_dma semaphore(%arg14 : memref<!tpu.dma_semaphore, #tpu.memory_space<semaphore_mem>>) src(%arg9 : memref<128x128xf32, #tpu.memory_space<vmem>>) dst(%dma_wait3A_203 : memref<10112x128xf32, #tpu.memory_space<vmem_shared>>)
      %add3A_204 = arith.constant 1 : i32
      %add3A_205 = arith.addi %add3A_195, %add3A_204 : i32
      %min3A_206 = arith.constant 39 : i32
      %min3A_207 = arith.minsi %add3A_205, %min3A_206 : i32
      %dma_start3A_208 = arith.constant 0 : i32
      %dma_start3A_209 = tpu.memref_slice %arg7[%min3A_207, %dma_start3A_208] : memref<40x128xi32, #tpu.memory_space<vmem>> -> memref<1x128xi32, #tpu.memory_space<vmem>>
      %dma_start3A_210 = tpu.memref_squeeze %dma_start3A_209 : memref<1x128xi32, #tpu.memory_space<vmem>> -> memref<128xi32, #tpu.memory_space<vmem>>
      %dma_start3A_211 = arith.constant 0 : i32
      %dma_start3A_212 = arith.constant 0 : i32
      %dma_start3A_213 = tpu.memref_slice %arg2[%dma_start3A_211, %dma_start3A_212] : memref<10112x128xf32, #tpu.memory_space<hbm>> -> memref<10112x128xf32, #tpu.memory_space<hbm>>
      tpu.enqueue_indirect_dma source(%dma_start3A_213 : memref<10112x128xf32, #tpu.memory_space<hbm>>) target(%arg9 : memref<128x128xf32, #tpu.memory_space<vmem>>) offsets(%dma_start3A_210 : memref<128xi32, #tpu.memory_space<vmem>>) semaphore(%arg12 : memref<!tpu.dma_semaphore, #tpu.memory_space<semaphore_mem>>)
      %dma_wait3A_214 = arith.constant 0 : i32
      %dma_wait3A_215 = tpu.memref_slice %arg7[%add3A_195, %dma_wait3A_214] : memref<40x128xi32, #tpu.memory_space<vmem>> -> memref<1x128xi32, #tpu.memory_space<vmem>>
      %dma_wait3A_216 = tpu.memref_squeeze %dma_wait3A_215 : memref<1x128xi32, #tpu.memory_space<vmem>> -> memref<128xi32, #tpu.memory_space<vmem>>
      %dma_wait3A_217 = arith.constant 0 : i32
      %dma_wait3A_218 = arith.constant 0 : i32
      %dma_wait3A_219 = tpu.memref_slice %arg2[%dma_wait3A_217, %dma_wait3A_218] : memref<10112x128xf32, #tpu.memory_space<hbm>> -> memref<10112x128xf32, #tpu.memory_space<hbm>>
      tpu.wait_indirect_dma semaphore(%arg13 : memref<!tpu.dma_semaphore, #tpu.memory_space<semaphore_mem>>) src(%dma_wait3A_219 : memref<10112x128xf32, #tpu.memory_space<hbm>>) dst(%arg10 : memref<128x128xf32, #tpu.memory_space<vmem>>)
      %dma_start3A_220 = arith.constant 0 : i32
      %dma_start3A_221 = tpu.memref_slice %arg8[%add3A_195, %dma_start3A_220] : memref<40x128xi32, #tpu.memory_space<vmem>> -> memref<1x128xi32, #tpu.memory_space<vmem>>
      %dma_start3A_222 = tpu.memref_squeeze %dma_start3A_221 : memref<1x128xi32, #tpu.memory_space<vmem>> -> memref<128xi32, #tpu.memory_space<vmem>>
      %dma_start3A_223 = arith.constant 0 : i32
      %dma_start3A_224 = arith.constant 0 : i32
      %dma_start3A_225 = tpu.memref_slice %arg11[%dma_start3A_223, %dma_start3A_224] : memref<10112x128xf32, #tpu.memory_space<vmem_shared>> -> memref<10112x128xf32, #tpu.memory_space<vmem_shared>>
      tpu.enqueue_indirect_dma source(%arg10 : memref<128x128xf32, #tpu.memory_space<vmem>>) target(%dma_start3A_225 : memref<10112x128xf32, #tpu.memory_space<vmem_shared>>) offsets(%dma_start3A_222 : memref<128xi32, #tpu.memory_space<vmem>>) semaphore(%arg15 : memref<!tpu.dma_semaphore, #tpu.memory_space<semaphore_mem>>) {add = true}
    }
    %scan3A_144 = arith.constant 19 : i32
    %dma_wait3A_145 = arith.constant 39 : i32
    %dma_wait3A_146 = arith.constant 0 : i32
    %dma_wait3A_147 = tpu.memref_slice %arg8[%dma_wait3A_145, %dma_wait3A_146] : memref<40x128xi32, #tpu.memory_space<vmem>> -> memref<1x128xi32, #tpu.memory_space<vmem>>
    %dma_wait3A_148 = tpu.memref_squeeze %dma_wait3A_147 : memref<1x128xi32, #tpu.memory_space<vmem>> -> memref<128xi32, #tpu.memory_space<vmem>>
    %dma_wait3A_149 = arith.constant 0 : i32
    %dma_wait3A_150 = arith.constant 0 : i32
    %dma_wait3A_151 = tpu.memref_slice %arg11[%dma_wait3A_149, %dma_wait3A_150] : memref<10112x128xf32, #tpu.memory_space<vmem_shared>> -> memref<10112x128xf32, #tpu.memory_space<vmem_shared>>
    tpu.wait_indirect_dma semaphore(%arg15 : memref<!tpu.dma_semaphore, #tpu.memory_space<semaphore_mem>>) src(%arg10 : memref<128x128xf32, #tpu.memory_space<vmem>>) dst(%dma_wait3A_151 : memref<10112x128xf32, #tpu.memory_space<vmem_shared>>)
    %dma_wait3A_152 = arith.constant 39 : i32
    %dma_wait3A_153 = arith.constant 0 : i32
    %dma_wait3A_154 = tpu.memref_slice %arg7[%dma_wait3A_152, %dma_wait3A_153] : memref<40x128xi32, #tpu.memory_space<vmem>> -> memref<1x128xi32, #tpu.memory_space<vmem>>
    %dma_wait3A_155 = tpu.memref_squeeze %dma_wait3A_154 : memref<1x128xi32, #tpu.memory_space<vmem>> -> memref<128xi32, #tpu.memory_space<vmem>>
    %dma_wait3A_156 = arith.constant 0 : i32
    %dma_wait3A_157 = arith.constant 0 : i32
    %dma_wait3A_158 = tpu.memref_slice %arg2[%dma_wait3A_156, %dma_wait3A_157] : memref<10112x128xf32, #tpu.memory_space<hbm>> -> memref<10112x128xf32, #tpu.memory_space<hbm>>
    tpu.wait_indirect_dma semaphore(%arg12 : memref<!tpu.dma_semaphore, #tpu.memory_space<semaphore_mem>>) src(%dma_wait3A_158 : memref<10112x128xf32, #tpu.memory_space<hbm>>) dst(%arg9 : memref<128x128xf32, #tpu.memory_space<vmem>>)
    %barrier3A_159 = arith.constant 0 : index
    tpu.barrier barrier_id(%barrier3A_159)
    "tpu.region"() ({
      %run_scoped3A = tpu.sem_alloc : memref<!tpu.dma_semaphore, #tpu.memory_space<semaphore_mem>>
      %dma_start3A_160 = arith.constant 0 : i32
      %dma_start3A_161 = tpu.memref_slice %arg6[%arg0, %mul3A_2, %dma_start3A_160] : memref<2x10112x128xf32, #tpu.memory_space<hbm>> -> memref<1x632x128xf32, #tpu.memory_space<hbm>>
      %dma_start3A_162 = tpu.memref_squeeze %dma_start3A_161 : memref<1x632x128xf32, #tpu.memory_space<hbm>> -> memref<632x128xf32, #tpu.memory_space<hbm>>
      %dma_start3A_163 = arith.constant 0 : i32
      %dma_start3A_164 = tpu.memref_slice %arg11[%mul3A_2, %dma_start3A_163] : memref<10112x128xf32, #tpu.memory_space<vmem_shared>> -> memref<632x128xf32, #tpu.memory_space<vmem_shared>>
      tpu.enqueue_dma source(%dma_start3A_164 : memref<632x128xf32, #tpu.memory_space<vmem_shared>>) target(%dma_start3A_162 : memref<632x128xf32, #tpu.memory_space<hbm>>) target_semaphore(%run_scoped3A : memref<!tpu.dma_semaphore, #tpu.memory_space<semaphore_mem>>)
      %dma_wait3A_165 = arith.constant 0 : i32
      %dma_wait3A_166 = tpu.memref_slice %arg6[%arg0, %mul3A_2, %dma_wait3A_165] : memref<2x10112x128xf32, #tpu.memory_space<hbm>> -> memref<1x632x128xf32, #tpu.memory_space<hbm>>
      %dma_wait3A_167 = tpu.memref_squeeze %dma_wait3A_166 : memref<1x632x128xf32, #tpu.memory_space<hbm>> -> memref<632x128xf32, #tpu.memory_space<hbm>>
      %dma_wait3A_168 = arith.constant 0 : i32
      %dma_wait3A_169 = tpu.memref_slice %arg11[%mul3A_2, %dma_wait3A_168] : memref<10112x128xf32, #tpu.memory_space<vmem_shared>> -> memref<632x128xf32, #tpu.memory_space<vmem_shared>>
      tpu.wait_dma2 semaphore(%run_scoped3A : memref<!tpu.dma_semaphore, #tpu.memory_space<semaphore_mem>>) src(%dma_wait3A_169 : memref<632x128xf32, #tpu.memory_space<vmem_shared>>) dst(%dma_wait3A_167 : memref<632x128xf32, #tpu.memory_space<hbm>>)
      tpu.yield
    }) : () -> ()
    return
  }
}

#map = affine_map<(d0, d1) -> (0, 0)>
#map1 = affine_map<(d0, d1) -> (0, 0, 0)>
module attributes {stable_mosaic.version = 14 : i64} {
  func.func @_sc_agg_body(%arg0: i32, %arg1: i32, %arg2: memref<10112x128xf32, #tpu.memory_space<hbm>>, %arg3: memref<32x80x128xi32, #tpu.memory_space<hbm>>, %arg4: memref<32x80x128xi32, #tpu.memory_space<hbm>>, %arg5: memref<632x128xf32, #tpu.memory_space<hbm>>, %arg6: memref<2x10112x128xf32, #tpu.memory_space<hbm>>, %arg7: memref<40x128xi32, #tpu.memory_space<vmem>>, %arg8: memref<40x128xi32, #tpu.memory_space<vmem>>, %arg9: memref<128x128xf32, #tpu.memory_space<vmem>>, %arg10: memref<128x128xf32, #tpu.memory_space<vmem>>, %arg11: memref<10112x128xf32, #tpu.memory_space<vmem_shared>>, %arg12: memref<!tpu.dma_semaphore, #tpu.memory_space<semaphore_mem>>, %arg13: memref<!tpu.dma_semaphore, #tpu.memory_space<semaphore_mem>>, %arg14: memref<!tpu.dma_semaphore, #tpu.memory_space<semaphore_mem>>, %arg15: memref<!tpu.dma_semaphore, #tpu.memory_space<semaphore_mem>>) attributes {dimension_semantics = [#tpu.dimension_semantics<core_parallel>, #tpu.dimension_semantics<subcore_parallel>], iteration_bounds = array<i64: 2, 16>, scalar_prefetch = 0 : i64, scratch_operands = 9 : i64, tpu.core_type = #tpu.core_type<sc_vector_subcore>, window_params = [{transform_indices = #map}, {transform_indices = #map1}, {transform_indices = #map1}, {transform_indices = #map}, {transform_indices = #map1}]} {
    %mul3A = arith.constant 16 : i32
    %mul3A_0 = arith.muli %arg0, %mul3A : i32
    %add3A = arith.addi %mul3A_0, %arg1 : i32
    %mul3A_1 = arith.constant 632 : i32
    %mul3A_2 = arith.muli %arg1, %mul3A_1 : i32
    "tpu.region"() ({
      %run_scoped3A = tpu.sem_alloc : memref<!tpu.dma_semaphore, #tpu.memory_space<semaphore_mem>>
      %dma_start3A_160 = arith.constant 0 : i32
      %dma_start3A_161 = tpu.memref_slice %arg11[%mul3A_2, %dma_start3A_160] : memref<10112x128xf32, #tpu.memory_space<vmem_shared>> -> memref<632x128xf32, #tpu.memory_space<vmem_shared>>
      tpu.enqueue_dma source(%arg5 : memref<632x128xf32, #tpu.memory_space<hbm>>) target(%dma_start3A_161 : memref<632x128xf32, #tpu.memory_space<vmem_shared>>) target_semaphore(%run_scoped3A : memref<!tpu.dma_semaphore, #tpu.memory_space<semaphore_mem>>)
      %dma_wait3A_162 = arith.constant 0 : i32
      %dma_wait3A_163 = tpu.memref_slice %arg11[%mul3A_2, %dma_wait3A_162] : memref<10112x128xf32, #tpu.memory_space<vmem_shared>> -> memref<632x128xf32, #tpu.memory_space<vmem_shared>>
      tpu.wait_dma2 semaphore(%run_scoped3A : memref<!tpu.dma_semaphore, #tpu.memory_space<semaphore_mem>>) src(%arg5 : memref<632x128xf32, #tpu.memory_space<hbm>>) dst(%dma_wait3A_163 : memref<632x128xf32, #tpu.memory_space<vmem_shared>>)
      tpu.yield
    }) : () -> ()
    %barrier3A = arith.constant 0 : index
    tpu.barrier barrier_id(%barrier3A)
    "tpu.region"() ({
      %run_scoped3A = tpu.sem_alloc : memref<!tpu.dma_semaphore, #tpu.memory_space<semaphore_mem>>
      %dma_start3A_160 = arith.constant 0 : i32
      %dma_start3A_161 = arith.constant 0 : i32
      %dma_start3A_162 = tpu.memref_slice %arg3[%add3A, %dma_start3A_160, %dma_start3A_161] : memref<32x80x128xi32, #tpu.memory_space<hbm>> -> memref<1x40x128xi32, #tpu.memory_space<hbm>>
      %dma_start3A_163 = tpu.memref_squeeze %dma_start3A_162 : memref<1x40x128xi32, #tpu.memory_space<hbm>> -> memref<40x128xi32, #tpu.memory_space<hbm>>
      %dma_start3A_164 = arith.constant 0 : i32
      %dma_start3A_165 = arith.constant 0 : i32
      %dma_start3A_166 = tpu.memref_slice %arg3[%add3A, %dma_start3A_164, %dma_start3A_165] : memref<32x80x128xi32, #tpu.memory_space<hbm>> -> memref<1x40x128xi32, #tpu.memory_space<hbm>>
      %dma_start3A_167 = tpu.memref_squeeze %dma_start3A_166 : memref<1x40x128xi32, #tpu.memory_space<hbm>> -> memref<40x128xi32, #tpu.memory_space<hbm>>
      tpu.enqueue_dma source(%dma_start3A_167 : memref<40x128xi32, #tpu.memory_space<hbm>>) target(%arg7 : memref<40x128xi32, #tpu.memory_space<vmem>>) target_semaphore(%run_scoped3A : memref<!tpu.dma_semaphore, #tpu.memory_space<semaphore_mem>>)
      %dma_wait3A_168 = arith.constant 0 : i32
      %dma_wait3A_169 = arith.constant 0 : i32
      %dma_wait3A_170 = tpu.memref_slice %arg3[%add3A, %dma_wait3A_168, %dma_wait3A_169] : memref<32x80x128xi32, #tpu.memory_space<hbm>> -> memref<1x40x128xi32, #tpu.memory_space<hbm>>
      %dma_wait3A_171 = tpu.memref_squeeze %dma_wait3A_170 : memref<1x40x128xi32, #tpu.memory_space<hbm>> -> memref<40x128xi32, #tpu.memory_space<hbm>>
      %dma_wait3A_172 = arith.constant 0 : i32
      %dma_wait3A_173 = arith.constant 0 : i32
      %dma_wait3A_174 = tpu.memref_slice %arg3[%add3A, %dma_wait3A_172, %dma_wait3A_173] : memref<32x80x128xi32, #tpu.memory_space<hbm>> -> memref<1x40x128xi32, #tpu.memory_space<hbm>>
      %dma_wait3A_175 = tpu.memref_squeeze %dma_wait3A_174 : memref<1x40x128xi32, #tpu.memory_space<hbm>> -> memref<40x128xi32, #tpu.memory_space<hbm>>
      tpu.wait_dma2 semaphore(%run_scoped3A : memref<!tpu.dma_semaphore, #tpu.memory_space<semaphore_mem>>) src(%dma_wait3A_175 : memref<40x128xi32, #tpu.memory_space<hbm>>) dst(%arg7 : memref<40x128xi32, #tpu.memory_space<vmem>>)
      tpu.yield
    }) : () -> ()
    "tpu.region"() ({
      %run_scoped3A = tpu.sem_alloc : memref<!tpu.dma_semaphore, #tpu.memory_space<semaphore_mem>>
      %dma_start3A_160 = arith.constant 0 : i32
      %dma_start3A_161 = arith.constant 0 : i32
      %dma_start3A_162 = tpu.memref_slice %arg4[%add3A, %dma_start3A_160, %dma_start3A_161] : memref<32x80x128xi32, #tpu.memory_space<hbm>> -> memref<1x40x128xi32, #tpu.memory_space<hbm>>
      %dma_start3A_163 = tpu.memref_squeeze %dma_start3A_162 : memref<1x40x128xi32, #tpu.memory_space<hbm>> -> memref<40x128xi32, #tpu.memory_space<hbm>>
      %dma_start3A_164 = arith.constant 0 : i32
      %dma_start3A_165 = arith.constant 0 : i32
      %dma_start3A_166 = tpu.memref_slice %arg4[%add3A, %dma_start3A_164, %dma_start3A_165] : memref<32x80x128xi32, #tpu.memory_space<hbm>> -> memref<1x40x128xi32, #tpu.memory_space<hbm>>
      %dma_start3A_167 = tpu.memref_squeeze %dma_start3A_166 : memref<1x40x128xi32, #tpu.memory_space<hbm>> -> memref<40x128xi32, #tpu.memory_space<hbm>>
      tpu.enqueue_dma source(%dma_start3A_167 : memref<40x128xi32, #tpu.memory_space<hbm>>) target(%arg8 : memref<40x128xi32, #tpu.memory_space<vmem>>) target_semaphore(%run_scoped3A : memref<!tpu.dma_semaphore, #tpu.memory_space<semaphore_mem>>)
      %dma_wait3A_168 = arith.constant 0 : i32
      %dma_wait3A_169 = arith.constant 0 : i32
      %dma_wait3A_170 = tpu.memref_slice %arg4[%add3A, %dma_wait3A_168, %dma_wait3A_169] : memref<32x80x128xi32, #tpu.memory_space<hbm>> -> memref<1x40x128xi32, #tpu.memory_space<hbm>>
      %dma_wait3A_171 = tpu.memref_squeeze %dma_wait3A_170 : memref<1x40x128xi32, #tpu.memory_space<hbm>> -> memref<40x128xi32, #tpu.memory_space<hbm>>
      %dma_wait3A_172 = arith.constant 0 : i32
      %dma_wait3A_173 = arith.constant 0 : i32
      %dma_wait3A_174 = tpu.memref_slice %arg4[%add3A, %dma_wait3A_172, %dma_wait3A_173] : memref<32x80x128xi32, #tpu.memory_space<hbm>> -> memref<1x40x128xi32, #tpu.memory_space<hbm>>
      %dma_wait3A_175 = tpu.memref_squeeze %dma_wait3A_174 : memref<1x40x128xi32, #tpu.memory_space<hbm>> -> memref<40x128xi32, #tpu.memory_space<hbm>>
      tpu.wait_dma2 semaphore(%run_scoped3A : memref<!tpu.dma_semaphore, #tpu.memory_space<semaphore_mem>>) src(%dma_wait3A_175 : memref<40x128xi32, #tpu.memory_space<hbm>>) dst(%arg8 : memref<40x128xi32, #tpu.memory_space<vmem>>)
      tpu.yield
    }) : () -> ()
    %dma_start3A = arith.constant 0 : i32
    %dma_start3A_3 = arith.constant 0 : i32
    %dma_start3A_4 = tpu.memref_slice %arg7[%dma_start3A, %dma_start3A_3] : memref<40x128xi32, #tpu.memory_space<vmem>> -> memref<1x128xi32, #tpu.memory_space<vmem>>
    %dma_start3A_5 = tpu.memref_squeeze %dma_start3A_4 : memref<1x128xi32, #tpu.memory_space<vmem>> -> memref<128xi32, #tpu.memory_space<vmem>>
    %dma_start3A_6 = arith.constant 0 : i32
    %dma_start3A_7 = arith.constant 0 : i32
    %dma_start3A_8 = tpu.memref_slice %arg2[%dma_start3A_6, %dma_start3A_7] : memref<10112x128xf32, #tpu.memory_space<hbm>> -> memref<10112x128xf32, #tpu.memory_space<hbm>>
    tpu.enqueue_indirect_dma source(%dma_start3A_8 : memref<10112x128xf32, #tpu.memory_space<hbm>>) target(%arg9 : memref<128x128xf32, #tpu.memory_space<vmem>>) offsets(%dma_start3A_5 : memref<128xi32, #tpu.memory_space<vmem>>) semaphore(%arg12 : memref<!tpu.dma_semaphore, #tpu.memory_space<semaphore_mem>>)
    %min3A = arith.constant 1 : i32
    %min3A_9 = arith.constant 39 : i32
    %min3A_10 = arith.minsi %min3A, %min3A_9 : i32
    %dma_start3A_11 = arith.constant 0 : i32
    %dma_start3A_12 = tpu.memref_slice %arg7[%min3A_10, %dma_start3A_11] : memref<40x128xi32, #tpu.memory_space<vmem>> -> memref<1x128xi32, #tpu.memory_space<vmem>>
    %dma_start3A_13 = tpu.memref_squeeze %dma_start3A_12 : memref<1x128xi32, #tpu.memory_space<vmem>> -> memref<128xi32, #tpu.memory_space<vmem>>
    %dma_start3A_14 = arith.constant 0 : i32
    %dma_start3A_15 = arith.constant 0 : i32
    %dma_start3A_16 = tpu.memref_slice %arg2[%dma_start3A_14, %dma_start3A_15] : memref<10112x128xf32, #tpu.memory_space<hbm>> -> memref<10112x128xf32, #tpu.memory_space<hbm>>
    tpu.enqueue_indirect_dma source(%dma_start3A_16 : memref<10112x128xf32, #tpu.memory_space<hbm>>) target(%arg10 : memref<128x128xf32, #tpu.memory_space<vmem>>) offsets(%dma_start3A_13 : memref<128xi32, #tpu.memory_space<vmem>>) semaphore(%arg13 : memref<!tpu.dma_semaphore, #tpu.memory_space<semaphore_mem>>)
    %dma_wait3A = arith.constant 0 : i32
    %dma_wait3A_17 = arith.constant 0 : i32
    %dma_wait3A_18 = tpu.memref_slice %arg7[%dma_wait3A, %dma_wait3A_17] : memref<40x128xi32, #tpu.memory_space<vmem>> -> memref<1x128xi32, #tpu.memory_space<vmem>>
    %dma_wait3A_19 = tpu.memref_squeeze %dma_wait3A_18 : memref<1x128xi32, #tpu.memory_space<vmem>> -> memref<128xi32, #tpu.memory_space<vmem>>
    %dma_wait3A_20 = arith.constant 0 : i32
    %dma_wait3A_21 = arith.constant 0 : i32
    %dma_wait3A_22 = tpu.memref_slice %arg2[%dma_wait3A_20, %dma_wait3A_21] : memref<10112x128xf32, #tpu.memory_space<hbm>> -> memref<10112x128xf32, #tpu.memory_space<hbm>>
    tpu.wait_indirect_dma semaphore(%arg12 : memref<!tpu.dma_semaphore, #tpu.memory_space<semaphore_mem>>) src(%dma_wait3A_22 : memref<10112x128xf32, #tpu.memory_space<hbm>>) dst(%arg9 : memref<128x128xf32, #tpu.memory_space<vmem>>)
    %dma_start3A_23 = arith.constant 0 : i32
    %dma_start3A_24 = arith.constant 0 : i32
    %dma_start3A_25 = tpu.memref_slice %arg8[%dma_start3A_23, %dma_start3A_24] : memref<40x128xi32, #tpu.memory_space<vmem>> -> memref<1x128xi32, #tpu.memory_space<vmem>>
    %dma_start3A_26 = tpu.memref_squeeze %dma_start3A_25 : memref<1x128xi32, #tpu.memory_space<vmem>> -> memref<128xi32, #tpu.memory_space<vmem>>
    %dma_start3A_27 = arith.constant 0 : i32
    %dma_start3A_28 = arith.constant 0 : i32
    %dma_start3A_29 = tpu.memref_slice %arg11[%dma_start3A_27, %dma_start3A_28] : memref<10112x128xf32, #tpu.memory_space<vmem_shared>> -> memref<10112x128xf32, #tpu.memory_space<vmem_shared>>
    tpu.enqueue_indirect_dma source(%arg9 : memref<128x128xf32, #tpu.memory_space<vmem>>) target(%dma_start3A_29 : memref<10112x128xf32, #tpu.memory_space<vmem_shared>>) offsets(%dma_start3A_26 : memref<128xi32, #tpu.memory_space<vmem>>) semaphore(%arg14 : memref<!tpu.dma_semaphore, #tpu.memory_space<semaphore_mem>>) {add = true}
    %dma_wait3A_30 = arith.constant 0 : i32
    %dma_wait3A_31 = arith.constant 0 : i32
    %dma_wait3A_32 = tpu.memref_slice %arg8[%dma_wait3A_30, %dma_wait3A_31] : memref<40x128xi32, #tpu.memory_space<vmem>> -> memref<1x128xi32, #tpu.memory_space<vmem>>
    %dma_wait3A_33 = tpu.memref_squeeze %dma_wait3A_32 : memref<1x128xi32, #tpu.memory_space<vmem>> -> memref<128xi32, #tpu.memory_space<vmem>>
    %dma_wait3A_34 = arith.constant 0 : i32
    %dma_wait3A_35 = arith.constant 0 : i32
    %dma_wait3A_36 = tpu.memref_slice %arg11[%dma_wait3A_34, %dma_wait3A_35] : memref<10112x128xf32, #tpu.memory_space<vmem_shared>> -> memref<10112x128xf32, #tpu.memory_space<vmem_shared>>
    tpu.wait_indirect_dma semaphore(%arg14 : memref<!tpu.dma_semaphore, #tpu.memory_space<semaphore_mem>>) src(%arg9 : memref<128x128xf32, #tpu.memory_space<vmem>>) dst(%dma_wait3A_36 : memref<10112x128xf32, #tpu.memory_space<vmem_shared>>)
    %min3A_37 = arith.constant 2 : i32
    %min3A_38 = arith.constant 39 : i32
    %min3A_39 = arith.minsi %min3A_37, %min3A_38 : i32
    %dma_start3A_40 = arith.constant 0 : i32
    %dma_start3A_41 = tpu.memref_slice %arg7[%min3A_39, %dma_start3A_40] : memref<40x128xi32, #tpu.memory_space<vmem>> -> memref<1x128xi32, #tpu.memory_space<vmem>>
    %dma_start3A_42 = tpu.memref_squeeze %dma_start3A_41 : memref<1x128xi32, #tpu.memory_space<vmem>> -> memref<128xi32, #tpu.memory_space<vmem>>
    %dma_start3A_43 = arith.constant 0 : i32
    %dma_start3A_44 = arith.constant 0 : i32
    %dma_start3A_45 = tpu.memref_slice %arg2[%dma_start3A_43, %dma_start3A_44] : memref<10112x128xf32, #tpu.memory_space<hbm>> -> memref<10112x128xf32, #tpu.memory_space<hbm>>
    tpu.enqueue_indirect_dma source(%dma_start3A_45 : memref<10112x128xf32, #tpu.memory_space<hbm>>) target(%arg9 : memref<128x128xf32, #tpu.memory_space<vmem>>) offsets(%dma_start3A_42 : memref<128xi32, #tpu.memory_space<vmem>>) semaphore(%arg12 : memref<!tpu.dma_semaphore, #tpu.memory_space<semaphore_mem>>)
    %dma_wait3A_46 = arith.constant 1 : i32
    %dma_wait3A_47 = arith.constant 0 : i32
    %dma_wait3A_48 = tpu.memref_slice %arg7[%dma_wait3A_46, %dma_wait3A_47] : memref<40x128xi32, #tpu.memory_space<vmem>> -> memref<1x128xi32, #tpu.memory_space<vmem>>
    %dma_wait3A_49 = tpu.memref_squeeze %dma_wait3A_48 : memref<1x128xi32, #tpu.memory_space<vmem>> -> memref<128xi32, #tpu.memory_space<vmem>>
    %dma_wait3A_50 = arith.constant 0 : i32
    %dma_wait3A_51 = arith.constant 0 : i32
    %dma_wait3A_52 = tpu.memref_slice %arg2[%dma_wait3A_50, %dma_wait3A_51] : memref<10112x128xf32, #tpu.memory_space<hbm>> -> memref<10112x128xf32, #tpu.memory_space<hbm>>
    tpu.wait_indirect_dma semaphore(%arg13 : memref<!tpu.dma_semaphore, #tpu.memory_space<semaphore_mem>>) src(%dma_wait3A_52 : memref<10112x128xf32, #tpu.memory_space<hbm>>) dst(%arg10 : memref<128x128xf32, #tpu.memory_space<vmem>>)
    %dma_start3A_53 = arith.constant 1 : i32
    %dma_start3A_54 = arith.constant 0 : i32
    %dma_start3A_55 = tpu.memref_slice %arg8[%dma_start3A_53, %dma_start3A_54] : memref<40x128xi32, #tpu.memory_space<vmem>> -> memref<1x128xi32, #tpu.memory_space<vmem>>
    %dma_start3A_56 = tpu.memref_squeeze %dma_start3A_55 : memref<1x128xi32, #tpu.memory_space<vmem>> -> memref<128xi32, #tpu.memory_space<vmem>>
    %dma_start3A_57 = arith.constant 0 : i32
    %dma_start3A_58 = arith.constant 0 : i32
    %dma_start3A_59 = tpu.memref_slice %arg11[%dma_start3A_57, %dma_start3A_58] : memref<10112x128xf32, #tpu.memory_space<vmem_shared>> -> memref<10112x128xf32, #tpu.memory_space<vmem_shared>>
    tpu.enqueue_indirect_dma source(%arg10 : memref<128x128xf32, #tpu.memory_space<vmem>>) target(%dma_start3A_59 : memref<10112x128xf32, #tpu.memory_space<vmem_shared>>) offsets(%dma_start3A_56 : memref<128xi32, #tpu.memory_space<vmem>>) semaphore(%arg15 : memref<!tpu.dma_semaphore, #tpu.memory_space<semaphore_mem>>) {add = true}
    %scan3A = arith.constant 0 : i32
    %scan3A_60 = arith.constant 0 : i32
    %scan3A_61 = arith.constant 19 : i32
    %scan3A_62 = arith.addi %scan3A_60, %scan3A_61 : i32
    %scan3A_63 = arith.constant 1 : i32
    scf.for %scan3A_160 = %scan3A_60 to %scan3A_62 step %scan3A_63  : i32 {
      %mul3A_161 = arith.constant 2 : i32
      %mul3A_162 = arith.muli %mul3A_161, %scan3A_160 : i32
      %add3A_163 = arith.constant 2 : i32
      %add3A_164 = arith.addi %mul3A_162, %add3A_163 : i32
      %sub3A = arith.constant 1 : i32
      %sub3A_165 = arith.subi %add3A_164, %sub3A : i32
      %dma_wait3A_166 = arith.constant 0 : i32
      %dma_wait3A_167 = tpu.memref_slice %arg8[%sub3A_165, %dma_wait3A_166] : memref<40x128xi32, #tpu.memory_space<vmem>> -> memref<1x128xi32, #tpu.memory_space<vmem>>
      %dma_wait3A_168 = tpu.memref_squeeze %dma_wait3A_167 : memref<1x128xi32, #tpu.memory_space<vmem>> -> memref<128xi32, #tpu.memory_space<vmem>>
      %dma_wait3A_169 = arith.constant 0 : i32
      %dma_wait3A_170 = arith.constant 0 : i32
      %dma_wait3A_171 = tpu.memref_slice %arg11[%dma_wait3A_169, %dma_wait3A_170] : memref<10112x128xf32, #tpu.memory_space<vmem_shared>> -> memref<10112x128xf32, #tpu.memory_space<vmem_shared>>
      tpu.wait_indirect_dma semaphore(%arg15 : memref<!tpu.dma_semaphore, #tpu.memory_space<semaphore_mem>>) src(%arg10 : memref<128x128xf32, #tpu.memory_space<vmem>>) dst(%dma_wait3A_171 : memref<10112x128xf32, #tpu.memory_space<vmem_shared>>)
      %add3A_172 = arith.constant 1 : i32
      %add3A_173 = arith.addi %add3A_164, %add3A_172 : i32
      %min3A_174 = arith.constant 39 : i32
      %min3A_175 = arith.minsi %add3A_173, %min3A_174 : i32
      %dma_start3A_176 = arith.constant 0 : i32
      %dma_start3A_177 = tpu.memref_slice %arg7[%min3A_175, %dma_start3A_176] : memref<40x128xi32, #tpu.memory_space<vmem>> -> memref<1x128xi32, #tpu.memory_space<vmem>>
      %dma_start3A_178 = tpu.memref_squeeze %dma_start3A_177 : memref<1x128xi32, #tpu.memory_space<vmem>> -> memref<128xi32, #tpu.memory_space<vmem>>
      %dma_start3A_179 = arith.constant 0 : i32
      %dma_start3A_180 = arith.constant 0 : i32
      %dma_start3A_181 = tpu.memref_slice %arg2[%dma_start3A_179, %dma_start3A_180] : memref<10112x128xf32, #tpu.memory_space<hbm>> -> memref<10112x128xf32, #tpu.memory_space<hbm>>
      tpu.enqueue_indirect_dma source(%dma_start3A_181 : memref<10112x128xf32, #tpu.memory_space<hbm>>) target(%arg10 : memref<128x128xf32, #tpu.memory_space<vmem>>) offsets(%dma_start3A_178 : memref<128xi32, #tpu.memory_space<vmem>>) semaphore(%arg13 : memref<!tpu.dma_semaphore, #tpu.memory_space<semaphore_mem>>)
      %dma_wait3A_182 = arith.constant 0 : i32
      %dma_wait3A_183 = tpu.memref_slice %arg7[%add3A_164, %dma_wait3A_182] : memref<40x128xi32, #tpu.memory_space<vmem>> -> memref<1x128xi32, #tpu.memory_space<vmem>>
      %dma_wait3A_184 = tpu.memref_squeeze %dma_wait3A_183 : memref<1x128xi32, #tpu.memory_space<vmem>> -> memref<128xi32, #tpu.memory_space<vmem>>
      %dma_wait3A_185 = arith.constant 0 : i32
      %dma_wait3A_186 = arith.constant 0 : i32
      %dma_wait3A_187 = tpu.memref_slice %arg2[%dma_wait3A_185, %dma_wait3A_186] : memref<10112x128xf32, #tpu.memory_space<hbm>> -> memref<10112x128xf32, #tpu.memory_space<hbm>>
      tpu.wait_indirect_dma semaphore(%arg12 : memref<!tpu.dma_semaphore, #tpu.memory_space<semaphore_mem>>) src(%dma_wait3A_187 : memref<10112x128xf32, #tpu.memory_space<hbm>>) dst(%arg9 : memref<128x128xf32, #tpu.memory_space<vmem>>)
      %dma_start3A_188 = arith.constant 0 : i32
      %dma_start3A_189 = tpu.memref_slice %arg8[%add3A_164, %dma_start3A_188] : memref<40x128xi32, #tpu.memory_space<vmem>> -> memref<1x128xi32, #tpu.memory_space<vmem>>
      %dma_start3A_190 = tpu.memref_squeeze %dma_start3A_189 : memref<1x128xi32, #tpu.memory_space<vmem>> -> memref<128xi32, #tpu.memory_space<vmem>>
      %dma_start3A_191 = arith.constant 0 : i32
      %dma_start3A_192 = arith.constant 0 : i32
      %dma_start3A_193 = tpu.memref_slice %arg11[%dma_start3A_191, %dma_start3A_192] : memref<10112x128xf32, #tpu.memory_space<vmem_shared>> -> memref<10112x128xf32, #tpu.memory_space<vmem_shared>>
      tpu.enqueue_indirect_dma source(%arg9 : memref<128x128xf32, #tpu.memory_space<vmem>>) target(%dma_start3A_193 : memref<10112x128xf32, #tpu.memory_space<vmem_shared>>) offsets(%dma_start3A_190 : memref<128xi32, #tpu.memory_space<vmem>>) semaphore(%arg14 : memref<!tpu.dma_semaphore, #tpu.memory_space<semaphore_mem>>) {add = true}
      %add3A_194 = arith.constant 1 : i32
      %add3A_195 = arith.addi %add3A_164, %add3A_194 : i32
      %sub3A_196 = arith.constant 1 : i32
      %sub3A_197 = arith.subi %add3A_195, %sub3A_196 : i32
      %dma_wait3A_198 = arith.constant 0 : i32
      %dma_wait3A_199 = tpu.memref_slice %arg8[%sub3A_197, %dma_wait3A_198] : memref<40x128xi32, #tpu.memory_space<vmem>> -> memref<1x128xi32, #tpu.memory_space<vmem>>
      %dma_wait3A_200 = tpu.memref_squeeze %dma_wait3A_199 : memref<1x128xi32, #tpu.memory_space<vmem>> -> memref<128xi32, #tpu.memory_space<vmem>>
      %dma_wait3A_201 = arith.constant 0 : i32
      %dma_wait3A_202 = arith.constant 0 : i32
      %dma_wait3A_203 = tpu.memref_slice %arg11[%dma_wait3A_201, %dma_wait3A_202] : memref<10112x128xf32, #tpu.memory_space<vmem_shared>> -> memref<10112x128xf32, #tpu.memory_space<vmem_shared>>
      tpu.wait_indirect_dma semaphore(%arg14 : memref<!tpu.dma_semaphore, #tpu.memory_space<semaphore_mem>>) src(%arg9 : memref<128x128xf32, #tpu.memory_space<vmem>>) dst(%dma_wait3A_203 : memref<10112x128xf32, #tpu.memory_space<vmem_shared>>)
      %add3A_204 = arith.constant 1 : i32
      %add3A_205 = arith.addi %add3A_195, %add3A_204 : i32
      %min3A_206 = arith.constant 39 : i32
      %min3A_207 = arith.minsi %add3A_205, %min3A_206 : i32
      %dma_start3A_208 = arith.constant 0 : i32
      %dma_start3A_209 = tpu.memref_slice %arg7[%min3A_207, %dma_start3A_208] : memref<40x128xi32, #tpu.memory_space<vmem>> -> memref<1x128xi32, #tpu.memory_space<vmem>>
      %dma_start3A_210 = tpu.memref_squeeze %dma_start3A_209 : memref<1x128xi32, #tpu.memory_space<vmem>> -> memref<128xi32, #tpu.memory_space<vmem>>
      %dma_start3A_211 = arith.constant 0 : i32
      %dma_start3A_212 = arith.constant 0 : i32
      %dma_start3A_213 = tpu.memref_slice %arg2[%dma_start3A_211, %dma_start3A_212] : memref<10112x128xf32, #tpu.memory_space<hbm>> -> memref<10112x128xf32, #tpu.memory_space<hbm>>
      tpu.enqueue_indirect_dma source(%dma_start3A_213 : memref<10112x128xf32, #tpu.memory_space<hbm>>) target(%arg9 : memref<128x128xf32, #tpu.memory_space<vmem>>) offsets(%dma_start3A_210 : memref<128xi32, #tpu.memory_space<vmem>>) semaphore(%arg12 : memref<!tpu.dma_semaphore, #tpu.memory_space<semaphore_mem>>)
      %dma_wait3A_214 = arith.constant 0 : i32
      %dma_wait3A_215 = tpu.memref_slice %arg7[%add3A_195, %dma_wait3A_214] : memref<40x128xi32, #tpu.memory_space<vmem>> -> memref<1x128xi32, #tpu.memory_space<vmem>>
      %dma_wait3A_216 = tpu.memref_squeeze %dma_wait3A_215 : memref<1x128xi32, #tpu.memory_space<vmem>> -> memref<128xi32, #tpu.memory_space<vmem>>
      %dma_wait3A_217 = arith.constant 0 : i32
      %dma_wait3A_218 = arith.constant 0 : i32
      %dma_wait3A_219 = tpu.memref_slice %arg2[%dma_wait3A_217, %dma_wait3A_218] : memref<10112x128xf32, #tpu.memory_space<hbm>> -> memref<10112x128xf32, #tpu.memory_space<hbm>>
      tpu.wait_indirect_dma semaphore(%arg13 : memref<!tpu.dma_semaphore, #tpu.memory_space<semaphore_mem>>) src(%dma_wait3A_219 : memref<10112x128xf32, #tpu.memory_space<hbm>>) dst(%arg10 : memref<128x128xf32, #tpu.memory_space<vmem>>)
      %dma_start3A_220 = arith.constant 0 : i32
      %dma_start3A_221 = tpu.memref_slice %arg8[%add3A_195, %dma_start3A_220] : memref<40x128xi32, #tpu.memory_space<vmem>> -> memref<1x128xi32, #tpu.memory_space<vmem>>
      %dma_start3A_222 = tpu.memref_squeeze %dma_start3A_221 : memref<1x128xi32, #tpu.memory_space<vmem>> -> memref<128xi32, #tpu.memory_space<vmem>>
      %dma_start3A_223 = arith.constant 0 : i32
      %dma_start3A_224 = arith.constant 0 : i32
      %dma_start3A_225 = tpu.memref_slice %arg11[%dma_start3A_223, %dma_start3A_224] : memref<10112x128xf32, #tpu.memory_space<vmem_shared>> -> memref<10112x128xf32, #tpu.memory_space<vmem_shared>>
      tpu.enqueue_indirect_dma source(%arg10 : memref<128x128xf32, #tpu.memory_space<vmem>>) target(%dma_start3A_225 : memref<10112x128xf32, #tpu.memory_space<vmem_shared>>) offsets(%dma_start3A_222 : memref<128xi32, #tpu.memory_space<vmem>>) semaphore(%arg15 : memref<!tpu.dma_semaphore, #tpu.memory_space<semaphore_mem>>) {add = true}
    }
    %scan3A_64 = arith.constant 19 : i32
    %dma_wait3A_65 = arith.constant 39 : i32
    %dma_wait3A_66 = arith.constant 0 : i32
    %dma_wait3A_67 = tpu.memref_slice %arg8[%dma_wait3A_65, %dma_wait3A_66] : memref<40x128xi32, #tpu.memory_space<vmem>> -> memref<1x128xi32, #tpu.memory_space<vmem>>
    %dma_wait3A_68 = tpu.memref_squeeze %dma_wait3A_67 : memref<1x128xi32, #tpu.memory_space<vmem>> -> memref<128xi32, #tpu.memory_space<vmem>>
    %dma_wait3A_69 = arith.constant 0 : i32
    %dma_wait3A_70 = arith.constant 0 : i32
    %dma_wait3A_71 = tpu.memref_slice %arg11[%dma_wait3A_69, %dma_wait3A_70] : memref<10112x128xf32, #tpu.memory_space<vmem_shared>> -> memref<10112x128xf32, #tpu.memory_space<vmem_shared>>
    tpu.wait_indirect_dma semaphore(%arg15 : memref<!tpu.dma_semaphore, #tpu.memory_space<semaphore_mem>>) src(%arg10 : memref<128x128xf32, #tpu.memory_space<vmem>>) dst(%dma_wait3A_71 : memref<10112x128xf32, #tpu.memory_space<vmem_shared>>)
    %dma_wait3A_72 = arith.constant 39 : i32
    %dma_wait3A_73 = arith.constant 0 : i32
    %dma_wait3A_74 = tpu.memref_slice %arg7[%dma_wait3A_72, %dma_wait3A_73] : memref<40x128xi32, #tpu.memory_space<vmem>> -> memref<1x128xi32, #tpu.memory_space<vmem>>
    %dma_wait3A_75 = tpu.memref_squeeze %dma_wait3A_74 : memref<1x128xi32, #tpu.memory_space<vmem>> -> memref<128xi32, #tpu.memory_space<vmem>>
    %dma_wait3A_76 = arith.constant 0 : i32
    %dma_wait3A_77 = arith.constant 0 : i32
    %dma_wait3A_78 = tpu.memref_slice %arg2[%dma_wait3A_76, %dma_wait3A_77] : memref<10112x128xf32, #tpu.memory_space<hbm>> -> memref<10112x128xf32, #tpu.memory_space<hbm>>
    tpu.wait_indirect_dma semaphore(%arg12 : memref<!tpu.dma_semaphore, #tpu.memory_space<semaphore_mem>>) src(%dma_wait3A_78 : memref<10112x128xf32, #tpu.memory_space<hbm>>) dst(%arg9 : memref<128x128xf32, #tpu.memory_space<vmem>>)
    "tpu.region"() ({
      %run_scoped3A = tpu.sem_alloc : memref<!tpu.dma_semaphore, #tpu.memory_space<semaphore_mem>>
      %dma_start3A_160 = arith.constant 40 : i32
      %dma_start3A_161 = arith.constant 0 : i32
      %dma_start3A_162 = tpu.memref_slice %arg3[%add3A, %dma_start3A_160, %dma_start3A_161] : memref<32x80x128xi32, #tpu.memory_space<hbm>> -> memref<1x40x128xi32, #tpu.memory_space<hbm>>
      %dma_start3A_163 = tpu.memref_squeeze %dma_start3A_162 : memref<1x40x128xi32, #tpu.memory_space<hbm>> -> memref<40x128xi32, #tpu.memory_space<hbm>>
      %dma_start3A_164 = arith.constant 40 : i32
      %dma_start3A_165 = arith.constant 0 : i32
      %dma_start3A_166 = tpu.memref_slice %arg3[%add3A, %dma_start3A_164, %dma_start3A_165] : memref<32x80x128xi32, #tpu.memory_space<hbm>> -> memref<1x40x128xi32, #tpu.memory_space<hbm>>
      %dma_start3A_167 = tpu.memref_squeeze %dma_start3A_166 : memref<1x40x128xi32, #tpu.memory_space<hbm>> -> memref<40x128xi32, #tpu.memory_space<hbm>>
      tpu.enqueue_dma source(%dma_start3A_167 : memref<40x128xi32, #tpu.memory_space<hbm>>) target(%arg7 : memref<40x128xi32, #tpu.memory_space<vmem>>) target_semaphore(%run_scoped3A : memref<!tpu.dma_semaphore, #tpu.memory_space<semaphore_mem>>)
      %dma_wait3A_168 = arith.constant 40 : i32
      %dma_wait3A_169 = arith.constant 0 : i32
      %dma_wait3A_170 = tpu.memref_slice %arg3[%add3A, %dma_wait3A_168, %dma_wait3A_169] : memref<32x80x128xi32, #tpu.memory_space<hbm>> -> memref<1x40x128xi32, #tpu.memory_space<hbm>>
      %dma_wait3A_171 = tpu.memref_squeeze %dma_wait3A_170 : memref<1x40x128xi32, #tpu.memory_space<hbm>> -> memref<40x128xi32, #tpu.memory_space<hbm>>
      %dma_wait3A_172 = arith.constant 40 : i32
      %dma_wait3A_173 = arith.constant 0 : i32
      %dma_wait3A_174 = tpu.memref_slice %arg3[%add3A, %dma_wait3A_172, %dma_wait3A_173] : memref<32x80x128xi32, #tpu.memory_space<hbm>> -> memref<1x40x128xi32, #tpu.memory_space<hbm>>
      %dma_wait3A_175 = tpu.memref_squeeze %dma_wait3A_174 : memref<1x40x128xi32, #tpu.memory_space<hbm>> -> memref<40x128xi32, #tpu.memory_space<hbm>>
      tpu.wait_dma2 semaphore(%run_scoped3A : memref<!tpu.dma_semaphore, #tpu.memory_space<semaphore_mem>>) src(%dma_wait3A_175 : memref<40x128xi32, #tpu.memory_space<hbm>>) dst(%arg7 : memref<40x128xi32, #tpu.memory_space<vmem>>)
      tpu.yield
    }) : () -> ()
    "tpu.region"() ({
      %run_scoped3A = tpu.sem_alloc : memref<!tpu.dma_semaphore, #tpu.memory_space<semaphore_mem>>
      %dma_start3A_160 = arith.constant 40 : i32
      %dma_start3A_161 = arith.constant 0 : i32
      %dma_start3A_162 = tpu.memref_slice %arg4[%add3A, %dma_start3A_160, %dma_start3A_161] : memref<32x80x128xi32, #tpu.memory_space<hbm>> -> memref<1x40x128xi32, #tpu.memory_space<hbm>>
      %dma_start3A_163 = tpu.memref_squeeze %dma_start3A_162 : memref<1x40x128xi32, #tpu.memory_space<hbm>> -> memref<40x128xi32, #tpu.memory_space<hbm>>
      %dma_start3A_164 = arith.constant 40 : i32
      %dma_start3A_165 = arith.constant 0 : i32
      %dma_start3A_166 = tpu.memref_slice %arg4[%add3A, %dma_start3A_164, %dma_start3A_165] : memref<32x80x128xi32, #tpu.memory_space<hbm>> -> memref<1x40x128xi32, #tpu.memory_space<hbm>>
      %dma_start3A_167 = tpu.memref_squeeze %dma_start3A_166 : memref<1x40x128xi32, #tpu.memory_space<hbm>> -> memref<40x128xi32, #tpu.memory_space<hbm>>
      tpu.enqueue_dma source(%dma_start3A_167 : memref<40x128xi32, #tpu.memory_space<hbm>>) target(%arg8 : memref<40x128xi32, #tpu.memory_space<vmem>>) target_semaphore(%run_scoped3A : memref<!tpu.dma_semaphore, #tpu.memory_space<semaphore_mem>>)
      %dma_wait3A_168 = arith.constant 40 : i32
      %dma_wait3A_169 = arith.constant 0 : i32
      %dma_wait3A_170 = tpu.memref_slice %arg4[%add3A, %dma_wait3A_168, %dma_wait3A_169] : memref<32x80x128xi32, #tpu.memory_space<hbm>> -> memref<1x40x128xi32, #tpu.memory_space<hbm>>
      %dma_wait3A_171 = tpu.memref_squeeze %dma_wait3A_170 : memref<1x40x128xi32, #tpu.memory_space<hbm>> -> memref<40x128xi32, #tpu.memory_space<hbm>>
      %dma_wait3A_172 = arith.constant 40 : i32
      %dma_wait3A_173 = arith.constant 0 : i32
      %dma_wait3A_174 = tpu.memref_slice %arg4[%add3A, %dma_wait3A_172, %dma_wait3A_173] : memref<32x80x128xi32, #tpu.memory_space<hbm>> -> memref<1x40x128xi32, #tpu.memory_space<hbm>>
      %dma_wait3A_175 = tpu.memref_squeeze %dma_wait3A_174 : memref<1x40x128xi32, #tpu.memory_space<hbm>> -> memref<40x128xi32, #tpu.memory_space<hbm>>
      tpu.wait_dma2 semaphore(%run_scoped3A : memref<!tpu.dma_semaphore, #tpu.memory_space<semaphore_mem>>) src(%dma_wait3A_175 : memref<40x128xi32, #tpu.memory_space<hbm>>) dst(%arg8 : memref<40x128xi32, #tpu.memory_space<vmem>>)
      tpu.yield
    }) : () -> ()
    %dma_start3A_79 = arith.constant 0 : i32
    %dma_start3A_80 = arith.constant 0 : i32
    %dma_start3A_81 = tpu.memref_slice %arg7[%dma_start3A_79, %dma_start3A_80] : memref<40x128xi32, #tpu.memory_space<vmem>> -> memref<1x128xi32, #tpu.memory_space<vmem>>
    %dma_start3A_82 = tpu.memref_squeeze %dma_start3A_81 : memref<1x128xi32, #tpu.memory_space<vmem>> -> memref<128xi32, #tpu.memory_space<vmem>>
    %dma_start3A_83 = arith.constant 0 : i32
    %dma_start3A_84 = arith.constant 0 : i32
    %dma_start3A_85 = tpu.memref_slice %arg2[%dma_start3A_83, %dma_start3A_84] : memref<10112x128xf32, #tpu.memory_space<hbm>> -> memref<10112x128xf32, #tpu.memory_space<hbm>>
    tpu.enqueue_indirect_dma source(%dma_start3A_85 : memref<10112x128xf32, #tpu.memory_space<hbm>>) target(%arg9 : memref<128x128xf32, #tpu.memory_space<vmem>>) offsets(%dma_start3A_82 : memref<128xi32, #tpu.memory_space<vmem>>) semaphore(%arg12 : memref<!tpu.dma_semaphore, #tpu.memory_space<semaphore_mem>>)
    %min3A_86 = arith.constant 1 : i32
    %min3A_87 = arith.constant 39 : i32
    %min3A_88 = arith.minsi %min3A_86, %min3A_87 : i32
    %dma_start3A_89 = arith.constant 0 : i32
    %dma_start3A_90 = tpu.memref_slice %arg7[%min3A_88, %dma_start3A_89] : memref<40x128xi32, #tpu.memory_space<vmem>> -> memref<1x128xi32, #tpu.memory_space<vmem>>
    %dma_start3A_91 = tpu.memref_squeeze %dma_start3A_90 : memref<1x128xi32, #tpu.memory_space<vmem>> -> memref<128xi32, #tpu.memory_space<vmem>>
    %dma_start3A_92 = arith.constant 0 : i32
    %dma_start3A_93 = arith.constant 0 : i32
    %dma_start3A_94 = tpu.memref_slice %arg2[%dma_start3A_92, %dma_start3A_93] : memref<10112x128xf32, #tpu.memory_space<hbm>> -> memref<10112x128xf32, #tpu.memory_space<hbm>>
    tpu.enqueue_indirect_dma source(%dma_start3A_94 : memref<10112x128xf32, #tpu.memory_space<hbm>>) target(%arg10 : memref<128x128xf32, #tpu.memory_space<vmem>>) offsets(%dma_start3A_91 : memref<128xi32, #tpu.memory_space<vmem>>) semaphore(%arg13 : memref<!tpu.dma_semaphore, #tpu.memory_space<semaphore_mem>>)
    %dma_wait3A_95 = arith.constant 0 : i32
    %dma_wait3A_96 = arith.constant 0 : i32
    %dma_wait3A_97 = tpu.memref_slice %arg7[%dma_wait3A_95, %dma_wait3A_96] : memref<40x128xi32, #tpu.memory_space<vmem>> -> memref<1x128xi32, #tpu.memory_space<vmem>>
    %dma_wait3A_98 = tpu.memref_squeeze %dma_wait3A_97 : memref<1x128xi32, #tpu.memory_space<vmem>> -> memref<128xi32, #tpu.memory_space<vmem>>
    %dma_wait3A_99 = arith.constant 0 : i32
    %dma_wait3A_100 = arith.constant 0 : i32
    %dma_wait3A_101 = tpu.memref_slice %arg2[%dma_wait3A_99, %dma_wait3A_100] : memref<10112x128xf32, #tpu.memory_space<hbm>> -> memref<10112x128xf32, #tpu.memory_space<hbm>>
    tpu.wait_indirect_dma semaphore(%arg12 : memref<!tpu.dma_semaphore, #tpu.memory_space<semaphore_mem>>) src(%dma_wait3A_101 : memref<10112x128xf32, #tpu.memory_space<hbm>>) dst(%arg9 : memref<128x128xf32, #tpu.memory_space<vmem>>)
    %dma_start3A_102 = arith.constant 0 : i32
    %dma_start3A_103 = arith.constant 0 : i32
    %dma_start3A_104 = tpu.memref_slice %arg8[%dma_start3A_102, %dma_start3A_103] : memref<40x128xi32, #tpu.memory_space<vmem>> -> memref<1x128xi32, #tpu.memory_space<vmem>>
    %dma_start3A_105 = tpu.memref_squeeze %dma_start3A_104 : memref<1x128xi32, #tpu.memory_space<vmem>> -> memref<128xi32, #tpu.memory_space<vmem>>
    %dma_start3A_106 = arith.constant 0 : i32
    %dma_start3A_107 = arith.constant 0 : i32
    %dma_start3A_108 = tpu.memref_slice %arg11[%dma_start3A_106, %dma_start3A_107] : memref<10112x128xf32, #tpu.memory_space<vmem_shared>> -> memref<10112x128xf32, #tpu.memory_space<vmem_shared>>
    tpu.enqueue_indirect_dma source(%arg9 : memref<128x128xf32, #tpu.memory_space<vmem>>) target(%dma_start3A_108 : memref<10112x128xf32, #tpu.memory_space<vmem_shared>>) offsets(%dma_start3A_105 : memref<128xi32, #tpu.memory_space<vmem>>) semaphore(%arg14 : memref<!tpu.dma_semaphore, #tpu.memory_space<semaphore_mem>>) {add = true}
    %dma_wait3A_109 = arith.constant 0 : i32
    %dma_wait3A_110 = arith.constant 0 : i32
    %dma_wait3A_111 = tpu.memref_slice %arg8[%dma_wait3A_109, %dma_wait3A_110] : memref<40x128xi32, #tpu.memory_space<vmem>> -> memref<1x128xi32, #tpu.memory_space<vmem>>
    %dma_wait3A_112 = tpu.memref_squeeze %dma_wait3A_111 : memref<1x128xi32, #tpu.memory_space<vmem>> -> memref<128xi32, #tpu.memory_space<vmem>>
    %dma_wait3A_113 = arith.constant 0 : i32
    %dma_wait3A_114 = arith.constant 0 : i32
    %dma_wait3A_115 = tpu.memref_slice %arg11[%dma_wait3A_113, %dma_wait3A_114] : memref<10112x128xf32, #tpu.memory_space<vmem_shared>> -> memref<10112x128xf32, #tpu.memory_space<vmem_shared>>
    tpu.wait_indirect_dma semaphore(%arg14 : memref<!tpu.dma_semaphore, #tpu.memory_space<semaphore_mem>>) src(%arg9 : memref<128x128xf32, #tpu.memory_space<vmem>>) dst(%dma_wait3A_115 : memref<10112x128xf32, #tpu.memory_space<vmem_shared>>)
    %min3A_116 = arith.constant 2 : i32
    %min3A_117 = arith.constant 39 : i32
    %min3A_118 = arith.minsi %min3A_116, %min3A_117 : i32
    %dma_start3A_119 = arith.constant 0 : i32
    %dma_start3A_120 = tpu.memref_slice %arg7[%min3A_118, %dma_start3A_119] : memref<40x128xi32, #tpu.memory_space<vmem>> -> memref<1x128xi32, #tpu.memory_space<vmem>>
    %dma_start3A_121 = tpu.memref_squeeze %dma_start3A_120 : memref<1x128xi32, #tpu.memory_space<vmem>> -> memref<128xi32, #tpu.memory_space<vmem>>
    %dma_start3A_122 = arith.constant 0 : i32
    %dma_start3A_123 = arith.constant 0 : i32
    %dma_start3A_124 = tpu.memref_slice %arg2[%dma_start3A_122, %dma_start3A_123] : memref<10112x128xf32, #tpu.memory_space<hbm>> -> memref<10112x128xf32, #tpu.memory_space<hbm>>
    tpu.enqueue_indirect_dma source(%dma_start3A_124 : memref<10112x128xf32, #tpu.memory_space<hbm>>) target(%arg9 : memref<128x128xf32, #tpu.memory_space<vmem>>) offsets(%dma_start3A_121 : memref<128xi32, #tpu.memory_space<vmem>>) semaphore(%arg12 : memref<!tpu.dma_semaphore, #tpu.memory_space<semaphore_mem>>)
    %dma_wait3A_125 = arith.constant 1 : i32
    %dma_wait3A_126 = arith.constant 0 : i32
    %dma_wait3A_127 = tpu.memref_slice %arg7[%dma_wait3A_125, %dma_wait3A_126] : memref<40x128xi32, #tpu.memory_space<vmem>> -> memref<1x128xi32, #tpu.memory_space<vmem>>
    %dma_wait3A_128 = tpu.memref_squeeze %dma_wait3A_127 : memref<1x128xi32, #tpu.memory_space<vmem>> -> memref<128xi32, #tpu.memory_space<vmem>>
    %dma_wait3A_129 = arith.constant 0 : i32
    %dma_wait3A_130 = arith.constant 0 : i32
    %dma_wait3A_131 = tpu.memref_slice %arg2[%dma_wait3A_129, %dma_wait3A_130] : memref<10112x128xf32, #tpu.memory_space<hbm>> -> memref<10112x128xf32, #tpu.memory_space<hbm>>
    tpu.wait_indirect_dma semaphore(%arg13 : memref<!tpu.dma_semaphore, #tpu.memory_space<semaphore_mem>>) src(%dma_wait3A_131 : memref<10112x128xf32, #tpu.memory_space<hbm>>) dst(%arg10 : memref<128x128xf32, #tpu.memory_space<vmem>>)
    %dma_start3A_132 = arith.constant 1 : i32
    %dma_start3A_133 = arith.constant 0 : i32
    %dma_start3A_134 = tpu.memref_slice %arg8[%dma_start3A_132, %dma_start3A_133] : memref<40x128xi32, #tpu.memory_space<vmem>> -> memref<1x128xi32, #tpu.memory_space<vmem>>
    %dma_start3A_135 = tpu.memref_squeeze %dma_start3A_134 : memref<1x128xi32, #tpu.memory_space<vmem>> -> memref<128xi32, #tpu.memory_space<vmem>>
    %dma_start3A_136 = arith.constant 0 : i32
    %dma_start3A_137 = arith.constant 0 : i32
    %dma_start3A_138 = tpu.memref_slice %arg11[%dma_start3A_136, %dma_start3A_137] : memref<10112x128xf32, #tpu.memory_space<vmem_shared>> -> memref<10112x128xf32, #tpu.memory_space<vmem_shared>>
    tpu.enqueue_indirect_dma source(%arg10 : memref<128x128xf32, #tpu.memory_space<vmem>>) target(%dma_start3A_138 : memref<10112x128xf32, #tpu.memory_space<vmem_shared>>) offsets(%dma_start3A_135 : memref<128xi32, #tpu.memory_space<vmem>>) semaphore(%arg15 : memref<!tpu.dma_semaphore, #tpu.memory_space<semaphore_mem>>) {add = true}
    %scan3A_139 = arith.constant 0 : i32
    %scan3A_140 = arith.constant 0 : i32
    %scan3A_141 = arith.constant 19 : i32
    %scan3A_142 = arith.addi %scan3A_140, %scan3A_141 : i32
    %scan3A_143 = arith.constant 1 : i32
    scf.for %scan3A_160 = %scan3A_140 to %scan3A_142 step %scan3A_143  : i32 {
      %mul3A_161 = arith.constant 2 : i32
      %mul3A_162 = arith.muli %mul3A_161, %scan3A_160 : i32
      %add3A_163 = arith.constant 2 : i32
      %add3A_164 = arith.addi %mul3A_162, %add3A_163 : i32
      %sub3A = arith.constant 1 : i32
      %sub3A_165 = arith.subi %add3A_164, %sub3A : i32
      %dma_wait3A_166 = arith.constant 0 : i32
      %dma_wait3A_167 = tpu.memref_slice %arg8[%sub3A_165, %dma_wait3A_166] : memref<40x128xi32, #tpu.memory_space<vmem>> -> memref<1x128xi32, #tpu.memory_space<vmem>>
      %dma_wait3A_168 = tpu.memref_squeeze %dma_wait3A_167 : memref<1x128xi32, #tpu.memory_space<vmem>> -> memref<128xi32, #tpu.memory_space<vmem>>
      %dma_wait3A_169 = arith.constant 0 : i32
      %dma_wait3A_170 = arith.constant 0 : i32
      %dma_wait3A_171 = tpu.memref_slice %arg11[%dma_wait3A_169, %dma_wait3A_170] : memref<10112x128xf32, #tpu.memory_space<vmem_shared>> -> memref<10112x128xf32, #tpu.memory_space<vmem_shared>>
      tpu.wait_indirect_dma semaphore(%arg15 : memref<!tpu.dma_semaphore, #tpu.memory_space<semaphore_mem>>) src(%arg10 : memref<128x128xf32, #tpu.memory_space<vmem>>) dst(%dma_wait3A_171 : memref<10112x128xf32, #tpu.memory_space<vmem_shared>>)
      %add3A_172 = arith.constant 1 : i32
      %add3A_173 = arith.addi %add3A_164, %add3A_172 : i32
      %min3A_174 = arith.constant 39 : i32
      %min3A_175 = arith.minsi %add3A_173, %min3A_174 : i32
      %dma_start3A_176 = arith.constant 0 : i32
      %dma_start3A_177 = tpu.memref_slice %arg7[%min3A_175, %dma_start3A_176] : memref<40x128xi32, #tpu.memory_space<vmem>> -> memref<1x128xi32, #tpu.memory_space<vmem>>
      %dma_start3A_178 = tpu.memref_squeeze %dma_start3A_177 : memref<1x128xi32, #tpu.memory_space<vmem>> -> memref<128xi32, #tpu.memory_space<vmem>>
      %dma_start3A_179 = arith.constant 0 : i32
      %dma_start3A_180 = arith.constant 0 : i32
      %dma_start3A_181 = tpu.memref_slice %arg2[%dma_start3A_179, %dma_start3A_180] : memref<10112x128xf32, #tpu.memory_space<hbm>> -> memref<10112x128xf32, #tpu.memory_space<hbm>>
      tpu.enqueue_indirect_dma source(%dma_start3A_181 : memref<10112x128xf32, #tpu.memory_space<hbm>>) target(%arg10 : memref<128x128xf32, #tpu.memory_space<vmem>>) offsets(%dma_start3A_178 : memref<128xi32, #tpu.memory_space<vmem>>) semaphore(%arg13 : memref<!tpu.dma_semaphore, #tpu.memory_space<semaphore_mem>>)
      %dma_wait3A_182 = arith.constant 0 : i32
      %dma_wait3A_183 = tpu.memref_slice %arg7[%add3A_164, %dma_wait3A_182] : memref<40x128xi32, #tpu.memory_space<vmem>> -> memref<1x128xi32, #tpu.memory_space<vmem>>
      %dma_wait3A_184 = tpu.memref_squeeze %dma_wait3A_183 : memref<1x128xi32, #tpu.memory_space<vmem>> -> memref<128xi32, #tpu.memory_space<vmem>>
      %dma_wait3A_185 = arith.constant 0 : i32
      %dma_wait3A_186 = arith.constant 0 : i32
      %dma_wait3A_187 = tpu.memref_slice %arg2[%dma_wait3A_185, %dma_wait3A_186] : memref<10112x128xf32, #tpu.memory_space<hbm>> -> memref<10112x128xf32, #tpu.memory_space<hbm>>
      tpu.wait_indirect_dma semaphore(%arg12 : memref<!tpu.dma_semaphore, #tpu.memory_space<semaphore_mem>>) src(%dma_wait3A_187 : memref<10112x128xf32, #tpu.memory_space<hbm>>) dst(%arg9 : memref<128x128xf32, #tpu.memory_space<vmem>>)
      %dma_start3A_188 = arith.constant 0 : i32
      %dma_start3A_189 = tpu.memref_slice %arg8[%add3A_164, %dma_start3A_188] : memref<40x128xi32, #tpu.memory_space<vmem>> -> memref<1x128xi32, #tpu.memory_space<vmem>>
      %dma_start3A_190 = tpu.memref_squeeze %dma_start3A_189 : memref<1x128xi32, #tpu.memory_space<vmem>> -> memref<128xi32, #tpu.memory_space<vmem>>
      %dma_start3A_191 = arith.constant 0 : i32
      %dma_start3A_192 = arith.constant 0 : i32
      %dma_start3A_193 = tpu.memref_slice %arg11[%dma_start3A_191, %dma_start3A_192] : memref<10112x128xf32, #tpu.memory_space<vmem_shared>> -> memref<10112x128xf32, #tpu.memory_space<vmem_shared>>
      tpu.enqueue_indirect_dma source(%arg9 : memref<128x128xf32, #tpu.memory_space<vmem>>) target(%dma_start3A_193 : memref<10112x128xf32, #tpu.memory_space<vmem_shared>>) offsets(%dma_start3A_190 : memref<128xi32, #tpu.memory_space<vmem>>) semaphore(%arg14 : memref<!tpu.dma_semaphore, #tpu.memory_space<semaphore_mem>>) {add = true}
      %add3A_194 = arith.constant 1 : i32
      %add3A_195 = arith.addi %add3A_164, %add3A_194 : i32
      %sub3A_196 = arith.constant 1 : i32
      %sub3A_197 = arith.subi %add3A_195, %sub3A_196 : i32
      %dma_wait3A_198 = arith.constant 0 : i32
      %dma_wait3A_199 = tpu.memref_slice %arg8[%sub3A_197, %dma_wait3A_198] : memref<40x128xi32, #tpu.memory_space<vmem>> -> memref<1x128xi32, #tpu.memory_space<vmem>>
      %dma_wait3A_200 = tpu.memref_squeeze %dma_wait3A_199 : memref<1x128xi32, #tpu.memory_space<vmem>> -> memref<128xi32, #tpu.memory_space<vmem>>
      %dma_wait3A_201 = arith.constant 0 : i32
      %dma_wait3A_202 = arith.constant 0 : i32
      %dma_wait3A_203 = tpu.memref_slice %arg11[%dma_wait3A_201, %dma_wait3A_202] : memref<10112x128xf32, #tpu.memory_space<vmem_shared>> -> memref<10112x128xf32, #tpu.memory_space<vmem_shared>>
      tpu.wait_indirect_dma semaphore(%arg14 : memref<!tpu.dma_semaphore, #tpu.memory_space<semaphore_mem>>) src(%arg9 : memref<128x128xf32, #tpu.memory_space<vmem>>) dst(%dma_wait3A_203 : memref<10112x128xf32, #tpu.memory_space<vmem_shared>>)
      %add3A_204 = arith.constant 1 : i32
      %add3A_205 = arith.addi %add3A_195, %add3A_204 : i32
      %min3A_206 = arith.constant 39 : i32
      %min3A_207 = arith.minsi %add3A_205, %min3A_206 : i32
      %dma_start3A_208 = arith.constant 0 : i32
      %dma_start3A_209 = tpu.memref_slice %arg7[%min3A_207, %dma_start3A_208] : memref<40x128xi32, #tpu.memory_space<vmem>> -> memref<1x128xi32, #tpu.memory_space<vmem>>
      %dma_start3A_210 = tpu.memref_squeeze %dma_start3A_209 : memref<1x128xi32, #tpu.memory_space<vmem>> -> memref<128xi32, #tpu.memory_space<vmem>>
      %dma_start3A_211 = arith.constant 0 : i32
      %dma_start3A_212 = arith.constant 0 : i32
      %dma_start3A_213 = tpu.memref_slice %arg2[%dma_start3A_211, %dma_start3A_212] : memref<10112x128xf32, #tpu.memory_space<hbm>> -> memref<10112x128xf32, #tpu.memory_space<hbm>>
      tpu.enqueue_indirect_dma source(%dma_start3A_213 : memref<10112x128xf32, #tpu.memory_space<hbm>>) target(%arg9 : memref<128x128xf32, #tpu.memory_space<vmem>>) offsets(%dma_start3A_210 : memref<128xi32, #tpu.memory_space<vmem>>) semaphore(%arg12 : memref<!tpu.dma_semaphore, #tpu.memory_space<semaphore_mem>>)
      %dma_wait3A_214 = arith.constant 0 : i32
      %dma_wait3A_215 = tpu.memref_slice %arg7[%add3A_195, %dma_wait3A_214] : memref<40x128xi32, #tpu.memory_space<vmem>> -> memref<1x128xi32, #tpu.memory_space<vmem>>
      %dma_wait3A_216 = tpu.memref_squeeze %dma_wait3A_215 : memref<1x128xi32, #tpu.memory_space<vmem>> -> memref<128xi32, #tpu.memory_space<vmem>>
      %dma_wait3A_217 = arith.constant 0 : i32
      %dma_wait3A_218 = arith.constant 0 : i32
      %dma_wait3A_219 = tpu.memref_slice %arg2[%dma_wait3A_217, %dma_wait3A_218] : memref<10112x128xf32, #tpu.memory_space<hbm>> -> memref<10112x128xf32, #tpu.memory_space<hbm>>
      tpu.wait_indirect_dma semaphore(%arg13 : memref<!tpu.dma_semaphore, #tpu.memory_space<semaphore_mem>>) src(%dma_wait3A_219 : memref<10112x128xf32, #tpu.memory_space<hbm>>) dst(%arg10 : memref<128x128xf32, #tpu.memory_space<vmem>>)
      %dma_start3A_220 = arith.constant 0 : i32
      %dma_start3A_221 = tpu.memref_slice %arg8[%add3A_195, %dma_start3A_220] : memref<40x128xi32, #tpu.memory_space<vmem>> -> memref<1x128xi32, #tpu.memory_space<vmem>>
      %dma_start3A_222 = tpu.memref_squeeze %dma_start3A_221 : memref<1x128xi32, #tpu.memory_space<vmem>> -> memref<128xi32, #tpu.memory_space<vmem>>
      %dma_start3A_223 = arith.constant 0 : i32
      %dma_start3A_224 = arith.constant 0 : i32
      %dma_start3A_225 = tpu.memref_slice %arg11[%dma_start3A_223, %dma_start3A_224] : memref<10112x128xf32, #tpu.memory_space<vmem_shared>> -> memref<10112x128xf32, #tpu.memory_space<vmem_shared>>
      tpu.enqueue_indirect_dma source(%arg10 : memref<128x128xf32, #tpu.memory_space<vmem>>) target(%dma_start3A_225 : memref<10112x128xf32, #tpu.memory_space<vmem_shared>>) offsets(%dma_start3A_222 : memref<128xi32, #tpu.memory_space<vmem>>) semaphore(%arg15 : memref<!tpu.dma_semaphore, #tpu.memory_space<semaphore_mem>>) {add = true}
    }
    %scan3A_144 = arith.constant 19 : i32
    %dma_wait3A_145 = arith.constant 39 : i32
    %dma_wait3A_146 = arith.constant 0 : i32
    %dma_wait3A_147 = tpu.memref_slice %arg8[%dma_wait3A_145, %dma_wait3A_146] : memref<40x128xi32, #tpu.memory_space<vmem>> -> memref<1x128xi32, #tpu.memory_space<vmem>>
    %dma_wait3A_148 = tpu.memref_squeeze %dma_wait3A_147 : memref<1x128xi32, #tpu.memory_space<vmem>> -> memref<128xi32, #tpu.memory_space<vmem>>
    %dma_wait3A_149 = arith.constant 0 : i32
    %dma_wait3A_150 = arith.constant 0 : i32
    %dma_wait3A_151 = tpu.memref_slice %arg11[%dma_wait3A_149, %dma_wait3A_150] : memref<10112x128xf32, #tpu.memory_space<vmem_shared>> -> memref<10112x128xf32, #tpu.memory_space<vmem_shared>>
    tpu.wait_indirect_dma semaphore(%arg15 : memref<!tpu.dma_semaphore, #tpu.memory_space<semaphore_mem>>) src(%arg10 : memref<128x128xf32, #tpu.memory_space<vmem>>) dst(%dma_wait3A_151 : memref<10112x128xf32, #tpu.memory_space<vmem_shared>>)
    %dma_wait3A_152 = arith.constant 39 : i32
    %dma_wait3A_153 = arith.constant 0 : i32
    %dma_wait3A_154 = tpu.memref_slice %arg7[%dma_wait3A_152, %dma_wait3A_153] : memref<40x128xi32, #tpu.memory_space<vmem>> -> memref<1x128xi32, #tpu.memory_space<vmem>>
    %dma_wait3A_155 = tpu.memref_squeeze %dma_wait3A_154 : memref<1x128xi32, #tpu.memory_space<vmem>> -> memref<128xi32, #tpu.memory_space<vmem>>
    %dma_wait3A_156 = arith.constant 0 : i32
    %dma_wait3A_157 = arith.constant 0 : i32
    %dma_wait3A_158 = tpu.memref_slice %arg2[%dma_wait3A_156, %dma_wait3A_157] : memref<10112x128xf32, #tpu.memory_space<hbm>> -> memref<10112x128xf32, #tpu.memory_space<hbm>>
    tpu.wait_indirect_dma semaphore(%arg12 : memref<!tpu.dma_semaphore, #tpu.memory_space<semaphore_mem>>) src(%dma_wait3A_158 : memref<10112x128xf32, #tpu.memory_space<hbm>>) dst(%arg9 : memref<128x128xf32, #tpu.memory_space<vmem>>)
    %barrier3A_159 = arith.constant 0 : index
    tpu.barrier barrier_id(%barrier3A_159)
    "tpu.region"() ({
      %run_scoped3A = tpu.sem_alloc : memref<!tpu.dma_semaphore, #tpu.memory_space<semaphore_mem>>
      %dma_start3A_160 = arith.constant 0 : i32
      %dma_start3A_161 = tpu.memref_slice %arg6[%arg0, %mul3A_2, %dma_start3A_160] : memref<2x10112x128xf32, #tpu.memory_space<hbm>> -> memref<1x632x128xf32, #tpu.memory_space<hbm>>
      %dma_start3A_162 = tpu.memref_squeeze %dma_start3A_161 : memref<1x632x128xf32, #tpu.memory_space<hbm>> -> memref<632x128xf32, #tpu.memory_space<hbm>>
      %dma_start3A_163 = arith.constant 0 : i32
      %dma_start3A_164 = tpu.memref_slice %arg11[%mul3A_2, %dma_start3A_163] : memref<10112x128xf32, #tpu.memory_space<vmem_shared>> -> memref<632x128xf32, #tpu.memory_space<vmem_shared>>
      tpu.enqueue_dma source(%dma_start3A_164 : memref<632x128xf32, #tpu.memory_space<vmem_shared>>) target(%dma_start3A_162 : memref<632x128xf32, #tpu.memory_space<hbm>>) target_semaphore(%run_scoped3A : memref<!tpu.dma_semaphore, #tpu.memory_space<semaphore_mem>>)
      %dma_wait3A_165 = arith.constant 0 : i32
      %dma_wait3A_166 = tpu.memref_slice %arg6[%arg0, %mul3A_2, %dma_wait3A_165] : memref<2x10112x128xf32, #tpu.memory_space<hbm>> -> memref<1x632x128xf32, #tpu.memory_space<hbm>>
      %dma_wait3A_167 = tpu.memref_squeeze %dma_wait3A_166 : memref<1x632x128xf32, #tpu.memory_space<hbm>> -> memref<632x128xf32, #tpu.memory_space<hbm>>
      %dma_wait3A_168 = arith.constant 0 : i32
      %dma_wait3A_169 = tpu.memref_slice %arg11[%mul3A_2, %dma_wait3A_168] : memref<10112x128xf32, #tpu.memory_space<vmem_shared>> -> memref<632x128xf32, #tpu.memory_space<vmem_shared>>
      tpu.wait_dma2 semaphore(%run_scoped3A : memref<!tpu.dma_semaphore, #tpu.memory_space<semaphore_mem>>) src(%dma_wait3A_169 : memref<632x128xf32, #tpu.memory_space<vmem_shared>>) dst(%dma_wait3A_167 : memref<632x128xf32, #tpu.memory_space<hbm>>)
      tpu.yield
    }) : () -> ()
    return
  }
}

module attributes {stable_mosaic.version = 14 : i64} {
  func.func @_dense_body(%arg0: i32, %arg1: memref<2x632x128xf32, #tpu.memory_space<vmem>>, %arg2: memref<2x632x8xf32, #tpu.memory_space<vmem>>, %arg3: memref<632x128xf32, #tpu.memory_space<vmem>>, %arg4: memref<128x128xf32, #tpu.memory_space<vmem>>, %arg5: memref<128x128xf32, #tpu.memory_space<vmem>>, %arg6: memref<1x128xf32, #tpu.memory_space<vmem>>, %arg7: memref<632x128xf32, #tpu.memory_space<vmem>>) attributes {dimension_semantics = [#tpu.dimension_semantics<arbitrary>], iteration_bounds = array<i64: 16>, scalar_prefetch = 0 : i64, scratch_operands = 0 : i64, tpu.core_type = #tpu.core_type<tc>, window_params = [{transform_indices = @transform_0, window_bounds = array<i64: 2, 632, 128>}, {transform_indices = @transform_1, window_bounds = array<i64: 2, 632, 8>}, {transform_indices = @transform_2, window_bounds = array<i64: 632, 128>}, {pipeline_mode = #tpu.pipeline_mode<synchronous>, transform_indices = @transform_3, window_bounds = array<i64: 128, 128>}, {pipeline_mode = #tpu.pipeline_mode<synchronous>, transform_indices = @transform_4, window_bounds = array<i64: 128, 128>}, {pipeline_mode = #tpu.pipeline_mode<synchronous>, transform_indices = @transform_5, window_bounds = array<i64: 1, 128>}, {transform_indices = @transform_6, window_bounds = array<i64: 632, 128>}]} {
    %get3A = arith.constant 0 : index
    %get3A_0 = arith.constant 0 : index
    %get3A_1 = arith.constant 0 : index
    %get3A_2 = vector.load %arg1[%get3A, %get3A_0, %get3A_1] : memref<2x632x128xf32, #tpu.memory_space<vmem>>, vector<1x632x128xf32>
    %get3A_3 = vector.shape_cast %get3A_2 : vector<1x632x128xf32> to vector<632x128xf32>
    %get3A_4 = arith.constant 1 : index
    %get3A_5 = arith.constant 0 : index
    %get3A_6 = arith.constant 0 : index
    %get3A_7 = vector.load %arg1[%get3A_4, %get3A_5, %get3A_6] : memref<2x632x128xf32, #tpu.memory_space<vmem>>, vector<1x632x128xf32>
    %get3A_8 = vector.shape_cast %get3A_7 : vector<1x632x128xf32> to vector<632x128xf32>
    %add3A = arith.addf %get3A_3, %get3A_8 : vector<632x128xf32>
    %get3A_9 = arith.constant 0 : index
    %get3A_10 = arith.constant 0 : index
    %get3A_11 = arith.constant 0 : index
    %get3A_12 = vector.load %arg2[%get3A_9, %get3A_10, %get3A_11] : memref<2x632x8xf32, #tpu.memory_space<vmem>>, vector<1x632x1xf32>
    %get3A_13 = vector.shape_cast %get3A_12 : vector<1x632x1xf32> to vector<632x1xf32>
    %get3A_14 = arith.constant 1 : index
    %get3A_15 = arith.constant 0 : index
    %get3A_16 = arith.constant 0 : index
    %get3A_17 = vector.load %arg2[%get3A_14, %get3A_15, %get3A_16] : memref<2x632x8xf32, #tpu.memory_space<vmem>>, vector<1x632x1xf32>
    %get3A_18 = vector.shape_cast %get3A_17 : vector<1x632x1xf32> to vector<632x1xf32>
    %add3A_19 = arith.addf %get3A_13, %get3A_18 : vector<632x1xf32>
    %max3A = arith.constant 1.000000e+00 : f32
    %max3A_20 = vector.broadcast %max3A : f32 to vector<632x1xf32>
    %max3A_21 = arith.maximumf %add3A_19, %max3A_20 : vector<632x1xf32>
    %div3A = vector.broadcast %max3A_21 : vector<632x1xf32> to vector<632x128xf32>
    %div3A_22 = arith.divf %add3A, %div3A : vector<632x128xf32>
    %get3A_23 = arith.constant 0 : index
    %get3A_24 = arith.constant 0 : index
    %get3A_25 = vector.load %arg4[%get3A_23, %get3A_24] : memref<128x128xf32, #tpu.memory_space<vmem>>, vector<128x128xf32>
    %dot_general3A = arith.constant dense<0.000000e+00> : vector<632x128xf32>
    %dot_general3A_26 = tpu.matmul %div3A_22, %get3A_25, %dot_general3A {dimension_numbers = #tpu.dot_dimension_numbers<[1], [1], [0], [0], [0, 0, 1, 0], [], []>, transpose_lhs_hint = false} : vector<632x128xf32>, vector<128x128xf32>, vector<632x128xf32> -> vector<632x128xf32>
    %get3A_27 = arith.constant 0 : index
    %get3A_28 = arith.constant 0 : index
    %get3A_29 = vector.load %arg3[%get3A_27, %get3A_28] : memref<632x128xf32, #tpu.memory_space<vmem>>, vector<632x128xf32>
    %get3A_30 = arith.constant 0 : index
    %get3A_31 = arith.constant 0 : index
    %get3A_32 = vector.load %arg5[%get3A_30, %get3A_31] : memref<128x128xf32, #tpu.memory_space<vmem>>, vector<128x128xf32>
    %dot_general3A_33 = arith.constant dense<0.000000e+00> : vector<632x128xf32>
    %dot_general3A_34 = tpu.matmul %get3A_29, %get3A_32, %dot_general3A_33 {dimension_numbers = #tpu.dot_dimension_numbers<[1], [1], [0], [0], [0, 0, 1, 0], [], []>, transpose_lhs_hint = false} : vector<632x128xf32>, vector<128x128xf32>, vector<632x128xf32> -> vector<632x128xf32>
    %add3A_35 = arith.addf %dot_general3A_26, %dot_general3A_34 : vector<632x128xf32>
    %get3A_36 = arith.constant 0 : index
    %get3A_37 = arith.constant 0 : index
    %get3A_38 = vector.load %arg6[%get3A_36, %get3A_37] : memref<1x128xf32, #tpu.memory_space<vmem>>, vector<1x128xf32>
    %add3A_39 = vector.broadcast %get3A_38 : vector<1x128xf32> to vector<632x128xf32>
    %add3A_40 = arith.addf %add3A_35, %add3A_39 : vector<632x128xf32>
    %max3A_41 = arith.constant 0.000000e+00 : f32
    %max3A_42 = vector.broadcast %max3A_41 : f32 to vector<632x128xf32>
    %max3A_43 = arith.maximumf %add3A_40, %max3A_42 : vector<632x128xf32>
    %swap3A = arith.constant 0 : index
    %swap3A_44 = arith.constant 0 : index
    %swap3A_45 = vector.load %arg7[%swap3A, %swap3A_44] : memref<632x128xf32, #tpu.memory_space<vmem>>, vector<632x128xf32>
    tpu.vector_store %arg7[%swap3A, %swap3A_44], %max3A_43 {strides = array<i32>} : memref<632x128xf32, #tpu.memory_space<vmem>>, vector<632x128xf32>,
    return
  }
  func.func @transform_0(%arg0: i32) -> (i32, i32, i32) {
    %c0_i32 = arith.constant 0 : i32
    %c0_i32_0 = arith.constant 0 : i32
    %c0_i32_1 = arith.constant 0 : i32
    return %c0_i32, %arg0, %c0_i32_0 : i32, i32, i32
  }
  func.func @transform_1(%arg0: i32) -> (i32, i32, i32) {
    %c0_i32 = arith.constant 0 : i32
    %c0_i32_0 = arith.constant 0 : i32
    %c0_i32_1 = arith.constant 0 : i32
    return %c0_i32, %arg0, %c0_i32_0 : i32, i32, i32
  }
  func.func @transform_2(%arg0: i32) -> (i32, i32) {
    %c0_i32 = arith.constant 0 : i32
    %c0_i32_0 = arith.constant 0 : i32
    return %arg0, %c0_i32 : i32, i32
  }
  func.func @transform_3(%arg0: i32) -> (i32, i32) {
    %c0_i32 = arith.constant 0 : i32
    %c0_i32_0 = arith.constant 0 : i32
    %c0_i32_1 = arith.constant 0 : i32
    return %c0_i32, %c0_i32_0 : i32, i32
  }
  func.func @transform_4(%arg0: i32) -> (i32, i32) {
    %c0_i32 = arith.constant 0 : i32
    %c0_i32_0 = arith.constant 0 : i32
    %c0_i32_1 = arith.constant 0 : i32
    return %c0_i32, %c0_i32_0 : i32, i32
  }
  func.func @transform_5(%arg0: i32) -> (i32, i32) {
    %c0_i32 = arith.constant 0 : i32
    %c0_i32_0 = arith.constant 0 : i32
    %c0_i32_1 = arith.constant 0 : i32
    return %c0_i32, %c0_i32_0 : i32, i32
  }
  func.func @transform_6(%arg0: i32) -> (i32, i32) {
    %c0_i32 = arith.constant 0 : i32
    %c0_i32_0 = arith.constant 0 : i32
    return %arg0, %c0_i32 : i32, i32
  }
}

module attributes {stable_mosaic.version = 14 : i64} {
  func.func @_dense_body(%arg0: i32, %arg1: memref<2x632x128xf32, #tpu.memory_space<vmem>>, %arg2: memref<2x632x8xf32, #tpu.memory_space<vmem>>, %arg3: memref<632x128xf32, #tpu.memory_space<vmem>>, %arg4: memref<128x128xf32, #tpu.memory_space<vmem>>, %arg5: memref<128x128xf32, #tpu.memory_space<vmem>>, %arg6: memref<1x128xf32, #tpu.memory_space<vmem>>, %arg7: memref<632x128xf32, #tpu.memory_space<vmem>>) attributes {dimension_semantics = [#tpu.dimension_semantics<arbitrary>], iteration_bounds = array<i64: 16>, scalar_prefetch = 0 : i64, scratch_operands = 0 : i64, tpu.core_type = #tpu.core_type<tc>, window_params = [{transform_indices = @transform_0, window_bounds = array<i64: 2, 632, 128>}, {transform_indices = @transform_1, window_bounds = array<i64: 2, 632, 8>}, {transform_indices = @transform_2, window_bounds = array<i64: 632, 128>}, {pipeline_mode = #tpu.pipeline_mode<synchronous>, transform_indices = @transform_3, window_bounds = array<i64: 128, 128>}, {pipeline_mode = #tpu.pipeline_mode<synchronous>, transform_indices = @transform_4, window_bounds = array<i64: 128, 128>}, {pipeline_mode = #tpu.pipeline_mode<synchronous>, transform_indices = @transform_5, window_bounds = array<i64: 1, 128>}, {transform_indices = @transform_6, window_bounds = array<i64: 632, 128>}]} {
    %get3A = arith.constant 0 : index
    %get3A_0 = arith.constant 0 : index
    %get3A_1 = arith.constant 0 : index
    %get3A_2 = vector.load %arg1[%get3A, %get3A_0, %get3A_1] : memref<2x632x128xf32, #tpu.memory_space<vmem>>, vector<1x632x128xf32>
    %get3A_3 = vector.shape_cast %get3A_2 : vector<1x632x128xf32> to vector<632x128xf32>
    %get3A_4 = arith.constant 1 : index
    %get3A_5 = arith.constant 0 : index
    %get3A_6 = arith.constant 0 : index
    %get3A_7 = vector.load %arg1[%get3A_4, %get3A_5, %get3A_6] : memref<2x632x128xf32, #tpu.memory_space<vmem>>, vector<1x632x128xf32>
    %get3A_8 = vector.shape_cast %get3A_7 : vector<1x632x128xf32> to vector<632x128xf32>
    %add3A = arith.addf %get3A_3, %get3A_8 : vector<632x128xf32>
    %get3A_9 = arith.constant 0 : index
    %get3A_10 = arith.constant 0 : index
    %get3A_11 = arith.constant 0 : index
    %get3A_12 = vector.load %arg2[%get3A_9, %get3A_10, %get3A_11] : memref<2x632x8xf32, #tpu.memory_space<vmem>>, vector<1x632x1xf32>
    %get3A_13 = vector.shape_cast %get3A_12 : vector<1x632x1xf32> to vector<632x1xf32>
    %get3A_14 = arith.constant 1 : index
    %get3A_15 = arith.constant 0 : index
    %get3A_16 = arith.constant 0 : index
    %get3A_17 = vector.load %arg2[%get3A_14, %get3A_15, %get3A_16] : memref<2x632x8xf32, #tpu.memory_space<vmem>>, vector<1x632x1xf32>
    %get3A_18 = vector.shape_cast %get3A_17 : vector<1x632x1xf32> to vector<632x1xf32>
    %add3A_19 = arith.addf %get3A_13, %get3A_18 : vector<632x1xf32>
    %max3A = arith.constant 1.000000e+00 : f32
    %max3A_20 = vector.broadcast %max3A : f32 to vector<632x1xf32>
    %max3A_21 = arith.maximumf %add3A_19, %max3A_20 : vector<632x1xf32>
    %div3A = vector.broadcast %max3A_21 : vector<632x1xf32> to vector<632x128xf32>
    %div3A_22 = arith.divf %add3A, %div3A : vector<632x128xf32>
    %get3A_23 = arith.constant 0 : index
    %get3A_24 = arith.constant 0 : index
    %get3A_25 = vector.load %arg4[%get3A_23, %get3A_24] : memref<128x128xf32, #tpu.memory_space<vmem>>, vector<128x128xf32>
    %dot_general3A = arith.constant dense<0.000000e+00> : vector<632x128xf32>
    %dot_general3A_26 = tpu.matmul %div3A_22, %get3A_25, %dot_general3A {dimension_numbers = #tpu.dot_dimension_numbers<[1], [1], [0], [0], [0, 0, 1, 0], [], []>, transpose_lhs_hint = false} : vector<632x128xf32>, vector<128x128xf32>, vector<632x128xf32> -> vector<632x128xf32>
    %get3A_27 = arith.constant 0 : index
    %get3A_28 = arith.constant 0 : index
    %get3A_29 = vector.load %arg3[%get3A_27, %get3A_28] : memref<632x128xf32, #tpu.memory_space<vmem>>, vector<632x128xf32>
    %get3A_30 = arith.constant 0 : index
    %get3A_31 = arith.constant 0 : index
    %get3A_32 = vector.load %arg5[%get3A_30, %get3A_31] : memref<128x128xf32, #tpu.memory_space<vmem>>, vector<128x128xf32>
    %dot_general3A_33 = arith.constant dense<0.000000e+00> : vector<632x128xf32>
    %dot_general3A_34 = tpu.matmul %get3A_29, %get3A_32, %dot_general3A_33 {dimension_numbers = #tpu.dot_dimension_numbers<[1], [1], [0], [0], [0, 0, 1, 0], [], []>, transpose_lhs_hint = false} : vector<632x128xf32>, vector<128x128xf32>, vector<632x128xf32> -> vector<632x128xf32>
    %add3A_35 = arith.addf %dot_general3A_26, %dot_general3A_34 : vector<632x128xf32>
    %get3A_36 = arith.constant 0 : index
    %get3A_37 = arith.constant 0 : index
    %get3A_38 = vector.load %arg6[%get3A_36, %get3A_37] : memref<1x128xf32, #tpu.memory_space<vmem>>, vector<1x128xf32>
    %add3A_39 = vector.broadcast %get3A_38 : vector<1x128xf32> to vector<632x128xf32>
    %add3A_40 = arith.addf %add3A_35, %add3A_39 : vector<632x128xf32>
    %swap3A = arith.constant 0 : index
    %swap3A_41 = arith.constant 0 : index
    %swap3A_42 = vector.load %arg7[%swap3A, %swap3A_41] : memref<632x128xf32, #tpu.memory_space<vmem>>, vector<632x128xf32>
    tpu.vector_store %arg7[%swap3A, %swap3A_41], %add3A_40 {strides = array<i32>} : memref<632x128xf32, #tpu.memory_space<vmem>>, vector<632x128xf32>,
    return
  }
  func.func @transform_0(%arg0: i32) -> (i32, i32, i32) {
    %c0_i32 = arith.constant 0 : i32
    %c0_i32_0 = arith.constant 0 : i32
    %c0_i32_1 = arith.constant 0 : i32
    return %c0_i32, %arg0, %c0_i32_0 : i32, i32, i32
  }
  func.func @transform_1(%arg0: i32) -> (i32, i32, i32) {
    %c0_i32 = arith.constant 0 : i32
    %c0_i32_0 = arith.constant 0 : i32
    %c0_i32_1 = arith.constant 0 : i32
    return %c0_i32, %arg0, %c0_i32_0 : i32, i32, i32
  }
  func.func @transform_2(%arg0: i32) -> (i32, i32) {
    %c0_i32 = arith.constant 0 : i32
    %c0_i32_0 = arith.constant 0 : i32
    return %arg0, %c0_i32 : i32, i32
  }
  func.func @transform_3(%arg0: i32) -> (i32, i32) {
    %c0_i32 = arith.constant 0 : i32
    %c0_i32_0 = arith.constant 0 : i32
    %c0_i32_1 = arith.constant 0 : i32
    return %c0_i32, %c0_i32_0 : i32, i32
  }
  func.func @transform_4(%arg0: i32) -> (i32, i32) {
    %c0_i32 = arith.constant 0 : i32
    %c0_i32_0 = arith.constant 0 : i32
    %c0_i32_1 = arith.constant 0 : i32
    return %c0_i32, %c0_i32_0 : i32, i32
  }
  func.func @transform_5(%arg0: i32) -> (i32, i32) {
    %c0_i32 = arith.constant 0 : i32
    %c0_i32_0 = arith.constant 0 : i32
    %c0_i32_1 = arith.constant 0 : i32
    return %c0_i32, %c0_i32_0 : i32, i32
  }
  func.func @transform_6(%arg0: i32) -> (i32, i32) {
    %c0_i32 = arith.constant 0 : i32
    %c0_i32_0 = arith.constant 0 : i32
    return %arg0, %c0_i32 : i32, i32
  }
}

</mosaic_0001>

<sc_bundles>
// kernel: kernel.12.cloned.1.call-start
scs
__scs_entry_jumppad:
0x0: {  	(pc) =	sbr.rel $0x88, $3  }
0x1: {  	(tag) =	ssettag $0x0;
	lr =	simm.s32 $0x1  }
0x2: {  	[smem:$0x3F96] =	sst lr;
	_ =	strace $0xD0000000  }
0x3: {  	_ = 	snop  }
0x4: {  	_ = 	snop  }
0x5: {  	_ = 	snop  }
0x6: {  	_ = 	snop  }
0x7: {  	_ = 	snop  }
__scs_overlays_trampoline_lowered:
0x8: {  	[smem:$0x3FA5] =	sst s0  }
0x9: {  	[smem:$0x3FA6] =	sst s1  }
0xa: {  	[smem:$0x3FA7] =	sst s2  }
0xb: {  	[smem:$0x3FA8] =	sst s3  }
0xc: {  	[smem:$0x3FA9] =	sst s4  }
0xd: {  	[smem:$0x3FAA] =	sst s5  }
0xe: {  	[smem:$0x3FAB] =	sst s6  }
0xf: {  	[smem:$0x3FAC] =	sst s7  }
0x10: {  	[smem:$0x3FAD] =	sst s8  }
0x11: {  	[smem:$0x3FAE] =	sst s9;
	s0 =	simm.s32 @!p0 $0x0  }
0x12: {  	s1 =	sld [smem:$0x3F94];
	s0 =	simm.s32 @p0 $0x1  }
0x13: {  	[smem:$0x3FAF] =	sst s0;
	s0 =	simm.s32 @!p1 $0x0  }
0x14: {  	s2 =	sld [smem:$0x3F93];
	s0 =	simm.s32 @p1 $0x1  }
0x15: {  	[smem:$0x3FB0] =	sst s0;
	s0 =	simm.s32 @!p2 $0x0  }
0x16: {  	s3 =	sld [smem:$0x3FDB];
	s0 =	simm.s32 @p2 $0x1  }
0x17: {  	s4 =	simm.s32 $0x1BF5;
	[smem:$0x3FB2] =	sst s0  }
0x18: {  	s0 =	sld [smem:$0x3F95];
	_ =	swait.ge [sflag:s4], $0x0  }
0x19: {  	s7 =	sld [smem:$0x3F96]  }
0x1a: {  	s8 =	sadd.s32 $0xFFFFE003, lr  }
0x1b: {  	s9 =	sadd.s32 $0xFFFFFEF7, lr;
	s5 =	simm.s32 $0xFFFFFFFF;
	p2 =	slt.u32 s8, $0xFFFFF086  }
0x1c: {  	p1 =	slt.u32 s9, $0xF7A;
	s5 =	simm.s32 @!p2 $0x0  }
0x1d: {  	s5 =	simm.s32 @p1 $0x1;
	p0 =	seq.s32 s7, s2  }
0x1e: {  	s7 =	smul.u32 @!p0 $0xF7A, s2;
	p2 =	seq.s32 @!p0 s5, $0x0  }
0x1f: {  	s9 =	smul.u32 $0xF7A, s1;
	s8 =	simm.s32 @!p0 $0x1BF5;
	p2 =	por !p2, p0  }
0x20: {  	[sflag:s8] =	ssyncset.s32 @!p0 $0xFFFFF086;
	s6 =	sadd.s32 @!p0 s3, s7;
	s7 =	simm.s32 @!p0 $0x108  }
0x21: {  	s3 =	sadd.s32 s3, s9;
	s6 =	sadd.s32 @!p0 $0x88, s6;
	s7 =	simm.s32 @p2 $0x1082  }
0x22: {  	[simem:s7], [sflag:s8] =	dma.local @!p0 [hbm:s6], $0xF7A  }
0x23: {  	s9 =	sor.u32 $0xD0000000, s2;
	s6 =	simm.s32 $0x108;
	_ =	swait.ge @!p0 [sflag:s8], $0x0  }
0x24: {  	s3 =	sadd.s32 $0x88, s3;
	s6 =	simm.s32 @!p1 $0x1082;
	[sflag:s4] =	ssyncset.s32 $0xFFFFF086  }
0x25: {  	[simem:s6], [sflag:s4] =	dma.local [hbm:s3], $0xF7A  }
0x26: {  	[smem:$0x3F96] =	sst s1;
	(tag) =	ssettag s2;
	_ =	strace s9  }
0x27: {  	s1 =	sld [smem:$0x3FA6]  }
0x28: {  	s2 =	sld [smem:$0x3FA7]  }
0x29: {  	s4 =	sld [smem:$0x3FA9]  }
0x2a: {  	p0 =	seq.s32 s5, $0x0;
	s5 =	sld [smem:$0x3FAA]  }
0x2b: {  	s6 =	sld [smem:$0x3FAB]  }
0x2c: {  	s7 =	sld [smem:$0x3FAC]  }
0x2d: {  	s3 =	simm.s32 $0x108;
	s8 =	sld [smem:$0x3FAD]  }
0x2e: {  	s3 =	simm.s32 @!p0 $0x1082;
	s9 =	sld [smem:$0x3FAE]  }
0x2f: {  	lr =	sadd.s32 s0, s3;
	s0 =	sld [smem:$0x3FA5]  }
0x30: {  	s3 =	sld [smem:$0x3FA8]  }
0x31: {  	[smem:$0x3FB1] =	sst s10  }
0x32: {  	s10 =	sld [smem:$0x3FAF];
	_ =	sdelay $0x3  }
0x33: {  	p0 =	seq.s32 s10, $0x1;
	s10 =	sld [smem:$0x3FB1];
	_ =	sdelay $0x3  }
0x34: {  	[smem:$0x3FB1] =	sst s10  }
0x35: {  	s10 =	sld [smem:$0x3FB0];
	_ =	sdelay $0x3  }
0x36: {  	p1 =	seq.s32 s10, $0x1;
	s10 =	sld [smem:$0x3FB1];
	_ =	sdelay $0x3  }
0x37: {  	[smem:$0x3FB1] =	sst s10  }
0x38: {  	s10 =	sld [smem:$0x3FB2]  }
0x39: {  	_ = 	snop;
	(pc) =	sbr.ind lr, $3  }
0x3a: {  	_ = 	snop  }
0x3b: {  	_ = 	snop  }
0x3c: {  	p2 =	seq.s32 s10, $0x1;
	s10 =	sld [smem:$0x3FB1]  }
0x3d: {  	_ =	shalt  }
0x3e: {  	_ =	shalt  }
0x3f: {  	_ =	shalt  }
0x40: {  	_ =	shalt  }
0x41: {  	_ =	shalt  }
0x42: {  	_ =	shalt  }
0x43: {  	_ =	shalt  }
0x44: {  	_ =	shalt  }
0x45: {  	_ =	shalt  }
0x46: {  	_ =	shalt  }
0x47: {  	_ =	shalt  }
0x48: {  	_ =	shalt  }
0x49: {  	_ =	shalt  }
0x4a: {  	_ =	shalt  }
0x4b: {  	_ =	shalt  }
0x4c: {  	_ =	shalt  }
0x4d: {  	_ =	shalt  }
0x4e: {  	_ =	shalt  }
0x4f: {  	_ =	shalt  }
0x50: {  	_ =	shalt  }
0x51: {  	_ =	shalt  }
0x52: {  	_ =	shalt  }
0x53: {  	_ =	shalt  }
0x54: {  	_ =	shalt  }
0x55: {  	_ =	shalt  }
0x56: {  	_ =	shalt  }
0x57: {  	_ =	shalt  }
0x58: {  	_ =	shalt  }
0x59: {  	_ =	shalt  }
0x5a: {  	_ =	shalt  }
0x5b: {  	_ =	shalt  }
0x5c: {  	_ =	shalt  }
0x5d: {  	_ =	shalt  }
0x5e: {  	_ =	shalt  }
0x5f: {  	_ =	shalt  }
0x60: {  	_ =	shalt  }
0x61: {  	_ =	shalt  }
0x62: {  	_ =	shalt  }
0x63: {  	_ =	shalt  }
0x64: {  	_ =	shalt  }
0x65: {  	_ =	shalt  }
0x66: {  	_ =	shalt  }
0x67: {  	_ =	shalt  }
0x68: {  	_ =	shalt  }
0x69: {  	_ =	shalt  }
0x6a: {  	_ =	shalt  }
0x6b: {  	_ =	shalt  }
0x6c: {  	_ =	shalt  }
0x6d: {  	_ =	shalt  }
0x6e: {  	_ =	shalt  }
0x6f: {  	_ =	shalt  }
0x70: {  	_ =	shalt  }
0x71: {  	_ =	shalt  }
0x72: {  	_ =	shalt  }
0x73: {  	_ =	shalt  }
0x74: {  	_ =	shalt  }
0x75: {  	_ =	shalt  }
0x76: {  	_ =	shalt  }
0x77: {  	_ =	shalt  }
0x78: {  	_ =	shalt  }
0x79: {  	_ =	shalt  }
0x7a: {  	_ =	shalt  }
0x7b: {  	_ =	shalt  }
0x7c: {  	_ =	shalt  }
0x7d: {  	_ =	shalt  }
0x7e: {  	_ =	shalt  }
0x7f: {  	_ =	shalt  }
0x80: {  	_ =	shalt  }
0x81: {  	_ =	shalt  }
0x82: {  	_ =	shalt  }
0x83: {  	_ =	shalt  }
0x84: {  	_ =	shalt  }
0x85: {  	_ =	shalt  }
0x86: {  	_ =	shalt  }
0x87: {  	_ =	shalt  }
.Lfunc_end0:
.L_simem_size_0:
called_computation.1_lowered:
.L_overlay_start_0:
0x88: {  	s2 =	sld [smem:$0x3FD9]  }
0x89: {  	s3 =	sld [smem:$0x3FFE];
	_ =	sdelay $0x1  }
0x8a: {  	s1 =	srdreg.scid  }
0x8b: {  	s0 =	sand.u32 $0x1, s1  }
0x8c: {  	s17 =	sshll.u32 s0, $0xA;
	s2 =	sadd.s32 s3, s2  }
0x8d: {  	s2 =	sadd.s32 s2, s17  }
0x8e: {  	[smem:$0x3FBD] =	sst s2  }
0x8f: {  	_ = 	snop  }
0x90: {  	s2 =	sld [smem:$0x3FD0];
	(tm) =	ssettm $0x1  }
0x91: {  	s18 =	sld [smem:$0x3FFB];
	_ =	sdelay $0x3  }
0x92: {  	_ =	strace s18  }
0x93: {  	s3 =	sld [smem:$0x3FFC];
	_ =	sdelay $0x3  }
0x94: {  	_ =	strace s3  }
0x95: {  	s3 =	sld [smem:$0x3FFD];
	_ =	sdelay $0x3  }
0x96: {  	_ =	strace s3  }
0x97: {  	_ =	strace $0x8FFFFFFF  }
0x98: {  	s19 =	sld [smem:$0x3FDB];
	_ =	sdelay $0x1  }
0x99: {  	s4 =	simm.s32 $_scs_section_size  }
0x9a: {  	s5 =	simm.s32 $_size__tile_overlayer_lowered;
	s6 =	simm.s32 $_tile_overlayer_lowered  }
0x9b: {  	s22 =	simm.s32 $0x1BFF;
	s21 =	sshll.u32 s6, $0x1;
	s3 =	sadd.s32 s4, s19  }
0x9c: {  	s7 =	simm.s32 $0x0;
	s20 =	sshll.u32 s5, $0x1;
	s5 =	sadd.s32 s21, s3  }
0x9d: {  	[timem:s7], [sflag:s22] =	dma.local [hbm:s5], s20  }
0x9e: {  	_ =	swait.ge [sflag:s22], s20  }
0x9f: {  	s4 =	ssub.s32 $0x0, s20;
	[sflag:s22] =	ssyncset.done $0x0  }
0xa0: {  	[sflag:s22] =	ssyncadd.s32 s4;
	_ =	sdelay $0x1  }
0xa1: {  	s23 =	simm.s32 $0x1B8B  }
0xa2: {  	_ =	swait.ge [sflag:s23], $0x1  }
0xa3: {  	[sflag:s23] =	ssyncset.done $0x0  }
0xa4: {  	s25 =	simm.s32 $0x1B8E;
	s24 =	sld [smem:$0x3FFE];
	[sflag:s23] =	ssyncadd.s32 $0xFFFFFFFF  }
0xa5: {  	s26 =	simm.s32 $execute0_lowered;
	[smem:$0x3FD2] =	sst s25  }
0xa6: {  	s5 =	sshll.u32 s26, $0x1;
	_ =	strace $0x80000046;
	[dreg:$0x1] =	wrdreg $0xFFFFFFFF  }
0xa7: {  	s28 =	simm.s32 $_size_execute0_lowered;
	s3 =	sadd.s32 s3, s5;
	[dreg:$0x0] =	wrdreg $0x0  }
0xa8: {  	s5 =	sshll.u32 s28, $0x1;
	[dreg:$0x2] =	wrdreg s3  }
0xa9: {  	[dreg:$0x3] =	wrdreg s5  }
0xaa: {  	[dreg:$0x4] =	wrdreg $0xC0  }
0xab: {  	_ =	task [dreg:s7], $0x5FFFF  }
0xac: {  	[dreg:$0x1] =	wrdreg $0xFFFFFFFF  }
0xad: {  	[dreg:$0x0] =	wrdreg $0x60  }
0xae: {  	[dreg:$0x2] =	wrdreg s24  }
0xaf: {  	[dreg:$0x3] =	wrdreg s2  }
0xb0: {  	[dreg:$0x4] =	wrdreg $0xA8000  }
0xb1: {  	[dreg:$0x5] =	wrdreg $0xA  }
0xb2: {  	_ =	task.clear_ibuf [dreg:s7], $0x6FFFF;
	_ =	strace $0x90000046  }
0xb3: {  	s29 =	simm.s32 $0xA;
	_ =	strace $0x80000048  }
0xb4: {  	_ =	swait.ge [sflag:s29], $0x1  }
0xb5: {  	[sflag:s29] =	ssyncadd.s32 $0xFFFFFFFF  }
0xb6: {  	_ =	strace $0x90000048  }
0xb7: {  	_ =	sfence  }
0xb8: {  	s30 =	sld [smem:$0x0];
	_ =	sdelay $0x2  }
0xb9: {  	s31 =	sshll.u32 s1, $0xD;
	s1 =	sshrl.u32 s1, $0x2  }
0xba: {  	s3 =	sand.u32 $0x4000, s31;
	s1 =	sadd.s32 s1, s30  }
0xbb: {  	s0 =	sor.u32 s3, s0;
	s1 =	sshll.u32 s1, $0x11  }
0xbc: {  	s0 =	sor.u32 s1, s0  }
0xbd: {  	s0 =	sadd.s32 $0x8F2B, s0  }
0xbe: {  	[sflag:s0] =	ssyncadd.remote.s32 $0x1  }
0xbf: {  	_ =	sfence.sel $0xFFFF  }
0xc0: {  	[dreg:$0x0] =	wrdreg $0xFFFFFFFF;
	(pc) =	sbr.abs _section_cstart, $3  }
0xc1: {  	[dreg:$0x1] =	wrdreg $0xFFFFFFFF  }
0xc2: {  	_ =	task.clear_ibuf [dreg:s7], $0x2FFFF;
	_ =	strace $0x9FFFFFFF  }
0xc3: {  	(tm) =	ssettm $0x7FFFFFFF  }
tec
execute0_lowered:
.L_overlay_start_1:
0x0: {  	(tag) =	ssettag $0x1  }
0x1: {  	s6 =	rddreg [dreg:$0x0]  }
0x2: {  	s9 =	rddreg [dreg:$0x1]  }
0x3: {  	s1 =	rddreg [dreg:$0x2];
	s2 =	srdreg.scid  }
0x4: {  	s3 =	simm.s32 $0x0;
	s16 =	simm.s32 $0x80;
	s17 =	simm.s32 $0x2800  }
0x5: {  	s18 =	simm.s32 $0x6800;
	s19 =	simm.s32 $0x1;
	s20 =	simm.s32 $0x3  }
0x6: {  	s21 =	simm.s32 $0x100;
	s22 =	simm.s32 $0x2;
	s23 =	simm.s32 $0x1480  }
0x7: {  	s24 =	simm.s32 $0x4;
	s28 =	simm.s32 $0x2780;
	s29 =	simm.s32 $0x0  }
0x8: {  	s7 =	sand.u32 $0x1, s2;
	s2 =	stileid.u32;
	[smem:$0x7FF] =	sst s3  }
0x9: {  	s4 =	sadd.s32 $0xD800, s6;
	s11 =	sadd.s32 $0x3800, s6;
	s8 =	smul.u32 $0x13C000, s7  }
0xa: {  	s5 =	sadd.s32 $0x35000, s6;
	s10 =	smul.u32 $0x13C00, s2;
	_ =	strace $0x80000047  }
0xb: {  	s25 =	sshll.u32 s7, $0x4;
	s7 =	ssub.s32 $0x2, s7;
	s12 =	smul.u32 $0x4F000, s2  }
0xc: {  	s30 =	sshll.u32 s2, $0x6;
	s13 =	sshrl.u32 s7, $0x1;
	s8 =	sadd.s32 s10, s8  }
0xd: {  	s10 =	sor.u32 s2, s25;
	s13 =	ssub.s32 s7, s13;
	s26 =	sshrl.u32 s12, $0x2  }
0xe: {  	s25 =	simm.s32 $0x1380;
	s8 =	sshrl.u32 s8, $0x3;
	s10 =	smul.u32 $0x2800, s10  }
0xf: {  	s15 =	sadd.s32 s26, s1;
	s12 =	smax.u32 s13, $0x1;
	s26 =	simm.s32 $0x2700  }
0x10: {  	s14 =	sadd.s32 s8, s6;
	s6 =	sor.u32 $0x1C05, s30;
	s31 =	sshrl.u32 s10, $0x3  }
0x11: {  	s13 =	sshrl.u32 s15, $0x3;
	s15 =	simm.s32 $0x1400;
	s10 =	sadd.s32 $0x280, s31  }
0x12: {  	s7 =	sadd.s32 s9, s31;
	s8 =	sadd.s32 s11, s31;
	s9 =	sadd.s32 s9, s10  }
0x13: {  	s10 =	sadd.s32 s11, s10;
	s11 =	sadd.s32 $0x37800, s14;
	s14 =	simm.s32 $0x5  }
.LBB2_1:
0x14: {  	[spmem:s13], [sflag:s6] =	dma.local [hbm:s5], $0x2780  }
0x15: {  	_ =	swait.ge [sflag:s14], $0x2780  }
0x16: {  	[sflag:s14] =	ssyncset.done $0x0  }
0x17: {  	[sflag:s14] =	ssyncadd.s32 $0xFFFFD880  }
0x18: {  	[bflag:$0x0] =	sbarrier.arrive $0xFFFF  }
0x19: {  	[tilespmem:s3], [sflag:$0x5] =	stream.linear.gather [hbm4b:s7+s3], $0x1400, $0x38;
	[tilespmem:$0x1E400] =	vst v63  }
0x1a: {  	_ =	swait.ge [sflag:s14], $0x1400  }
0x1b: {  	[sflag:s14] =	ssyncset.done $0x0  }
0x1c: {  	[sflag:s14] =	ssyncadd.s32 $0xFFFFEC00  }
0x1d: {  	[tilespmem:s15], [sflag:$0x5] =	stream.linear.gather [hbm4b:s8+s3], $0x1400, $0x38;
	[tilespmem:$0x1E400] =	vst v63  }
0x1e: {  	_ =	swait.ge [sflag:s14], $0x1400  }
0x1f: {  	[sflag:s14] =	ssyncset.done $0x0  }
0x20: {  	[sflag:s14] =	ssyncadd.s32 $0xFFFFEC00  }
0x21: {  	[tilespmem:s17], [sflag:$0x1] =	stream.indirect.gather [hbm4b:s4+s16], $0x80, s3, s16, $0xb8;
	[tilespmem:$0x1E400] =	vst v63  }
0x22: {  	_ = 	snop  }
0x23: {  	[tilespmem:s18], [sflag:$0x2] =	stream.indirect.gather [hbm4b:s4+s16], $0x80, s16, s16, $0xb8;
	[tilespmem:$0x1E400] =	vst v63  }
0x24: {  	_ =	swait.ge [sflag:s19], $0x4000  }
0x25: {  	[sflag:s19] =	ssyncset.done $0x0  }
0x26: {  	[sflag:s19] =	ssyncadd.s32 $0xFFFFC000  }
0x27: {  	[spmem:s1] =	stream.indirect.scatter.add.f32 [tilespmem:s17], [sflag:$0x3], $0x80, s15, s16, $0xb8;
	[tilespmem:$0x1E400] =	vst v63  }
0x28: {  	_ =	swait.ge [sflag:s20], $0x4000  }
0x29: {  	[sflag:s20] =	ssyncset.done $0x0  }
0x2a: {  	[sflag:s20] =	ssyncadd.s32 $0xFFFFC000  }
0x2b: {  	[tilespmem:s17], [sflag:$0x1] =	stream.indirect.gather [hbm4b:s4+s16], $0x80, s21, s16, $0xb8;
	[tilespmem:$0x1E400] =	vst v63  }
0x2c: {  	_ =	swait.ge [sflag:s22], $0x4000  }
0x2d: {  	[sflag:s22] =	ssyncset.done $0x0  }
0x2e: {  	[sflag:s22] =	ssyncadd.s32 $0xFFFFC000  }
0x2f: {  	[spmem:s1] =	stream.indirect.scatter.add.f32 [tilespmem:s18], [sflag:$0x4], $0x80, s23, s16, $0xb8;
	[tilespmem:$0x1E400] =	vst v63  }
0x30: {  	_ =	swait.ge [sflag:s24], $0x4000  }
0x31: {  	[sflag:s24] =	ssyncset.done $0x0  }
0x32: {  	s30 =	simm.s32 $0x180;
	[sflag:s24] =	ssyncadd.s32 $0xFFFFC000  }
0x33: {  	[tilespmem:s18], [sflag:$0x2] =	stream.indirect.gather [hbm4b:s4+s16], $0x80, s30, s16, $0xb8;
	[tilespmem:$0x1E400] =	vst v63  }
0x34: {  	_ =	swait.ge [sflag:s19], $0x4000  }
0x35: {  	[sflag:s19] =	ssyncset.done $0x0  }
0x36: {  	s30 =	simm.s32 $0x1500;
	[sflag:s19] =	ssyncadd.s32 $0xFFFFC000  }
0x37: {  	[spmem:s1] =	stream.indirect.scatter.add.f32 [tilespmem:s17], [sflag:$0x3], $0x80, s30, s16, $0xb8;
	[tilespmem:$0x1E400] =	vst v63  }
0x38: {  	_ =	swait.ge [sflag:s20], $0x4000  }
0x39: {  	[sflag:s20] =	ssyncset.done $0x0  }
0x3a: {  	s30 =	simm.s32 $0x200;
	[sflag:s20] =	ssyncadd.s32 $0xFFFFC000  }
0x3b: {  	[tilespmem:s17], [sflag:$0x1] =	stream.indirect.gather [hbm4b:s4+s16], $0x80, s30, s16, $0xb8;
	[tilespmem:$0x1E400] =	vst v63  }
0x3c: {  	_ =	swait.ge [sflag:s22], $0x4000  }
0x3d: {  	[sflag:s22] =	ssyncset.done $0x0  }
0x3e: {  	s31 =	simm.s32 $0x1580;
	s30 =	simm.s32 $0xFFFFBC00;
	[sflag:s22] =	ssyncadd.s32 $0xFFFFC000  }
.LBB2_2:
0x3f: {  	[spmem:s1] =	stream.indirect.scatter.add.f32 [tilespmem:s18], [sflag:$0x4], $0x80, s31, s16, $0xb8;
	[tilespmem:$0x1E400] =	vst v63  }
0x40: {  	s31 =	smov.u32 s30  }
0x41: {  	p0 =	sne.s32 s30, $0xFFFFFC00;
	s30 =	sadd.s32 $0x400, s30;
	_ =	swait.ge [sflag:s24], $0x4000  }
0x42: {  	s31 =	sshra.s32 s31, $0x2;
	[sflag:s24] =	ssyncset.done $0x0  }
0x43: {  	s0 =	sadd.s32 $0x1380, s31;
	[sflag:s24] =	ssyncadd.s32 $0xFFFFC000  }
0x44: {  	[tilespmem:s18], [sflag:$0x2] =	stream.indirect.gather [hbm4b:s4+s16], $0x80, s0, s16, $0xb8;
	[tilespmem:$0x1E400] =	vst v63  }
0x45: {  	_ =	swait.ge [sflag:s19], $0x4000  }
0x46: {  	[sflag:s19] =	ssyncset.done $0x0  }
0x47: {  	s0 =	sadd.s32 $0x2700, s31;
	[sflag:s19] =	ssyncadd.s32 $0xFFFFC000  }
0x48: {  	[spmem:s1] =	stream.indirect.scatter.add.f32 [tilespmem:s17], [sflag:$0x3], $0x80, s0, s16, $0xb8;
	[tilespmem:$0x1E400] =	vst v63  }
0x49: {  	_ =	swait.ge [sflag:s20], $0x4000  }
0x4a: {  	[sflag:s20] =	ssyncset.done $0x0  }
.Ltmp0:
0x4b: {  	s0 =	sadd.s32 $0x1400, s31;
	[sflag:s20] =	ssyncadd.s32 $0xFFFFC000;
	(pc) =	sbr.rel @p0 .LBB2_2-.Ltmp0, $4  }
0x4c: {  	[tilespmem:s17], [sflag:$0x1] =	stream.indirect.gather [hbm4b:s4+s16], $0x80, s0, s16, $0xb8;
	[tilespmem:$0x1E400] =	vst v63  }
0x4d: {  	_ =	swait.ge [sflag:s22], $0x4000  }
0x4e: {  	[sflag:s22] =	ssyncset.done $0x0  }
0x4f: {  	s31 =	sadd.s32 $0x2780, s31;
	[sflag:s22] =	ssyncadd.s32 $0xFFFFC000  }
0x50: {  	[spmem:s1] =	stream.indirect.scatter.add.f32 [tilespmem:s18], [sflag:$0x4], $0x80, s31, s16, $0xb8;
	[tilespmem:$0x1E400] =	vst v63  }
0x51: {  	_ =	swait.ge [sflag:s24], $0x4000  }
0x52: {  	[sflag:s24] =	ssyncset.done $0x0  }
0x53: {  	[sflag:s24] =	ssyncadd.s32 $0xFFFFC000  }
0x54: {  	[tilespmem:s18], [sflag:$0x2] =	stream.indirect.gather [hbm4b:s4+s16], $0x80, s25, s16, $0xb8;
	[tilespmem:$0x1E400] =	vst v63  }
0x55: {  	_ =	swait.ge [sflag:s19], $0x4000  }
0x56: {  	[sflag:s19] =	ssyncset.done $0x0  }
0x57: {  	[sflag:s19] =	ssyncadd.s32 $0xFFFFC000  }
0x58: {  	[spmem:s1] =	stream.indirect.scatter.add.f32 [tilespmem:s17], [sflag:$0x3], $0x80, s26, s16, $0xb8;
	[tilespmem:$0x1E400] =	vst v63  }
0x59: {  	_ =	swait.ge [sflag:s20], $0x4000  }
0x5a: {  	[sflag:s20] =	ssyncset.done $0x0  }
0x5b: {  	[sflag:s20] =	ssyncadd.s32 $0xFFFFC000  }
0x5c: {  	[tilespmem:s17], [sflag:$0x1] =	stream.indirect.gather [hbm4b:s4+s16], $0x80, s25, s16, $0xb8;
	[tilespmem:$0x1E400] =	vst v63  }
0x5d: {  	_ =	swait.ge [sflag:s22], $0x4000  }
0x5e: {  	[sflag:s22] =	ssyncset.done $0x0  }
0x5f: {  	[sflag:s22] =	ssyncadd.s32 $0xFFFFC000  }
0x60: {  	[spmem:s1] =	stream.indirect.scatter.add.f32 [tilespmem:s18], [sflag:$0x4], $0x80, s28, s16, $0xb8;
	[tilespmem:$0x1E400] =	vst v63  }
0x61: {  	_ =	swait.ge [sflag:s24], $0x4000  }
0x62: {  	[sflag:s24] =	ssyncset.done $0x0  }
0x63: {  	[sflag:s24] =	ssyncadd.s32 $0xFFFFC000  }
0x64: {  	_ =	swait.ge [sflag:s19], $0x4000  }
0x65: {  	[sflag:s19] =	ssyncset.done $0x0  }
0x66: {  	[sflag:s19] =	ssyncadd.s32 $0xFFFFC000  }
0x67: {  	[tilespmem:s3], [sflag:$0x5] =	stream.linear.gather [hbm4b:s9+s3], $0x1400, $0x38;
	[tilespmem:$0x1E400] =	vst v63  }
0x68: {  	_ =	swait.ge [sflag:s14], $0x1400  }
0x69: {  	[sflag:s14] =	ssyncset.done $0x0  }
0x6a: {  	[sflag:s14] =	ssyncadd.s32 $0xFFFFEC00  }
0x6b: {  	[tilespmem:s15], [sflag:$0x5] =	stream.linear.gather [hbm4b:s10+s3], $0x1400, $0x38;
	[tilespmem:$0x1E400] =	vst v63  }
0x6c: {  	_ =	swait.ge [sflag:s14], $0x1400  }
0x6d: {  	[sflag:s14] =	ssyncset.done $0x0  }
0x6e: {  	[sflag:s14] =	ssyncadd.s32 $0xFFFFEC00  }
0x6f: {  	[tilespmem:s17], [sflag:$0x1] =	stream.indirect.gather [hbm4b:s4+s16], $0x80, s3, s16, $0xb8;
	[tilespmem:$0x1E400] =	vst v63  }
0x70: {  	_ = 	snop  }
0x71: {  	[tilespmem:s18], [sflag:$0x2] =	stream.indirect.gather [hbm4b:s4+s16], $0x80, s16, s16, $0xb8;
	[tilespmem:$0x1E400] =	vst v63  }
0x72: {  	_ =	swait.ge [sflag:s19], $0x4000  }
0x73: {  	[sflag:s19] =	ssyncset.done $0x0  }
0x74: {  	[sflag:s19] =	ssyncadd.s32 $0xFFFFC000  }
0x75: {  	[spmem:s1] =	stream.indirect.scatter.add.f32 [tilespmem:s17], [sflag:$0x3], $0x80, s15, s16, $0xb8;
	[tilespmem:$0x1E400] =	vst v63  }
0x76: {  	_ =	swait.ge [sflag:s20], $0x4000  }
0x77: {  	[sflag:s20] =	ssyncset.done $0x0  }
0x78: {  	[sflag:s20] =	ssyncadd.s32 $0xFFFFC000  }
0x79: {  	[tilespmem:s17], [sflag:$0x1] =	stream.indirect.gather [hbm4b:s4+s16], $0x80, s21, s16, $0xb8;
	[tilespmem:$0x1E400] =	vst v63  }
0x7a: {  	_ =	swait.ge [sflag:s22], $0x4000  }
0x7b: {  	[sflag:s22] =	ssyncset.done $0x0  }
0x7c: {  	[sflag:s22] =	ssyncadd.s32 $0xFFFFC000  }
0x7d: {  	[spmem:s1] =	stream.indirect.scatter.add.f32 [tilespmem:s18], [sflag:$0x4], $0x80, s23, s16, $0xb8;
	[tilespmem:$0x1E400] =	vst v63  }
0x7e: {  	_ =	swait.ge [sflag:s24], $0x4000  }
0x7f: {  	[sflag:s24] =	ssyncset.done $0x0  }
0x80: {  	s0 =	simm.s32 $0x180;
	[sflag:s24] =	ssyncadd.s32 $0xFFFFC000  }
0x81: {  	[tilespmem:s18], [sflag:$0x2] =	stream.indirect.gather [hbm4b:s4+s16], $0x80, s0, s16, $0xb8;
	[tilespmem:$0x1E400] =	vst v63  }
0x82: {  	_ =	swait.ge [sflag:s19], $0x4000  }
0x83: {  	[sflag:s19] =	ssyncset.done $0x0  }
0x84: {  	s0 =	simm.s32 $0x1500;
	[sflag:s19] =	ssyncadd.s32 $0xFFFFC000  }
0x85: {  	[spmem:s1] =	stream.indirect.scatter.add.f32 [tilespmem:s17], [sflag:$0x3], $0x80, s0, s16, $0xb8;
	[tilespmem:$0x1E400] =	vst v63  }
0x86: {  	_ =	swait.ge [sflag:s20], $0x4000  }
0x87: {  	[sflag:s20] =	ssyncset.done $0x0  }
0x88: {  	s0 =	simm.s32 $0x200;
	[sflag:s20] =	ssyncadd.s32 $0xFFFFC000  }
0x89: {  	[tilespmem:s17], [sflag:$0x1] =	stream.indirect.gather [hbm4b:s4+s16], $0x80, s0, s16, $0xb8;
	[tilespmem:$0x1E400] =	vst v63  }
0x8a: {  	_ =	swait.ge [sflag:s22], $0x4000  }
0x8b: {  	[sflag:s22] =	ssyncset.done $0x0  }
0x8c: {  	s30 =	simm.s32 $0xFFFFBC00;
	s31 =	simm.s32 $0x1580;
	[sflag:s22] =	ssyncadd.s32 $0xFFFFC000  }
.LBB2_4:
0x8d: {  	[spmem:s1] =	stream.indirect.scatter.add.f32 [tilespmem:s18], [sflag:$0x4], $0x80, s31, s16, $0xb8;
	[tilespmem:$0x1E400] =	vst v63  }
0x8e: {  	s0 =	smov.u32 s30  }
0x8f: {  	p0 =	sne.s32 s30, $0xFFFFFC00;
	s30 =	sadd.s32 $0x400, s30;
	_ =	swait.ge [sflag:s24], $0x4000  }
0x90: {  	s0 =	sshra.s32 s0, $0x2;
	[sflag:s24] =	ssyncset.done $0x0  }
0x91: {  	s31 =	sadd.s32 $0x1380, s0;
	[sflag:s24] =	ssyncadd.s32 $0xFFFFC000  }
0x92: {  	[tilespmem:s18], [sflag:$0x2] =	stream.indirect.gather [hbm4b:s4+s16], $0x80, s31, s16, $0xb8;
	[tilespmem:$0x1E400] =	vst v63  }
0x93: {  	_ =	swait.ge [sflag:s19], $0x4000  }
0x94: {  	[sflag:s19] =	ssyncset.done $0x0  }
0x95: {  	s31 =	sadd.s32 $0x2700, s0;
	[sflag:s19] =	ssyncadd.s32 $0xFFFFC000  }
0x96: {  	[spmem:s1] =	stream.indirect.scatter.add.f32 [tilespmem:s17], [sflag:$0x3], $0x80, s31, s16, $0xb8;
	[tilespmem:$0x1E400] =	vst v63  }
0x97: {  	_ =	swait.ge [sflag:s20], $0x4000  }
0x98: {  	[sflag:s20] =	ssyncset.done $0x0  }
.Ltmp1:
0x99: {  	s31 =	sadd.s32 $0x1400, s0;
	[sflag:s20] =	ssyncadd.s32 $0xFFFFC000;
	(pc) =	sbr.rel @p0 .LBB2_4-.Ltmp1, $4  }
0x9a: {  	[tilespmem:s17], [sflag:$0x1] =	stream.indirect.gather [hbm4b:s4+s16], $0x80, s31, s16, $0xb8;
	[tilespmem:$0x1E400] =	vst v63  }
0x9b: {  	_ =	swait.ge [sflag:s22], $0x4000  }
0x9c: {  	[sflag:s22] =	ssyncset.done $0x0  }
0x9d: {  	s31 =	sadd.s32 $0x2780, s0;
	[sflag:s22] =	ssyncadd.s32 $0xFFFFC000  }
0x9e: {  	[spmem:s1] =	stream.indirect.scatter.add.f32 [tilespmem:s18], [sflag:$0x4], $0x80, s31, s16, $0xb8;
	[tilespmem:$0x1E400] =	vst v63  }
0x9f: {  	_ =	swait.ge [sflag:s24], $0x4000  }
0xa0: {  	[sflag:s24] =	ssyncset.done $0x0  }
0xa1: {  	[sflag:s24] =	ssyncadd.s32 $0xFFFFC000  }
0xa2: {  	[tilespmem:s18], [sflag:$0x2] =	stream.indirect.gather [hbm4b:s4+s16], $0x80, s25, s16, $0xb8;
	[tilespmem:$0x1E400] =	vst v63  }
0xa3: {  	_ =	swait.ge [sflag:s19], $0x4000  }
0xa4: {  	[sflag:s19] =	ssyncset.done $0x0  }
0xa5: {  	[sflag:s19] =	ssyncadd.s32 $0xFFFFC000  }
0xa6: {  	[spmem:s1] =	stream.indirect.scatter.add.f32 [tilespmem:s17], [sflag:$0x3], $0x80, s26, s16, $0xb8;
	[tilespmem:$0x1E400] =	vst v63  }
0xa7: {  	_ =	swait.ge [sflag:s20], $0x4000  }
0xa8: {  	[sflag:s20] =	ssyncset.done $0x0  }
0xa9: {  	[sflag:s20] =	ssyncadd.s32 $0xFFFFC000  }
0xaa: {  	[tilespmem:s17], [sflag:$0x1] =	stream.indirect.gather [hbm4b:s4+s16], $0x80, s25, s16, $0xb8;
	[tilespmem:$0x1E400] =	vst v63  }
0xab: {  	_ =	swait.ge [sflag:s22], $0x4000  }
0xac: {  	[sflag:s22] =	ssyncset.done $0x0  }
0xad: {  	[sflag:s22] =	ssyncadd.s32 $0xFFFFC000  }
0xae: {  	[spmem:s1] =	stream.indirect.scatter.add.f32 [tilespmem:s18], [sflag:$0x4], $0x80, s28, s16, $0xb8;
	[tilespmem:$0x1E400] =	vst v63  }
0xaf: {  	_ =	swait.ge [sflag:s24], $0x4000  }
0xb0: {  	[sflag:s24] =	ssyncset.done $0x0  }
0xb1: {  	[sflag:s24] =	ssyncadd.s32 $0xFFFFC000  }
0xb2: {  	_ =	swait.ge [sflag:s19], $0x4000  }
0xb3: {  	s29 =	sadd.s32 $0x1, s29;
	[sflag:s19] =	ssyncset.done $0x0  }
0xb4: {  	p0 =	sne.s32 s29, s12;
	[sflag:s19] =	ssyncadd.s32 $0xFFFFC000  }
.Ltmp2:
0xb5: {  	[bflag:$0x0] =	sbarrier.arrive $0xFFFF;
	(pc) =	sbr.rel @p0 .LBB2_1-.Ltmp2, $4  }
0xb6: {  	[hbm:s11], [sflag:s6] =	dma.local [spmem:s13], $0x2780  }
0xb7: {  	_ =	swait.ge [sflag:s14], $0x2780  }
0xb8: {  	[sflag:s14] =	ssyncset.done $0x0  }
0xb9: {  	[sflag:s14] =	ssyncadd.s32 $0xFFFFD880  }
0xba: {  	_ =	sfence.sel $0x180000  }
0xbb: {  	[bflag:$0x0] =	sbarrier.arrive $0xFFFF  }
0xbc: {  	_ =	strace $0x90000047  }
0xbd: {  	[bflag:$0x2] =	sbarrier.arrive $0xFFFF  }
0xbe: {  	p0 =	sne.s32 s2, $0x0;
	s0 =	rddreg [dreg:$0x3]  }
0xbf: {  	s0 =	sadd.s32 @!p0 $0x100000, s0  }
0xc0: {  	[sflag:s0] =	ssyncadd.tile.s32 @!p0 $0x1;
	_ =	shalt  }
.Lfunc_end2:
_tile_overlayer_lowered:
.L_overlay_start_2:
0xc1: {  	(tag) =	ssettag $0x2  }
0xc2: {  	s0 =	rddreg [dreg:$0x0];
	s2 =	stileid.u32  }
0xc3: {  	s1 =	rddreg [dreg:$0x1];
	p0 =	sne.s32 s2, $0x0  }
0xc4: {  	s3 =	rddreg [dreg:$0x2];
	[bflag:$0x3] =	sbarrier.arrive $0xFFFF;
	s2 =	simm.s32 @!p0 $0x1C05  }
0xc5: {  	[timem:s3], [sflag:s2] =	dma.local @!p0 [hbm:s0], s1  }
0xc6: {  	s0 =	simm.s32 @!p0 $0x5  }
0xc7: {  	_ =	swait.ge @!p0 [sflag:s0], s1  }
0xc8: {  	s1 =	ssub.s32 @!p0 $0x0, s1;
	[sflag:s0] =	ssyncset.done @!p0 $0x0  }
0xc9: {  	[sflag:s0] =	ssyncadd.s32 @!p0 s1  }
0xca: {  	[bflag:$0x3] =	sbarrier.arrive $0xFFFF  }
0xcb: {  	_ =	shalt  }

// kernel: kernel.15.cloned.1.call-start
scs
__scs_entry_jumppad:
0x0: {  	(pc) =	sbr.rel $0x88, $3  }
0x1: {  	(tag) =	ssettag $0x0;
	lr =	simm.s32 $0x1  }
0x2: {  	[smem:$0x3F96] =	sst lr;
	_ =	strace $0xD0000000  }
0x3: {  	_ = 	snop  }
0x4: {  	_ = 	snop  }
0x5: {  	_ = 	snop  }
0x6: {  	_ = 	snop  }
0x7: {  	_ = 	snop  }
__scs_overlays_trampoline_lowered:
0x8: {  	[smem:$0x3FA5] =	sst s0  }
0x9: {  	[smem:$0x3FA6] =	sst s1  }
0xa: {  	[smem:$0x3FA7] =	sst s2  }
0xb: {  	[smem:$0x3FA8] =	sst s3  }
0xc: {  	[smem:$0x3FA9] =	sst s4  }
0xd: {  	[smem:$0x3FAA] =	sst s5  }
0xe: {  	[smem:$0x3FAB] =	sst s6  }
0xf: {  	[smem:$0x3FAC] =	sst s7  }
0x10: {  	[smem:$0x3FAD] =	sst s8  }
0x11: {  	[smem:$0x3FAE] =	sst s9;
	s0 =	simm.s32 @!p0 $0x0  }
0x12: {  	s1 =	sld [smem:$0x3F94];
	s0 =	simm.s32 @p0 $0x1  }
0x13: {  	[smem:$0x3FAF] =	sst s0;
	s0 =	simm.s32 @!p1 $0x0  }
0x14: {  	s2 =	sld [smem:$0x3F93];
	s0 =	simm.s32 @p1 $0x1  }
0x15: {  	[smem:$0x3FB0] =	sst s0;
	s0 =	simm.s32 @!p2 $0x0  }
0x16: {  	s3 =	sld [smem:$0x3FDB];
	s0 =	simm.s32 @p2 $0x1  }
0x17: {  	s4 =	simm.s32 $0x1BF5;
	[smem:$0x3FB2] =	sst s0  }
0x18: {  	s0 =	sld [smem:$0x3F95];
	_ =	swait.ge [sflag:s4], $0x0  }
0x19: {  	s7 =	sld [smem:$0x3F96]  }
0x1a: {  	s8 =	sadd.s32 $0xFFFFE003, lr  }
0x1b: {  	s9 =	sadd.s32 $0xFFFFFEF7, lr;
	s5 =	simm.s32 $0xFFFFFFFF;
	p2 =	slt.u32 s8, $0xFFFFF086  }
0x1c: {  	p1 =	slt.u32 s9, $0xF7A;
	s5 =	simm.s32 @!p2 $0x0  }
0x1d: {  	s5 =	simm.s32 @p1 $0x1;
	p0 =	seq.s32 s7, s2  }
0x1e: {  	s7 =	smul.u32 @!p0 $0xF7A, s2;
	p2 =	seq.s32 @!p0 s5, $0x0  }
0x1f: {  	s9 =	smul.u32 $0xF7A, s1;
	s8 =	simm.s32 @!p0 $0x1BF5;
	p2 =	por !p2, p0  }
0x20: {  	[sflag:s8] =	ssyncset.s32 @!p0 $0xFFFFF086;
	s6 =	sadd.s32 @!p0 s3, s7;
	s7 =	simm.s32 @!p0 $0x108  }
0x21: {  	s3 =	sadd.s32 s3, s9;
	s6 =	sadd.s32 @!p0 $0x88, s6;
	s7 =	simm.s32 @p2 $0x1082  }
0x22: {  	[simem:s7], [sflag:s8] =	dma.local @!p0 [hbm:s6], $0xF7A  }
0x23: {  	s9 =	sor.u32 $0xD0000000, s2;
	s6 =	simm.s32 $0x108;
	_ =	swait.ge @!p0 [sflag:s8], $0x0  }
0x24: {  	s3 =	sadd.s32 $0x88, s3;
	s6 =	simm.s32 @!p1 $0x1082;
	[sflag:s4] =	ssyncset.s32 $0xFFFFF086  }
0x25: {  	[simem:s6], [sflag:s4] =	dma.local [hbm:s3], $0xF7A  }
0x26: {  	[smem:$0x3F96] =	sst s1;
	(tag) =	ssettag s2;
	_ =	strace s9  }
0x27: {  	s1 =	sld [smem:$0x3FA6]  }
0x28: {  	s2 =	sld [smem:$0x3FA7]  }
0x29: {  	s4 =	sld [smem:$0x3FA9]  }
0x2a: {  	p0 =	seq.s32 s5, $0x0;
	s5 =	sld [smem:$0x3FAA]  }
0x2b: {  	s6 =	sld [smem:$0x3FAB]  }
0x2c: {  	s7 =	sld [smem:$0x3FAC]  }
0x2d: {  	s3 =	simm.s32 $0x108;
	s8 =	sld [smem:$0x3FAD]  }
0x2e: {  	s3 =	simm.s32 @!p0 $0x1082;
	s9 =	sld [smem:$0x3FAE]  }
0x2f: {  	lr =	sadd.s32 s0, s3;
	s0 =	sld [smem:$0x3FA5]  }
0x30: {  	s3 =	sld [smem:$0x3FA8]  }
0x31: {  	[smem:$0x3FB1] =	sst s10  }
0x32: {  	s10 =	sld [smem:$0x3FAF];
	_ =	sdelay $0x3  }
0x33: {  	p0 =	seq.s32 s10, $0x1;
	s10 =	sld [smem:$0x3FB1];
	_ =	sdelay $0x3  }
0x34: {  	[smem:$0x3FB1] =	sst s10  }
0x35: {  	s10 =	sld [smem:$0x3FB0];
	_ =	sdelay $0x3  }
0x36: {  	p1 =	seq.s32 s10, $0x1;
	s10 =	sld [smem:$0x3FB1];
	_ =	sdelay $0x3  }
0x37: {  	[smem:$0x3FB1] =	sst s10  }
0x38: {  	s10 =	sld [smem:$0x3FB2]  }
0x39: {  	_ = 	snop;
	(pc) =	sbr.ind lr, $3  }
0x3a: {  	_ = 	snop  }
0x3b: {  	_ = 	snop  }
0x3c: {  	p2 =	seq.s32 s10, $0x1;
	s10 =	sld [smem:$0x3FB1]  }
0x3d: {  	_ =	shalt  }
0x3e: {  	_ =	shalt  }
0x3f: {  	_ =	shalt  }
0x40: {  	_ =	shalt  }
0x41: {  	_ =	shalt  }
0x42: {  	_ =	shalt  }
0x43: {  	_ =	shalt  }
0x44: {  	_ =	shalt  }
0x45: {  	_ =	shalt  }
0x46: {  	_ =	shalt  }
0x47: {  	_ =	shalt  }
0x48: {  	_ =	shalt  }
0x49: {  	_ =	shalt  }
0x4a: {  	_ =	shalt  }
0x4b: {  	_ =	shalt  }
0x4c: {  	_ =	shalt  }
0x4d: {  	_ =	shalt  }
0x4e: {  	_ =	shalt  }
0x4f: {  	_ =	shalt  }
0x50: {  	_ =	shalt  }
0x51: {  	_ =	shalt  }
0x52: {  	_ =	shalt  }
0x53: {  	_ =	shalt  }
0x54: {  	_ =	shalt  }
0x55: {  	_ =	shalt  }
0x56: {  	_ =	shalt  }
0x57: {  	_ =	shalt  }
0x58: {  	_ =	shalt  }
0x59: {  	_ =	shalt  }
0x5a: {  	_ =	shalt  }
0x5b: {  	_ =	shalt  }
0x5c: {  	_ =	shalt  }
0x5d: {  	_ =	shalt  }
0x5e: {  	_ =	shalt  }
0x5f: {  	_ =	shalt  }
0x60: {  	_ =	shalt  }
0x61: {  	_ =	shalt  }
0x62: {  	_ =	shalt  }
0x63: {  	_ =	shalt  }
0x64: {  	_ =	shalt  }
0x65: {  	_ =	shalt  }
0x66: {  	_ =	shalt  }
0x67: {  	_ =	shalt  }
0x68: {  	_ =	shalt  }
0x69: {  	_ =	shalt  }
0x6a: {  	_ =	shalt  }
0x6b: {  	_ =	shalt  }
0x6c: {  	_ =	shalt  }
0x6d: {  	_ =	shalt  }
0x6e: {  	_ =	shalt  }
0x6f: {  	_ =	shalt  }
0x70: {  	_ =	shalt  }
0x71: {  	_ =	shalt  }
0x72: {  	_ =	shalt  }
0x73: {  	_ =	shalt  }
0x74: {  	_ =	shalt  }
0x75: {  	_ =	shalt  }
0x76: {  	_ =	shalt  }
0x77: {  	_ =	shalt  }
0x78: {  	_ =	shalt  }
0x79: {  	_ =	shalt  }
0x7a: {  	_ =	shalt  }
0x7b: {  	_ =	shalt  }
0x7c: {  	_ =	shalt  }
0x7d: {  	_ =	shalt  }
0x7e: {  	_ =	shalt  }
0x7f: {  	_ =	shalt  }
0x80: {  	_ =	shalt  }
0x81: {  	_ =	shalt  }
0x82: {  	_ =	shalt  }
0x83: {  	_ =	shalt  }
0x84: {  	_ =	shalt  }
0x85: {  	_ =	shalt  }
0x86: {  	_ =	shalt  }
0x87: {  	_ =	shalt  }
.Lfunc_end0:
.L_simem_size_0:
called_computation.2_lowered:
.L_overlay_start_0:
0x88: {  	s2 =	sld [smem:$0x3FD9]  }
0x89: {  	s3 =	sld [smem:$0x3FFE];
	_ =	sdelay $0x1  }
0x8a: {  	s1 =	srdreg.scid  }
0x8b: {  	s0 =	sand.u32 $0x1, s1  }
0x8c: {  	s17 =	sshll.u32 s0, $0xA;
	s2 =	sadd.s32 s3, s2  }
0x8d: {  	s2 =	sadd.s32 s2, s17  }
0x8e: {  	[smem:$0x3FBD] =	sst s2  }
0x8f: {  	_ = 	snop  }
0x90: {  	s2 =	sld [smem:$0x3FD0];
	(tm) =	ssettm $0x1  }
0x91: {  	s18 =	sld [smem:$0x3FFB];
	_ =	sdelay $0x3  }
0x92: {  	_ =	strace s18  }
0x93: {  	s3 =	sld [smem:$0x3FFC];
	_ =	sdelay $0x3  }
0x94: {  	_ =	strace s3  }
0x95: {  	s3 =	sld [smem:$0x3FFD];
	_ =	sdelay $0x3  }
0x96: {  	_ =	strace s3  }
0x97: {  	_ =	strace $0x8FFFFFFF  }
0x98: {  	s19 =	sld [smem:$0x3FDB];
	_ =	sdelay $0x1  }
0x99: {  	s4 =	simm.s32 $_scs_section_size  }
0x9a: {  	s5 =	simm.s32 $_size__tile_overlayer_lowered;
	s6 =	simm.s32 $_tile_overlayer_lowered  }
0x9b: {  	s22 =	simm.s32 $0x1BFF;
	s21 =	sshll.u32 s6, $0x1;
	s3 =	sadd.s32 s4, s19  }
0x9c: {  	s7 =	simm.s32 $0x0;
	s20 =	sshll.u32 s5, $0x1;
	s5 =	sadd.s32 s21, s3  }
0x9d: {  	[timem:s7], [sflag:s22] =	dma.local [hbm:s5], s20  }
0x9e: {  	_ =	swait.ge [sflag:s22], s20  }
0x9f: {  	s4 =	ssub.s32 $0x0, s20;
	[sflag:s22] =	ssyncset.done $0x0  }
0xa0: {  	[sflag:s22] =	ssyncadd.s32 s4;
	_ =	sdelay $0x1  }
0xa1: {  	s23 =	simm.s32 $0x1B8B  }
0xa2: {  	_ =	swait.ge [sflag:s23], $0x1  }
0xa3: {  	[sflag:s23] =	ssyncset.done $0x0  }
0xa4: {  	s25 =	simm.s32 $0x1B8E;
	s24 =	sld [smem:$0x3FFE];
	[sflag:s23] =	ssyncadd.s32 $0xFFFFFFFF  }
0xa5: {  	s26 =	simm.s32 $execute0_lowered;
	[smem:$0x3FD2] =	sst s25  }
0xa6: {  	s5 =	sshll.u32 s26, $0x1;
	_ =	strace $0x8000004C;
	[dreg:$0x1] =	wrdreg $0xFFFFFFFF  }
0xa7: {  	s28 =	simm.s32 $_size_execute0_lowered;
	s3 =	sadd.s32 s3, s5;
	[dreg:$0x0] =	wrdreg $0x0  }
0xa8: {  	s5 =	sshll.u32 s28, $0x1;
	[dreg:$0x2] =	wrdreg s3  }
0xa9: {  	[dreg:$0x3] =	wrdreg s5  }
0xaa: {  	[dreg:$0x4] =	wrdreg $0xC0  }
0xab: {  	_ =	task [dreg:s7], $0x5FFFF  }
0xac: {  	[dreg:$0x1] =	wrdreg $0xFFFFFFFF  }
0xad: {  	[dreg:$0x0] =	wrdreg $0x60  }
0xae: {  	[dreg:$0x2] =	wrdreg s24  }
0xaf: {  	[dreg:$0x3] =	wrdreg s2  }
0xb0: {  	[dreg:$0x4] =	wrdreg $0xA8000  }
0xb1: {  	[dreg:$0x5] =	wrdreg $0x9  }
0xb2: {  	_ =	task.clear_ibuf [dreg:s7], $0x6FFFF;
	_ =	strace $0x9000004C  }
0xb3: {  	s29 =	simm.s32 $0x9;
	_ =	strace $0x8000004E  }
0xb4: {  	_ =	swait.ge [sflag:s29], $0x1  }
0xb5: {  	[sflag:s29] =	ssyncadd.s32 $0xFFFFFFFF  }
0xb6: {  	_ =	strace $0x9000004E  }
0xb7: {  	_ =	sfence  }
0xb8: {  	s30 =	sld [smem:$0x0];
	_ =	sdelay $0x2  }
0xb9: {  	s31 =	sshll.u32 s1, $0xD;
	s1 =	sshrl.u32 s1, $0x2  }
0xba: {  	s3 =	sand.u32 $0x4000, s31;
	s1 =	sadd.s32 s1, s30  }
0xbb: {  	s0 =	sor.u32 s3, s0;
	s1 =	sshll.u32 s1, $0x11  }
0xbc: {  	s0 =	sor.u32 s1, s0  }
0xbd: {  	s0 =	sadd.s32 $0x8F2B, s0  }
0xbe: {  	[sflag:s0] =	ssyncadd.remote.s32 $0x1  }
0xbf: {  	_ =	sfence.sel $0xFFFF  }
0xc0: {  	[dreg:$0x0] =	wrdreg $0xFFFFFFFF;
	(pc) =	sbr.abs _section_cstart, $3  }
0xc1: {  	[dreg:$0x1] =	wrdreg $0xFFFFFFFF  }
0xc2: {  	_ =	task.clear_ibuf [dreg:s7], $0x2FFFF;
	_ =	strace $0x9FFFFFFF  }
0xc3: {  	(tm) =	ssettm $0x7FFFFFFF  }
tec
execute0_lowered:
.L_overlay_start_1:
0x0: {  	(tag) =	ssettag $0x1  }
0x1: {  	s6 =	rddreg [dreg:$0x0]  }
0x2: {  	s9 =	rddreg [dreg:$0x1]  }
0x3: {  	s1 =	rddreg [dreg:$0x2];
	s2 =	srdreg.scid  }
0x4: {  	s3 =	simm.s32 $0x0;
	s16 =	simm.s32 $0x80;
	s17 =	simm.s32 $0x2800  }
0x5: {  	s18 =	simm.s32 $0x6800;
	s19 =	simm.s32 $0x1;
	s20 =	simm.s32 $0x3  }
0x6: {  	s21 =	simm.s32 $0x100;
	s22 =	simm.s32 $0x2;
	s23 =	simm.s32 $0x1480  }
0x7: {  	s24 =	simm.s32 $0x4;
	s28 =	simm.s32 $0x2780;
	s29 =	simm.s32 $0x0  }
0x8: {  	s7 =	sand.u32 $0x1, s2;
	s2 =	stileid.u32;
	[smem:$0x7FF] =	sst s3  }
0x9: {  	s4 =	sadd.s32 $0xD800, s6;
	s11 =	sadd.s32 $0x3800, s6;
	s8 =	smul.u32 $0x13C000, s7  }
0xa: {  	s5 =	sadd.s32 $0x35000, s6;
	s10 =	smul.u32 $0x13C00, s2;
	_ =	strace $0x8000004D  }
0xb: {  	s25 =	sshll.u32 s7, $0x4;
	s7 =	ssub.s32 $0x2, s7;
	s12 =	smul.u32 $0x4F000, s2  }
0xc: {  	s30 =	sshll.u32 s2, $0x6;
	s13 =	sshrl.u32 s7, $0x1;
	s8 =	sadd.s32 s10, s8  }
0xd: {  	s10 =	sor.u32 s2, s25;
	s13 =	ssub.s32 s7, s13;
	s26 =	sshrl.u32 s12, $0x2  }
0xe: {  	s25 =	simm.s32 $0x1380;
	s8 =	sshrl.u32 s8, $0x3;
	s10 =	smul.u32 $0x2800, s10  }
0xf: {  	s15 =	sadd.s32 s26, s1;
	s12 =	smax.u32 s13, $0x1;
	s26 =	simm.s32 $0x2700  }
0x10: {  	s14 =	sadd.s32 s8, s6;
	s6 =	sor.u32 $0x1C05, s30;
	s31 =	sshrl.u32 s10, $0x3  }
0x11: {  	s13 =	sshrl.u32 s15, $0x3;
	s15 =	simm.s32 $0x1400;
	s10 =	sadd.s32 $0x280, s31  }
0x12: {  	s7 =	sadd.s32 s9, s31;
	s8 =	sadd.s32 s11, s31;
	s9 =	sadd.s32 s9, s10  }
0x13: {  	s10 =	sadd.s32 s11, s10;
	s11 =	sadd.s32 $0x37800, s14;
	s14 =	simm.s32 $0x5  }
.LBB2_1:
0x14: {  	[spmem:s13], [sflag:s6] =	dma.local [hbm:s5], $0x2780  }
0x15: {  	_ =	swait.ge [sflag:s14], $0x2780  }
0x16: {  	[sflag:s14] =	ssyncset.done $0x0  }
0x17: {  	[sflag:s14] =	ssyncadd.s32 $0xFFFFD880  }
0x18: {  	[bflag:$0x0] =	sbarrier.arrive $0xFFFF  }
0x19: {  	[tilespmem:s3], [sflag:$0x5] =	stream.linear.gather [hbm4b:s7+s3], $0x1400, $0x38;
	[tilespmem:$0x1E400] =	vst v63  }
0x1a: {  	_ =	swait.ge [sflag:s14], $0x1400  }
0x1b: {  	[sflag:s14] =	ssyncset.done $0x0  }
0x1c: {  	[sflag:s14] =	ssyncadd.s32 $0xFFFFEC00  }
0x1d: {  	[tilespmem:s15], [sflag:$0x5] =	stream.linear.gather [hbm4b:s8+s3], $0x1400, $0x38;
	[tilespmem:$0x1E400] =	vst v63  }
0x1e: {  	_ =	swait.ge [sflag:s14], $0x1400  }
0x1f: {  	[sflag:s14] =	ssyncset.done $0x0  }
0x20: {  	[sflag:s14] =	ssyncadd.s32 $0xFFFFEC00  }
0x21: {  	[tilespmem:s17], [sflag:$0x1] =	stream.indirect.gather [hbm4b:s4+s16], $0x80, s3, s16, $0xb8;
	[tilespmem:$0x1E400] =	vst v63  }
0x22: {  	_ = 	snop  }
0x23: {  	[tilespmem:s18], [sflag:$0x2] =	stream.indirect.gather [hbm4b:s4+s16], $0x80, s16, s16, $0xb8;
	[tilespmem:$0x1E400] =	vst v63  }
0x24: {  	_ =	swait.ge [sflag:s19], $0x4000  }
0x25: {  	[sflag:s19] =	ssyncset.done $0x0  }
0x26: {  	[sflag:s19] =	ssyncadd.s32 $0xFFFFC000  }
0x27: {  	[spmem:s1] =	stream.indirect.scatter.add.f32 [tilespmem:s17], [sflag:$0x3], $0x80, s15, s16, $0xb8;
	[tilespmem:$0x1E400] =	vst v63  }
0x28: {  	_ =	swait.ge [sflag:s20], $0x4000  }
0x29: {  	[sflag:s20] =	ssyncset.done $0x0  }
0x2a: {  	[sflag:s20] =	ssyncadd.s32 $0xFFFFC000  }
0x2b: {  	[tilespmem:s17], [sflag:$0x1] =	stream.indirect.gather [hbm4b:s4+s16], $0x80, s21, s16, $0xb8;
	[tilespmem:$0x1E400] =	vst v63  }
0x2c: {  	_ =	swait.ge [sflag:s22], $0x4000  }
0x2d: {  	[sflag:s22] =	ssyncset.done $0x0  }
0x2e: {  	[sflag:s22] =	ssyncadd.s32 $0xFFFFC000  }
0x2f: {  	[spmem:s1] =	stream.indirect.scatter.add.f32 [tilespmem:s18], [sflag:$0x4], $0x80, s23, s16, $0xb8;
	[tilespmem:$0x1E400] =	vst v63  }
0x30: {  	_ =	swait.ge [sflag:s24], $0x4000  }
0x31: {  	[sflag:s24] =	ssyncset.done $0x0  }
0x32: {  	s30 =	simm.s32 $0x180;
	[sflag:s24] =	ssyncadd.s32 $0xFFFFC000  }
0x33: {  	[tilespmem:s18], [sflag:$0x2] =	stream.indirect.gather [hbm4b:s4+s16], $0x80, s30, s16, $0xb8;
	[tilespmem:$0x1E400] =	vst v63  }
0x34: {  	_ =	swait.ge [sflag:s19], $0x4000  }
0x35: {  	[sflag:s19] =	ssyncset.done $0x0  }
0x36: {  	s30 =	simm.s32 $0x1500;
	[sflag:s19] =	ssyncadd.s32 $0xFFFFC000  }
0x37: {  	[spmem:s1] =	stream.indirect.scatter.add.f32 [tilespmem:s17], [sflag:$0x3], $0x80, s30, s16, $0xb8;
	[tilespmem:$0x1E400] =	vst v63  }
0x38: {  	_ =	swait.ge [sflag:s20], $0x4000  }
0x39: {  	[sflag:s20] =	ssyncset.done $0x0  }
0x3a: {  	s30 =	simm.s32 $0x200;
	[sflag:s20] =	ssyncadd.s32 $0xFFFFC000  }
0x3b: {  	[tilespmem:s17], [sflag:$0x1] =	stream.indirect.gather [hbm4b:s4+s16], $0x80, s30, s16, $0xb8;
	[tilespmem:$0x1E400] =	vst v63  }
0x3c: {  	_ =	swait.ge [sflag:s22], $0x4000  }
0x3d: {  	[sflag:s22] =	ssyncset.done $0x0  }
0x3e: {  	s31 =	simm.s32 $0x1580;
	s30 =	simm.s32 $0xFFFFBC00;
	[sflag:s22] =	ssyncadd.s32 $0xFFFFC000  }
.LBB2_2:
0x3f: {  	[spmem:s1] =	stream.indirect.scatter.add.f32 [tilespmem:s18], [sflag:$0x4], $0x80, s31, s16, $0xb8;
	[tilespmem:$0x1E400] =	vst v63  }
0x40: {  	s31 =	smov.u32 s30  }
0x41: {  	p0 =	sne.s32 s30, $0xFFFFFC00;
	s30 =	sadd.s32 $0x400, s30;
	_ =	swait.ge [sflag:s24], $0x4000  }
0x42: {  	s31 =	sshra.s32 s31, $0x2;
	[sflag:s24] =	ssyncset.done $0x0  }
0x43: {  	s0 =	sadd.s32 $0x1380, s31;
	[sflag:s24] =	ssyncadd.s32 $0xFFFFC000  }
0x44: {  	[tilespmem:s18], [sflag:$0x2] =	stream.indirect.gather [hbm4b:s4+s16], $0x80, s0, s16, $0xb8;
	[tilespmem:$0x1E400] =	vst v63  }
0x45: {  	_ =	swait.ge [sflag:s19], $0x4000  }
0x46: {  	[sflag:s19] =	ssyncset.done $0x0  }
0x47: {  	s0 =	sadd.s32 $0x2700, s31;
	[sflag:s19] =	ssyncadd.s32 $0xFFFFC000  }
0x48: {  	[spmem:s1] =	stream.indirect.scatter.add.f32 [tilespmem:s17], [sflag:$0x3], $0x80, s0, s16, $0xb8;
	[tilespmem:$0x1E400] =	vst v63  }
0x49: {  	_ =	swait.ge [sflag:s20], $0x4000  }
0x4a: {  	[sflag:s20] =	ssyncset.done $0x0  }
.Ltmp0:
0x4b: {  	s0 =	sadd.s32 $0x1400, s31;
	[sflag:s20] =	ssyncadd.s32 $0xFFFFC000;
	(pc) =	sbr.rel @p0 .LBB2_2-.Ltmp0, $4  }
0x4c: {  	[tilespmem:s17], [sflag:$0x1] =	stream.indirect.gather [hbm4b:s4+s16], $0x80, s0, s16, $0xb8;
	[tilespmem:$0x1E400] =	vst v63  }
0x4d: {  	_ =	swait.ge [sflag:s22], $0x4000  }
0x4e: {  	[sflag:s22] =	ssyncset.done $0x0  }
0x4f: {  	s31 =	sadd.s32 $0x2780, s31;
	[sflag:s22] =	ssyncadd.s32 $0xFFFFC000  }
0x50: {  	[spmem:s1] =	stream.indirect.scatter.add.f32 [tilespmem:s18], [sflag:$0x4], $0x80, s31, s16, $0xb8;
	[tilespmem:$0x1E400] =	vst v63  }
0x51: {  	_ =	swait.ge [sflag:s24], $0x4000  }
0x52: {  	[sflag:s24] =	ssyncset.done $0x0  }
0x53: {  	[sflag:s24] =	ssyncadd.s32 $0xFFFFC000  }
0x54: {  	[tilespmem:s18], [sflag:$0x2] =	stream.indirect.gather [hbm4b:s4+s16], $0x80, s25, s16, $0xb8;
	[tilespmem:$0x1E400] =	vst v63  }
0x55: {  	_ =	swait.ge [sflag:s19], $0x4000  }
0x56: {  	[sflag:s19] =	ssyncset.done $0x0  }
0x57: {  	[sflag:s19] =	ssyncadd.s32 $0xFFFFC000  }
0x58: {  	[spmem:s1] =	stream.indirect.scatter.add.f32 [tilespmem:s17], [sflag:$0x3], $0x80, s26, s16, $0xb8;
	[tilespmem:$0x1E400] =	vst v63  }
0x59: {  	_ =	swait.ge [sflag:s20], $0x4000  }
0x5a: {  	[sflag:s20] =	ssyncset.done $0x0  }
0x5b: {  	[sflag:s20] =	ssyncadd.s32 $0xFFFFC000  }
0x5c: {  	[tilespmem:s17], [sflag:$0x1] =	stream.indirect.gather [hbm4b:s4+s16], $0x80, s25, s16, $0xb8;
	[tilespmem:$0x1E400] =	vst v63  }
0x5d: {  	_ =	swait.ge [sflag:s22], $0x4000  }
0x5e: {  	[sflag:s22] =	ssyncset.done $0x0  }
0x5f: {  	[sflag:s22] =	ssyncadd.s32 $0xFFFFC000  }
0x60: {  	[spmem:s1] =	stream.indirect.scatter.add.f32 [tilespmem:s18], [sflag:$0x4], $0x80, s28, s16, $0xb8;
	[tilespmem:$0x1E400] =	vst v63  }
0x61: {  	_ =	swait.ge [sflag:s24], $0x4000  }
0x62: {  	[sflag:s24] =	ssyncset.done $0x0  }
0x63: {  	[sflag:s24] =	ssyncadd.s32 $0xFFFFC000  }
0x64: {  	_ =	swait.ge [sflag:s19], $0x4000  }
0x65: {  	[sflag:s19] =	ssyncset.done $0x0  }
0x66: {  	[sflag:s19] =	ssyncadd.s32 $0xFFFFC000  }
0x67: {  	[tilespmem:s3], [sflag:$0x5] =	stream.linear.gather [hbm4b:s9+s3], $0x1400, $0x38;
	[tilespmem:$0x1E400] =	vst v63  }
0x68: {  	_ =	swait.ge [sflag:s14], $0x1400  }
0x69: {  	[sflag:s14] =	ssyncset.done $0x0  }
0x6a: {  	[sflag:s14] =	ssyncadd.s32 $0xFFFFEC00  }
0x6b: {  	[tilespmem:s15], [sflag:$0x5] =	stream.linear.gather [hbm4b:s10+s3], $0x1400, $0x38;
	[tilespmem:$0x1E400] =	vst v63  }
0x6c: {  	_ =	swait.ge [sflag:s14], $0x1400  }
0x6d: {  	[sflag:s14] =	ssyncset.done $0x0  }
0x6e: {  	[sflag:s14] =	ssyncadd.s32 $0xFFFFEC00  }
0x6f: {  	[tilespmem:s17], [sflag:$0x1] =	stream.indirect.gather [hbm4b:s4+s16], $0x80, s3, s16, $0xb8;
	[tilespmem:$0x1E400] =	vst v63  }
0x70: {  	_ = 	snop  }
0x71: {  	[tilespmem:s18], [sflag:$0x2] =	stream.indirect.gather [hbm4b:s4+s16], $0x80, s16, s16, $0xb8;
	[tilespmem:$0x1E400] =	vst v63  }
0x72: {  	_ =	swait.ge [sflag:s19], $0x4000  }
0x73: {  	[sflag:s19] =	ssyncset.done $0x0  }
0x74: {  	[sflag:s19] =	ssyncadd.s32 $0xFFFFC000  }
0x75: {  	[spmem:s1] =	stream.indirect.scatter.add.f32 [tilespmem:s17], [sflag:$0x3], $0x80, s15, s16, $0xb8;
	[tilespmem:$0x1E400] =	vst v63  }
0x76: {  	_ =	swait.ge [sflag:s20], $0x4000  }
0x77: {  	[sflag:s20] =	ssyncset.done $0x0  }
0x78: {  	[sflag:s20] =	ssyncadd.s32 $0xFFFFC000  }
0x79: {  	[tilespmem:s17], [sflag:$0x1] =	stream.indirect.gather [hbm4b:s4+s16], $0x80, s21, s16, $0xb8;
	[tilespmem:$0x1E400] =	vst v63  }
0x7a: {  	_ =	swait.ge [sflag:s22], $0x4000  }
0x7b: {  	[sflag:s22] =	ssyncset.done $0x0  }
0x7c: {  	[sflag:s22] =	ssyncadd.s32 $0xFFFFC000  }
0x7d: {  	[spmem:s1] =	stream.indirect.scatter.add.f32 [tilespmem:s18], [sflag:$0x4], $0x80, s23, s16, $0xb8;
	[tilespmem:$0x1E400] =	vst v63  }
0x7e: {  	_ =	swait.ge [sflag:s24], $0x4000  }
0x7f: {  	[sflag:s24] =	ssyncset.done $0x0  }
0x80: {  	s0 =	simm.s32 $0x180;
	[sflag:s24] =	ssyncadd.s32 $0xFFFFC000  }
0x81: {  	[tilespmem:s18], [sflag:$0x2] =	stream.indirect.gather [hbm4b:s4+s16], $0x80, s0, s16, $0xb8;
	[tilespmem:$0x1E400] =	vst v63  }
0x82: {  	_ =	swait.ge [sflag:s19], $0x4000  }
0x83: {  	[sflag:s19] =	ssyncset.done $0x0  }
0x84: {  	s0 =	simm.s32 $0x1500;
	[sflag:s19] =	ssyncadd.s32 $0xFFFFC000  }
0x85: {  	[spmem:s1] =	stream.indirect.scatter.add.f32 [tilespmem:s17], [sflag:$0x3], $0x80, s0, s16, $0xb8;
	[tilespmem:$0x1E400] =	vst v63  }
0x86: {  	_ =	swait.ge [sflag:s20], $0x4000  }
0x87: {  	[sflag:s20] =	ssyncset.done $0x0  }
0x88: {  	s0 =	simm.s32 $0x200;
	[sflag:s20] =	ssyncadd.s32 $0xFFFFC000  }
0x89: {  	[tilespmem:s17], [sflag:$0x1] =	stream.indirect.gather [hbm4b:s4+s16], $0x80, s0, s16, $0xb8;
	[tilespmem:$0x1E400] =	vst v63  }
0x8a: {  	_ =	swait.ge [sflag:s22], $0x4000  }
0x8b: {  	[sflag:s22] =	ssyncset.done $0x0  }
0x8c: {  	s30 =	simm.s32 $0xFFFFBC00;
	s31 =	simm.s32 $0x1580;
	[sflag:s22] =	ssyncadd.s32 $0xFFFFC000  }
.LBB2_4:
0x8d: {  	[spmem:s1] =	stream.indirect.scatter.add.f32 [tilespmem:s18], [sflag:$0x4], $0x80, s31, s16, $0xb8;
	[tilespmem:$0x1E400] =	vst v63  }
0x8e: {  	s0 =	smov.u32 s30  }
0x8f: {  	p0 =	sne.s32 s30, $0xFFFFFC00;
	s30 =	sadd.s32 $0x400, s30;
	_ =	swait.ge [sflag:s24], $0x4000  }
0x90: {  	s0 =	sshra.s32 s0, $0x2;
	[sflag:s24] =	ssyncset.done $0x0  }
0x91: {  	s31 =	sadd.s32 $0x1380, s0;
	[sflag:s24] =	ssyncadd.s32 $0xFFFFC000  }
0x92: {  	[tilespmem:s18], [sflag:$0x2] =	stream.indirect.gather [hbm4b:s4+s16], $0x80, s31, s16, $0xb8;
	[tilespmem:$0x1E400] =	vst v63  }
0x93: {  	_ =	swait.ge [sflag:s19], $0x4000  }
0x94: {  	[sflag:s19] =	ssyncset.done $0x0  }
0x95: {  	s31 =	sadd.s32 $0x2700, s0;
	[sflag:s19] =	ssyncadd.s32 $0xFFFFC000  }
0x96: {  	[spmem:s1] =	stream.indirect.scatter.add.f32 [tilespmem:s17], [sflag:$0x3], $0x80, s31, s16, $0xb8;
	[tilespmem:$0x1E400] =	vst v63  }
0x97: {  	_ =	swait.ge [sflag:s20], $0x4000  }
0x98: {  	[sflag:s20] =	ssyncset.done $0x0  }
.Ltmp1:
0x99: {  	s31 =	sadd.s32 $0x1400, s0;
	[sflag:s20] =	ssyncadd.s32 $0xFFFFC000;
	(pc) =	sbr.rel @p0 .LBB2_4-.Ltmp1, $4  }
0x9a: {  	[tilespmem:s17], [sflag:$0x1] =	stream.indirect.gather [hbm4b:s4+s16], $0x80, s31, s16, $0xb8;
	[tilespmem:$0x1E400] =	vst v63  }
0x9b: {  	_ =	swait.ge [sflag:s22], $0x4000  }
0x9c: {  	[sflag:s22] =	ssyncset.done $0x0  }
0x9d: {  	s31 =	sadd.s32 $0x2780, s0;
	[sflag:s22] =	ssyncadd.s32 $0xFFFFC000  }
0x9e: {  	[spmem:s1] =	stream.indirect.scatter.add.f32 [tilespmem:s18], [sflag:$0x4], $0x80, s31, s16, $0xb8;
	[tilespmem:$0x1E400] =	vst v63  }
0x9f: {  	_ =	swait.ge [sflag:s24], $0x4000  }
0xa0: {  	[sflag:s24] =	ssyncset.done $0x0  }
0xa1: {  	[sflag:s24] =	ssyncadd.s32 $0xFFFFC000  }
0xa2: {  	[tilespmem:s18], [sflag:$0x2] =	stream.indirect.gather [hbm4b:s4+s16], $0x80, s25, s16, $0xb8;
	[tilespmem:$0x1E400] =	vst v63  }
0xa3: {  	_ =	swait.ge [sflag:s19], $0x4000  }
0xa4: {  	[sflag:s19] =	ssyncset.done $0x0  }
0xa5: {  	[sflag:s19] =	ssyncadd.s32 $0xFFFFC000  }
0xa6: {  	[spmem:s1] =	stream.indirect.scatter.add.f32 [tilespmem:s17], [sflag:$0x3], $0x80, s26, s16, $0xb8;
	[tilespmem:$0x1E400] =	vst v63  }
0xa7: {  	_ =	swait.ge [sflag:s20], $0x4000  }
0xa8: {  	[sflag:s20] =	ssyncset.done $0x0  }
0xa9: {  	[sflag:s20] =	ssyncadd.s32 $0xFFFFC000  }
0xaa: {  	[tilespmem:s17], [sflag:$0x1] =	stream.indirect.gather [hbm4b:s4+s16], $0x80, s25, s16, $0xb8;
	[tilespmem:$0x1E400] =	vst v63  }
0xab: {  	_ =	swait.ge [sflag:s22], $0x4000  }
0xac: {  	[sflag:s22] =	ssyncset.done $0x0  }
0xad: {  	[sflag:s22] =	ssyncadd.s32 $0xFFFFC000  }
0xae: {  	[spmem:s1] =	stream.indirect.scatter.add.f32 [tilespmem:s18], [sflag:$0x4], $0x80, s28, s16, $0xb8;
	[tilespmem:$0x1E400] =	vst v63  }
0xaf: {  	_ =	swait.ge [sflag:s24], $0x4000  }
0xb0: {  	[sflag:s24] =	ssyncset.done $0x0  }
0xb1: {  	[sflag:s24] =	ssyncadd.s32 $0xFFFFC000  }
0xb2: {  	_ =	swait.ge [sflag:s19], $0x4000  }
0xb3: {  	s29 =	sadd.s32 $0x1, s29;
	[sflag:s19] =	ssyncset.done $0x0  }
0xb4: {  	p0 =	sne.s32 s29, s12;
	[sflag:s19] =	ssyncadd.s32 $0xFFFFC000  }
.Ltmp2:
0xb5: {  	[bflag:$0x0] =	sbarrier.arrive $0xFFFF;
	(pc) =	sbr.rel @p0 .LBB2_1-.Ltmp2, $4  }
0xb6: {  	[hbm:s11], [sflag:s6] =	dma.local [spmem:s13], $0x2780  }
0xb7: {  	_ =	swait.ge [sflag:s14], $0x2780  }
0xb8: {  	[sflag:s14] =	ssyncset.done $0x0  }
0xb9: {  	[sflag:s14] =	ssyncadd.s32 $0xFFFFD880  }
0xba: {  	_ =	sfence.sel $0x180000  }
0xbb: {  	[bflag:$0x0] =	sbarrier.arrive $0xFFFF  }
0xbc: {  	_ =	strace $0x9000004D  }
0xbd: {  	[bflag:$0x2] =	sbarrier.arrive $0xFFFF  }
0xbe: {  	p0 =	sne.s32 s2, $0x0;
	s0 =	rddreg [dreg:$0x3]  }
0xbf: {  	s0 =	sadd.s32 @!p0 $0x100000, s0  }
0xc0: {  	[sflag:s0] =	ssyncadd.tile.s32 @!p0 $0x1;
	_ =	shalt  }
.Lfunc_end2:
_tile_overlayer_lowered:
.L_overlay_start_2:
0xc1: {  	(tag) =	ssettag $0x2  }
0xc2: {  	s0 =	rddreg [dreg:$0x0];
	s2 =	stileid.u32  }
0xc3: {  	s1 =	rddreg [dreg:$0x1];
	p0 =	sne.s32 s2, $0x0  }
0xc4: {  	s3 =	rddreg [dreg:$0x2];
	[bflag:$0x3] =	sbarrier.arrive $0xFFFF;
	s2 =	simm.s32 @!p0 $0x1C05  }
0xc5: {  	[timem:s3], [sflag:s2] =	dma.local @!p0 [hbm:s0], s1  }
0xc6: {  	s0 =	simm.s32 @!p0 $0x5  }
0xc7: {  	_ =	swait.ge @!p0 [sflag:s0], s1  }
0xc8: {  	s1 =	ssub.s32 @!p0 $0x0, s1;
	[sflag:s0] =	ssyncset.done @!p0 $0x0  }
0xc9: {  	[sflag:s0] =	ssyncadd.s32 @!p0 s1  }
0xca: {  	[bflag:$0x3] =	sbarrier.arrive $0xFFFF  }
0xcb: {  	_ =	shalt  }

// kernel: kernel.18.cloned.1.call-start
scs
__scs_entry_jumppad:
0x0: {  	(pc) =	sbr.rel $0x88, $3  }
0x1: {  	(tag) =	ssettag $0x0;
	lr =	simm.s32 $0x1  }
0x2: {  	[smem:$0x3F96] =	sst lr;
	_ =	strace $0xD0000000  }
0x3: {  	_ = 	snop  }
0x4: {  	_ = 	snop  }
0x5: {  	_ = 	snop  }
0x6: {  	_ = 	snop  }
0x7: {  	_ = 	snop  }
__scs_overlays_trampoline_lowered:
0x8: {  	[smem:$0x3FA5] =	sst s0  }
0x9: {  	[smem:$0x3FA6] =	sst s1  }
0xa: {  	[smem:$0x3FA7] =	sst s2  }
0xb: {  	[smem:$0x3FA8] =	sst s3  }
0xc: {  	[smem:$0x3FA9] =	sst s4  }
0xd: {  	[smem:$0x3FAA] =	sst s5  }
0xe: {  	[smem:$0x3FAB] =	sst s6  }
0xf: {  	[smem:$0x3FAC] =	sst s7  }
0x10: {  	[smem:$0x3FAD] =	sst s8  }
0x11: {  	[smem:$0x3FAE] =	sst s9;
	s0 =	simm.s32 @!p0 $0x0  }
0x12: {  	s1 =	sld [smem:$0x3F94];
	s0 =	simm.s32 @p0 $0x1  }
0x13: {  	[smem:$0x3FAF] =	sst s0;
	s0 =	simm.s32 @!p1 $0x0  }
0x14: {  	s2 =	sld [smem:$0x3F93];
	s0 =	simm.s32 @p1 $0x1  }
0x15: {  	[smem:$0x3FB0] =	sst s0;
	s0 =	simm.s32 @!p2 $0x0  }
0x16: {  	s3 =	sld [smem:$0x3FDB];
	s0 =	simm.s32 @p2 $0x1  }
0x17: {  	s4 =	simm.s32 $0x1BF5;
	[smem:$0x3FB2] =	sst s0  }
0x18: {  	s0 =	sld [smem:$0x3F95];
	_ =	swait.ge [sflag:s4], $0x0  }
0x19: {  	s7 =	sld [smem:$0x3F96]  }
0x1a: {  	s8 =	sadd.s32 $0xFFFFE003, lr  }
0x1b: {  	s9 =	sadd.s32 $0xFFFFFEF7, lr;
	s5 =	simm.s32 $0xFFFFFFFF;
	p2 =	slt.u32 s8, $0xFFFFF086  }
0x1c: {  	p1 =	slt.u32 s9, $0xF7A;
	s5 =	simm.s32 @!p2 $0x0  }
0x1d: {  	s5 =	simm.s32 @p1 $0x1;
	p0 =	seq.s32 s7, s2  }
0x1e: {  	s7 =	smul.u32 @!p0 $0xF7A, s2;
	p2 =	seq.s32 @!p0 s5, $0x0  }
0x1f: {  	s9 =	smul.u32 $0xF7A, s1;
	s8 =	simm.s32 @!p0 $0x1BF5;
	p2 =	por !p2, p0  }
0x20: {  	[sflag:s8] =	ssyncset.s32 @!p0 $0xFFFFF086;
	s6 =	sadd.s32 @!p0 s3, s7;
	s7 =	simm.s32 @!p0 $0x108  }
0x21: {  	s3 =	sadd.s32 s3, s9;
	s6 =	sadd.s32 @!p0 $0x88, s6;
	s7 =	simm.s32 @p2 $0x1082  }
0x22: {  	[simem:s7], [sflag:s8] =	dma.local @!p0 [hbm:s6], $0xF7A  }
0x23: {  	s9 =	sor.u32 $0xD0000000, s2;
	s6 =	simm.s32 $0x108;
	_ =	swait.ge @!p0 [sflag:s8], $0x0  }
0x24: {  	s3 =	sadd.s32 $0x88, s3;
	s6 =	simm.s32 @!p1 $0x1082;
	[sflag:s4] =	ssyncset.s32 $0xFFFFF086  }
0x25: {  	[simem:s6], [sflag:s4] =	dma.local [hbm:s3], $0xF7A  }
0x26: {  	[smem:$0x3F96] =	sst s1;
	(tag) =	ssettag s2;
	_ =	strace s9  }
0x27: {  	s1 =	sld [smem:$0x3FA6]  }
0x28: {  	s2 =	sld [smem:$0x3FA7]  }
0x29: {  	s4 =	sld [smem:$0x3FA9]  }
0x2a: {  	p0 =	seq.s32 s5, $0x0;
	s5 =	sld [smem:$0x3FAA]  }
0x2b: {  	s6 =	sld [smem:$0x3FAB]  }
0x2c: {  	s7 =	sld [smem:$0x3FAC]  }
0x2d: {  	s3 =	simm.s32 $0x108;
	s8 =	sld [smem:$0x3FAD]  }
0x2e: {  	s3 =	simm.s32 @!p0 $0x1082;
	s9 =	sld [smem:$0x3FAE]  }
0x2f: {  	lr =	sadd.s32 s0, s3;
	s0 =	sld [smem:$0x3FA5]  }
0x30: {  	s3 =	sld [smem:$0x3FA8]  }
0x31: {  	[smem:$0x3FB1] =	sst s10  }
0x32: {  	s10 =	sld [smem:$0x3FAF];
	_ =	sdelay $0x3  }
0x33: {  	p0 =	seq.s32 s10, $0x1;
	s10 =	sld [smem:$0x3FB1];
	_ =	sdelay $0x3  }
0x34: {  	[smem:$0x3FB1] =	sst s10  }
0x35: {  	s10 =	sld [smem:$0x3FB0];
	_ =	sdelay $0x3  }
0x36: {  	p1 =	seq.s32 s10, $0x1;
	s10 =	sld [smem:$0x3FB1];
	_ =	sdelay $0x3  }
0x37: {  	[smem:$0x3FB1] =	sst s10  }
0x38: {  	s10 =	sld [smem:$0x3FB2]  }
0x39: {  	_ = 	snop;
	(pc) =	sbr.ind lr, $3  }
0x3a: {  	_ = 	snop  }
0x3b: {  	_ = 	snop  }
0x3c: {  	p2 =	seq.s32 s10, $0x1;
	s10 =	sld [smem:$0x3FB1]  }
0x3d: {  	_ =	shalt  }
0x3e: {  	_ =	shalt  }
0x3f: {  	_ =	shalt  }
0x40: {  	_ =	shalt  }
0x41: {  	_ =	shalt  }
0x42: {  	_ =	shalt  }
0x43: {  	_ =	shalt  }
0x44: {  	_ =	shalt  }
0x45: {  	_ =	shalt  }
0x46: {  	_ =	shalt  }
0x47: {  	_ =	shalt  }
0x48: {  	_ =	shalt  }
0x49: {  	_ =	shalt  }
0x4a: {  	_ =	shalt  }
0x4b: {  	_ =	shalt  }
0x4c: {  	_ =	shalt  }
0x4d: {  	_ =	shalt  }
0x4e: {  	_ =	shalt  }
0x4f: {  	_ =	shalt  }
0x50: {  	_ =	shalt  }
0x51: {  	_ =	shalt  }
0x52: {  	_ =	shalt  }
0x53: {  	_ =	shalt  }
0x54: {  	_ =	shalt  }
0x55: {  	_ =	shalt  }
0x56: {  	_ =	shalt  }
0x57: {  	_ =	shalt  }
0x58: {  	_ =	shalt  }
0x59: {  	_ =	shalt  }
0x5a: {  	_ =	shalt  }
0x5b: {  	_ =	shalt  }
0x5c: {  	_ =	shalt  }
0x5d: {  	_ =	shalt  }
0x5e: {  	_ =	shalt  }
0x5f: {  	_ =	shalt  }
0x60: {  	_ =	shalt  }
0x61: {  	_ =	shalt  }
0x62: {  	_ =	shalt  }
0x63: {  	_ =	shalt  }
0x64: {  	_ =	shalt  }
0x65: {  	_ =	shalt  }
0x66: {  	_ =	shalt  }
0x67: {  	_ =	shalt  }
0x68: {  	_ =	shalt  }
0x69: {  	_ =	shalt  }
0x6a: {  	_ =	shalt  }
0x6b: {  	_ =	shalt  }
0x6c: {  	_ =	shalt  }
0x6d: {  	_ =	shalt  }
0x6e: {  	_ =	shalt  }
0x6f: {  	_ =	shalt  }
0x70: {  	_ =	shalt  }
0x71: {  	_ =	shalt  }
0x72: {  	_ =	shalt  }
0x73: {  	_ =	shalt  }
0x74: {  	_ =	shalt  }
0x75: {  	_ =	shalt  }
0x76: {  	_ =	shalt  }
0x77: {  	_ =	shalt  }
0x78: {  	_ =	shalt  }
0x79: {  	_ =	shalt  }
0x7a: {  	_ =	shalt  }
0x7b: {  	_ =	shalt  }
0x7c: {  	_ =	shalt  }
0x7d: {  	_ =	shalt  }
0x7e: {  	_ =	shalt  }
0x7f: {  	_ =	shalt  }
0x80: {  	_ =	shalt  }
0x81: {  	_ =	shalt  }
0x82: {  	_ =	shalt  }
0x83: {  	_ =	shalt  }
0x84: {  	_ =	shalt  }
0x85: {  	_ =	shalt  }
0x86: {  	_ =	shalt  }
0x87: {  	_ =	shalt  }
.Lfunc_end0:
.L_simem_size_0:
called_computation.3_lowered:
.L_overlay_start_0:
0x88: {  	s2 =	sld [smem:$0x3FD9]  }
0x89: {  	s3 =	sld [smem:$0x3FFE];
	_ =	sdelay $0x1  }
0x8a: {  	s1 =	srdreg.scid  }
0x8b: {  	s0 =	sand.u32 $0x1, s1  }
0x8c: {  	s17 =	sshll.u32 s0, $0xA;
	s2 =	sadd.s32 s3, s2  }
0x8d: {  	s2 =	sadd.s32 s2, s17  }
0x8e: {  	[smem:$0x3FBD] =	sst s2  }
0x8f: {  	_ = 	snop  }
0x90: {  	s2 =	sld [smem:$0x3FD0];
	(tm) =	ssettm $0x1  }
0x91: {  	s18 =	sld [smem:$0x3FFB];
	_ =	sdelay $0x3  }
0x92: {  	_ =	strace s18  }
0x93: {  	s3 =	sld [smem:$0x3FFC];
	_ =	sdelay $0x3  }
0x94: {  	_ =	strace s3  }
0x95: {  	s3 =	sld [smem:$0x3FFD];
	_ =	sdelay $0x3  }
0x96: {  	_ =	strace s3  }
0x97: {  	_ =	strace $0x8FFFFFFF  }
0x98: {  	s19 =	sld [smem:$0x3FDB];
	_ =	sdelay $0x1  }
0x99: {  	s4 =	simm.s32 $_scs_section_size  }
0x9a: {  	s5 =	simm.s32 $_size__tile_overlayer_lowered;
	s6 =	simm.s32 $_tile_overlayer_lowered  }
0x9b: {  	s22 =	simm.s32 $0x1BFF;
	s21 =	sshll.u32 s6, $0x1;
	s3 =	sadd.s32 s4, s19  }
0x9c: {  	s7 =	simm.s32 $0x0;
	s20 =	sshll.u32 s5, $0x1;
	s5 =	sadd.s32 s21, s3  }
0x9d: {  	[timem:s7], [sflag:s22] =	dma.local [hbm:s5], s20  }
0x9e: {  	_ =	swait.ge [sflag:s22], s20  }
0x9f: {  	s4 =	ssub.s32 $0x0, s20;
	[sflag:s22] =	ssyncset.done $0x0  }
0xa0: {  	[sflag:s22] =	ssyncadd.s32 s4;
	_ =	sdelay $0x1  }
0xa1: {  	s23 =	simm.s32 $0x1B8B  }
0xa2: {  	_ =	swait.ge [sflag:s23], $0x1  }
0xa3: {  	[sflag:s23] =	ssyncset.done $0x0  }
0xa4: {  	s25 =	simm.s32 $0x1B8E;
	s24 =	sld [smem:$0x3FFE];
	[sflag:s23] =	ssyncadd.s32 $0xFFFFFFFF  }
0xa5: {  	s26 =	simm.s32 $execute0_lowered;
	[smem:$0x3FD2] =	sst s25  }
0xa6: {  	s5 =	sshll.u32 s26, $0x1;
	_ =	strace $0x8000004F;
	[dreg:$0x1] =	wrdreg $0xFFFFFFFF  }
0xa7: {  	s28 =	simm.s32 $_size_execute0_lowered;
	s3 =	sadd.s32 s3, s5;
	[dreg:$0x0] =	wrdreg $0x0  }
0xa8: {  	s5 =	sshll.u32 s28, $0x1;
	[dreg:$0x2] =	wrdreg s3  }
0xa9: {  	[dreg:$0x3] =	wrdreg s5  }
0xaa: {  	[dreg:$0x4] =	wrdreg $0xC0  }
0xab: {  	_ =	task [dreg:s7], $0x5FFFF  }
0xac: {  	[dreg:$0x1] =	wrdreg $0xFFFFFFFF  }
0xad: {  	[dreg:$0x0] =	wrdreg $0x60  }
0xae: {  	[dreg:$0x2] =	wrdreg s24  }
0xaf: {  	[dreg:$0x3] =	wrdreg s2  }
0xb0: {  	[dreg:$0x4] =	wrdreg $0xA8000  }
0xb1: {  	[dreg:$0x5] =	wrdreg $0x9  }
0xb2: {  	_ =	task.clear_ibuf [dreg:s7], $0x6FFFF;
	_ =	strace $0x9000004F  }
0xb3: {  	s29 =	simm.s32 $0x9;
	_ =	strace $0x80000051  }
0xb4: {  	_ =	swait.ge [sflag:s29], $0x1  }
0xb5: {  	[sflag:s29] =	ssyncadd.s32 $0xFFFFFFFF  }
0xb6: {  	_ =	strace $0x90000051  }
0xb7: {  	_ =	sfence  }
0xb8: {  	s30 =	sld [smem:$0x0];
	_ =	sdelay $0x2  }
0xb9: {  	s31 =	sshll.u32 s1, $0xD;
	s1 =	sshrl.u32 s1, $0x2  }
0xba: {  	s3 =	sand.u32 $0x4000, s31;
	s1 =	sadd.s32 s1, s30  }
0xbb: {  	s0 =	sor.u32 s3, s0;
	s1 =	sshll.u32 s1, $0x11  }
0xbc: {  	s0 =	sor.u32 s1, s0  }
0xbd: {  	s0 =	sadd.s32 $0x8F2B, s0  }
0xbe: {  	[sflag:s0] =	ssyncadd.remote.s32 $0x1  }
0xbf: {  	_ =	sfence.sel $0xFFFF  }
0xc0: {  	[dreg:$0x0] =	wrdreg $0xFFFFFFFF;
	(pc) =	sbr.abs _section_cstart, $3  }
0xc1: {  	[dreg:$0x1] =	wrdreg $0xFFFFFFFF  }
0xc2: {  	_ =	task.clear_ibuf [dreg:s7], $0x2FFFF;
	_ =	strace $0x9FFFFFFF  }
0xc3: {  	(tm) =	ssettm $0x7FFFFFFF  }
tec
execute0_lowered:
.L_overlay_start_1:
0x0: {  	(tag) =	ssettag $0x1  }
0x1: {  	s6 =	rddreg [dreg:$0x0]  }
0x2: {  	s9 =	rddreg [dreg:$0x1]  }
0x3: {  	s1 =	rddreg [dreg:$0x2];
	s2 =	srdreg.scid  }
0x4: {  	s3 =	simm.s32 $0x0;
	s16 =	simm.s32 $0x80;
	s17 =	simm.s32 $0x2800  }
0x5: {  	s18 =	simm.s32 $0x6800;
	s19 =	simm.s32 $0x1;
	s20 =	simm.s32 $0x3  }
0x6: {  	s21 =	simm.s32 $0x100;
	s22 =	simm.s32 $0x2;
	s23 =	simm.s32 $0x1480  }
0x7: {  	s24 =	simm.s32 $0x4;
	s28 =	simm.s32 $0x2780;
	s29 =	simm.s32 $0x0  }
0x8: {  	s7 =	sand.u32 $0x1, s2;
	s2 =	stileid.u32;
	[smem:$0x7FF] =	sst s3  }
0x9: {  	s4 =	sadd.s32 $0xD800, s6;
	s11 =	sadd.s32 $0x3800, s6;
	s8 =	smul.u32 $0x13C000, s7  }
0xa: {  	s5 =	sadd.s32 $0x35000, s6;
	s10 =	smul.u32 $0x13C00, s2;
	_ =	strace $0x80000050  }
0xb: {  	s25 =	sshll.u32 s7, $0x4;
	s7 =	ssub.s32 $0x2, s7;
	s12 =	smul.u32 $0x4F000, s2  }
0xc: {  	s30 =	sshll.u32 s2, $0x6;
	s13 =	sshrl.u32 s7, $0x1;
	s8 =	sadd.s32 s10, s8  }
0xd: {  	s10 =	sor.u32 s2, s25;
	s13 =	ssub.s32 s7, s13;
	s26 =	sshrl.u32 s12, $0x2  }
0xe: {  	s25 =	simm.s32 $0x1380;
	s8 =	sshrl.u32 s8, $0x3;
	s10 =	smul.u32 $0x2800, s10  }
0xf: {  	s15 =	sadd.s32 s26, s1;
	s12 =	smax.u32 s13, $0x1;
	s26 =	simm.s32 $0x2700  }
0x10: {  	s14 =	sadd.s32 s8, s6;
	s6 =	sor.u32 $0x1C05, s30;
	s31 =	sshrl.u32 s10, $0x3  }
0x11: {  	s13 =	sshrl.u32 s15, $0x3;
	s15 =	simm.s32 $0x1400;
	s10 =	sadd.s32 $0x280, s31  }
0x12: {  	s7 =	sadd.s32 s9, s31;
	s8 =	sadd.s32 s11, s31;
	s9 =	sadd.s32 s9, s10  }
0x13: {  	s10 =	sadd.s32 s11, s10;
	s11 =	sadd.s32 $0x37800, s14;
	s14 =	simm.s32 $0x5  }
.LBB2_1:
0x14: {  	[spmem:s13], [sflag:s6] =	dma.local [hbm:s5], $0x2780  }
0x15: {  	_ =	swait.ge [sflag:s14], $0x2780  }
0x16: {  	[sflag:s14] =	ssyncset.done $0x0  }
0x17: {  	[sflag:s14] =	ssyncadd.s32 $0xFFFFD880  }
0x18: {  	[bflag:$0x0] =	sbarrier.arrive $0xFFFF  }
0x19: {  	[tilespmem:s3], [sflag:$0x5] =	stream.linear.gather [hbm4b:s7+s3], $0x1400, $0x38;
	[tilespmem:$0x1E400] =	vst v63  }
0x1a: {  	_ =	swait.ge [sflag:s14], $0x1400  }
0x1b: {  	[sflag:s14] =	ssyncset.done $0x0  }
0x1c: {  	[sflag:s14] =	ssyncadd.s32 $0xFFFFEC00  }
0x1d: {  	[tilespmem:s15], [sflag:$0x5] =	stream.linear.gather [hbm4b:s8+s3], $0x1400, $0x38;
	[tilespmem:$0x1E400] =	vst v63  }
0x1e: {  	_ =	swait.ge [sflag:s14], $0x1400  }
0x1f: {  	[sflag:s14] =	ssyncset.done $0x0  }
0x20: {  	[sflag:s14] =	ssyncadd.s32 $0xFFFFEC00  }
0x21: {  	[tilespmem:s17], [sflag:$0x1] =	stream.indirect.gather [hbm4b:s4+s16], $0x80, s3, s16, $0xb8;
	[tilespmem:$0x1E400] =	vst v63  }
0x22: {  	_ = 	snop  }
0x23: {  	[tilespmem:s18], [sflag:$0x2] =	stream.indirect.gather [hbm4b:s4+s16], $0x80, s16, s16, $0xb8;
	[tilespmem:$0x1E400] =	vst v63  }
0x24: {  	_ =	swait.ge [sflag:s19], $0x4000  }
0x25: {  	[sflag:s19] =	ssyncset.done $0x0  }
0x26: {  	[sflag:s19] =	ssyncadd.s32 $0xFFFFC000  }
0x27: {  	[spmem:s1] =	stream.indirect.scatter.add.f32 [tilespmem:s17], [sflag:$0x3], $0x80, s15, s16, $0xb8;
	[tilespmem:$0x1E400] =	vst v63  }
0x28: {  	_ =	swait.ge [sflag:s20], $0x4000  }
0x29: {  	[sflag:s20] =	ssyncset.done $0x0  }
0x2a: {  	[sflag:s20] =	ssyncadd.s32 $0xFFFFC000  }
0x2b: {  	[tilespmem:s17], [sflag:$0x1] =	stream.indirect.gather [hbm4b:s4+s16], $0x80, s21, s16, $0xb8;
	[tilespmem:$0x1E400] =	vst v63  }
0x2c: {  	_ =	swait.ge [sflag:s22], $0x4000  }
0x2d: {  	[sflag:s22] =	ssyncset.done $0x0  }
0x2e: {  	[sflag:s22] =	ssyncadd.s32 $0xFFFFC000  }
0x2f: {  	[spmem:s1] =	stream.indirect.scatter.add.f32 [tilespmem:s18], [sflag:$0x4], $0x80, s23, s16, $0xb8;
	[tilespmem:$0x1E400] =	vst v63  }
0x30: {  	_ =	swait.ge [sflag:s24], $0x4000  }
0x31: {  	[sflag:s24] =	ssyncset.done $0x0  }
0x32: {  	s30 =	simm.s32 $0x180;
	[sflag:s24] =	ssyncadd.s32 $0xFFFFC000  }
0x33: {  	[tilespmem:s18], [sflag:$0x2] =	stream.indirect.gather [hbm4b:s4+s16], $0x80, s30, s16, $0xb8;
	[tilespmem:$0x1E400] =	vst v63  }
0x34: {  	_ =	swait.ge [sflag:s19], $0x4000  }
0x35: {  	[sflag:s19] =	ssyncset.done $0x0  }
0x36: {  	s30 =	simm.s32 $0x1500;
	[sflag:s19] =	ssyncadd.s32 $0xFFFFC000  }
0x37: {  	[spmem:s1] =	stream.indirect.scatter.add.f32 [tilespmem:s17], [sflag:$0x3], $0x80, s30, s16, $0xb8;
	[tilespmem:$0x1E400] =	vst v63  }
0x38: {  	_ =	swait.ge [sflag:s20], $0x4000  }
0x39: {  	[sflag:s20] =	ssyncset.done $0x0  }
0x3a: {  	s30 =	simm.s32 $0x200;
	[sflag:s20] =	ssyncadd.s32 $0xFFFFC000  }
0x3b: {  	[tilespmem:s17], [sflag:$0x1] =	stream.indirect.gather [hbm4b:s4+s16], $0x80, s30, s16, $0xb8;
	[tilespmem:$0x1E400] =	vst v63  }
0x3c: {  	_ =	swait.ge [sflag:s22], $0x4000  }
0x3d: {  	[sflag:s22] =	ssyncset.done $0x0  }
0x3e: {  	s31 =	simm.s32 $0x1580;
	s30 =	simm.s32 $0xFFFFBC00;
	[sflag:s22] =	ssyncadd.s32 $0xFFFFC000  }
.LBB2_2:
0x3f: {  	[spmem:s1] =	stream.indirect.scatter.add.f32 [tilespmem:s18], [sflag:$0x4], $0x80, s31, s16, $0xb8;
	[tilespmem:$0x1E400] =	vst v63  }
0x40: {  	s31 =	smov.u32 s30  }
0x41: {  	p0 =	sne.s32 s30, $0xFFFFFC00;
	s30 =	sadd.s32 $0x400, s30;
	_ =	swait.ge [sflag:s24], $0x4000  }
0x42: {  	s31 =	sshra.s32 s31, $0x2;
	[sflag:s24] =	ssyncset.done $0x0  }
0x43: {  	s0 =	sadd.s32 $0x1380, s31;
	[sflag:s24] =	ssyncadd.s32 $0xFFFFC000  }
0x44: {  	[tilespmem:s18], [sflag:$0x2] =	stream.indirect.gather [hbm4b:s4+s16], $0x80, s0, s16, $0xb8;
	[tilespmem:$0x1E400] =	vst v63  }
0x45: {  	_ =	swait.ge [sflag:s19], $0x4000  }
0x46: {  	[sflag:s19] =	ssyncset.done $0x0  }
0x47: {  	s0 =	sadd.s32 $0x2700, s31;
	[sflag:s19] =	ssyncadd.s32 $0xFFFFC000  }
0x48: {  	[spmem:s1] =	stream.indirect.scatter.add.f32 [tilespmem:s17], [sflag:$0x3], $0x80, s0, s16, $0xb8;
	[tilespmem:$0x1E400] =	vst v63  }
0x49: {  	_ =	swait.ge [sflag:s20], $0x4000  }
0x4a: {  	[sflag:s20] =	ssyncset.done $0x0  }
.Ltmp0:
0x4b: {  	s0 =	sadd.s32 $0x1400, s31;
	[sflag:s20] =	ssyncadd.s32 $0xFFFFC000;
	(pc) =	sbr.rel @p0 .LBB2_2-.Ltmp0, $4  }
0x4c: {  	[tilespmem:s17], [sflag:$0x1] =	stream.indirect.gather [hbm4b:s4+s16], $0x80, s0, s16, $0xb8;
	[tilespmem:$0x1E400] =	vst v63  }
0x4d: {  	_ =	swait.ge [sflag:s22], $0x4000  }
0x4e: {  	[sflag:s22] =	ssyncset.done $0x0  }
0x4f: {  	s31 =	sadd.s32 $0x2780, s31;
	[sflag:s22] =	ssyncadd.s32 $0xFFFFC000  }
0x50: {  	[spmem:s1] =	stream.indirect.scatter.add.f32 [tilespmem:s18], [sflag:$0x4], $0x80, s31, s16, $0xb8;
	[tilespmem:$0x1E400] =	vst v63  }
0x51: {  	_ =	swait.ge [sflag:s24], $0x4000  }
0x52: {  	[sflag:s24] =	ssyncset.done $0x0  }
0x53: {  	[sflag:s24] =	ssyncadd.s32 $0xFFFFC000  }
0x54: {  	[tilespmem:s18], [sflag:$0x2] =	stream.indirect.gather [hbm4b:s4+s16], $0x80, s25, s16, $0xb8;
	[tilespmem:$0x1E400] =	vst v63  }
0x55: {  	_ =	swait.ge [sflag:s19], $0x4000  }
0x56: {  	[sflag:s19] =	ssyncset.done $0x0  }
0x57: {  	[sflag:s19] =	ssyncadd.s32 $0xFFFFC000  }
0x58: {  	[spmem:s1] =	stream.indirect.scatter.add.f32 [tilespmem:s17], [sflag:$0x3], $0x80, s26, s16, $0xb8;
	[tilespmem:$0x1E400] =	vst v63  }
0x59: {  	_ =	swait.ge [sflag:s20], $0x4000  }
0x5a: {  	[sflag:s20] =	ssyncset.done $0x0  }
0x5b: {  	[sflag:s20] =	ssyncadd.s32 $0xFFFFC000  }
0x5c: {  	[tilespmem:s17], [sflag:$0x1] =	stream.indirect.gather [hbm4b:s4+s16], $0x80, s25, s16, $0xb8;
	[tilespmem:$0x1E400] =	vst v63  }
0x5d: {  	_ =	swait.ge [sflag:s22], $0x4000  }
0x5e: {  	[sflag:s22] =	ssyncset.done $0x0  }
0x5f: {  	[sflag:s22] =	ssyncadd.s32 $0xFFFFC000  }
0x60: {  	[spmem:s1] =	stream.indirect.scatter.add.f32 [tilespmem:s18], [sflag:$0x4], $0x80, s28, s16, $0xb8;
	[tilespmem:$0x1E400] =	vst v63  }
0x61: {  	_ =	swait.ge [sflag:s24], $0x4000  }
0x62: {  	[sflag:s24] =	ssyncset.done $0x0  }
0x63: {  	[sflag:s24] =	ssyncadd.s32 $0xFFFFC000  }
0x64: {  	_ =	swait.ge [sflag:s19], $0x4000  }
0x65: {  	[sflag:s19] =	ssyncset.done $0x0  }
0x66: {  	[sflag:s19] =	ssyncadd.s32 $0xFFFFC000  }
0x67: {  	[tilespmem:s3], [sflag:$0x5] =	stream.linear.gather [hbm4b:s9+s3], $0x1400, $0x38;
	[tilespmem:$0x1E400] =	vst v63  }
0x68: {  	_ =	swait.ge [sflag:s14], $0x1400  }
0x69: {  	[sflag:s14] =	ssyncset.done $0x0  }
0x6a: {  	[sflag:s14] =	ssyncadd.s32 $0xFFFFEC00  }
0x6b: {  	[tilespmem:s15], [sflag:$0x5] =	stream.linear.gather [hbm4b:s10+s3], $0x1400, $0x38;
	[tilespmem:$0x1E400] =	vst v63  }
0x6c: {  	_ =	swait.ge [sflag:s14], $0x1400  }
0x6d: {  	[sflag:s14] =	ssyncset.done $0x0  }
0x6e: {  	[sflag:s14] =	ssyncadd.s32 $0xFFFFEC00  }
0x6f: {  	[tilespmem:s17], [sflag:$0x1] =	stream.indirect.gather [hbm4b:s4+s16], $0x80, s3, s16, $0xb8;
	[tilespmem:$0x1E400] =	vst v63  }
0x70: {  	_ = 	snop  }
0x71: {  	[tilespmem:s18], [sflag:$0x2] =	stream.indirect.gather [hbm4b:s4+s16], $0x80, s16, s16, $0xb8;
	[tilespmem:$0x1E400] =	vst v63  }
0x72: {  	_ =	swait.ge [sflag:s19], $0x4000  }
0x73: {  	[sflag:s19] =	ssyncset.done $0x0  }
0x74: {  	[sflag:s19] =	ssyncadd.s32 $0xFFFFC000  }
0x75: {  	[spmem:s1] =	stream.indirect.scatter.add.f32 [tilespmem:s17], [sflag:$0x3], $0x80, s15, s16, $0xb8;
	[tilespmem:$0x1E400] =	vst v63  }
0x76: {  	_ =	swait.ge [sflag:s20], $0x4000  }
0x77: {  	[sflag:s20] =	ssyncset.done $0x0  }
0x78: {  	[sflag:s20] =	ssyncadd.s32 $0xFFFFC000  }
0x79: {  	[tilespmem:s17], [sflag:$0x1] =	stream.indirect.gather [hbm4b:s4+s16], $0x80, s21, s16, $0xb8;
	[tilespmem:$0x1E400] =	vst v63  }
0x7a: {  	_ =	swait.ge [sflag:s22], $0x4000  }
0x7b: {  	[sflag:s22] =	ssyncset.done $0x0  }
0x7c: {  	[sflag:s22] =	ssyncadd.s32 $0xFFFFC000  }
0x7d: {  	[spmem:s1] =	stream.indirect.scatter.add.f32 [tilespmem:s18], [sflag:$0x4], $0x80, s23, s16, $0xb8;
	[tilespmem:$0x1E400] =	vst v63  }
0x7e: {  	_ =	swait.ge [sflag:s24], $0x4000  }
0x7f: {  	[sflag:s24] =	ssyncset.done $0x0  }
0x80: {  	s0 =	simm.s32 $0x180;
	[sflag:s24] =	ssyncadd.s32 $0xFFFFC000  }
0x81: {  	[tilespmem:s18], [sflag:$0x2] =	stream.indirect.gather [hbm4b:s4+s16], $0x80, s0, s16, $0xb8;
	[tilespmem:$0x1E400] =	vst v63  }
0x82: {  	_ =	swait.ge [sflag:s19], $0x4000  }
0x83: {  	[sflag:s19] =	ssyncset.done $0x0  }
0x84: {  	s0 =	simm.s32 $0x1500;
	[sflag:s19] =	ssyncadd.s32 $0xFFFFC000  }
0x85: {  	[spmem:s1] =	stream.indirect.scatter.add.f32 [tilespmem:s17], [sflag:$0x3], $0x80, s0, s16, $0xb8;
	[tilespmem:$0x1E400] =	vst v63  }
0x86: {  	_ =	swait.ge [sflag:s20], $0x4000  }
0x87: {  	[sflag:s20] =	ssyncset.done $0x0  }
0x88: {  	s0 =	simm.s32 $0x200;
	[sflag:s20] =	ssyncadd.s32 $0xFFFFC000  }
0x89: {  	[tilespmem:s17], [sflag:$0x1] =	stream.indirect.gather [hbm4b:s4+s16], $0x80, s0, s16, $0xb8;
	[tilespmem:$0x1E400] =	vst v63  }
0x8a: {  	_ =	swait.ge [sflag:s22], $0x4000  }
0x8b: {  	[sflag:s22] =	ssyncset.done $0x0  }
0x8c: {  	s30 =	simm.s32 $0xFFFFBC00;
	s31 =	simm.s32 $0x1580;
	[sflag:s22] =	ssyncadd.s32 $0xFFFFC000  }
.LBB2_4:
0x8d: {  	[spmem:s1] =	stream.indirect.scatter.add.f32 [tilespmem:s18], [sflag:$0x4], $0x80, s31, s16, $0xb8;
	[tilespmem:$0x1E400] =	vst v63  }
0x8e: {  	s0 =	smov.u32 s30  }
0x8f: {  	p0 =	sne.s32 s30, $0xFFFFFC00;
	s30 =	sadd.s32 $0x400, s30;
	_ =	swait.ge [sflag:s24], $0x4000  }
0x90: {  	s0 =	sshra.s32 s0, $0x2;
	[sflag:s24] =	ssyncset.done $0x0  }
0x91: {  	s31 =	sadd.s32 $0x1380, s0;
	[sflag:s24] =	ssyncadd.s32 $0xFFFFC000  }
0x92: {  	[tilespmem:s18], [sflag:$0x2] =	stream.indirect.gather [hbm4b:s4+s16], $0x80, s31, s16, $0xb8;
	[tilespmem:$0x1E400] =	vst v63  }
0x93: {  	_ =	swait.ge [sflag:s19], $0x4000  }
0x94: {  	[sflag:s19] =	ssyncset.done $0x0  }
0x95: {  	s31 =	sadd.s32 $0x2700, s0;
	[sflag:s19] =	ssyncadd.s32 $0xFFFFC000  }
0x96: {  	[spmem:s1] =	stream.indirect.scatter.add.f32 [tilespmem:s17], [sflag:$0x3], $0x80, s31, s16, $0xb8;
	[tilespmem:$0x1E400] =	vst v63  }
0x97: {  	_ =	swait.ge [sflag:s20], $0x4000  }
0x98: {  	[sflag:s20] =	ssyncset.done $0x0  }
.Ltmp1:
0x99: {  	s31 =	sadd.s32 $0x1400, s0;
	[sflag:s20] =	ssyncadd.s32 $0xFFFFC000;
	(pc) =	sbr.rel @p0 .LBB2_4-.Ltmp1, $4  }
0x9a: {  	[tilespmem:s17], [sflag:$0x1] =	stream.indirect.gather [hbm4b:s4+s16], $0x80, s31, s16, $0xb8;
	[tilespmem:$0x1E400] =	vst v63  }
0x9b: {  	_ =	swait.ge [sflag:s22], $0x4000  }
0x9c: {  	[sflag:s22] =	ssyncset.done $0x0  }
0x9d: {  	s31 =	sadd.s32 $0x2780, s0;
	[sflag:s22] =	ssyncadd.s32 $0xFFFFC000  }
0x9e: {  	[spmem:s1] =	stream.indirect.scatter.add.f32 [tilespmem:s18], [sflag:$0x4], $0x80, s31, s16, $0xb8;
	[tilespmem:$0x1E400] =	vst v63  }
0x9f: {  	_ =	swait.ge [sflag:s24], $0x4000  }
0xa0: {  	[sflag:s24] =	ssyncset.done $0x0  }
0xa1: {  	[sflag:s24] =	ssyncadd.s32 $0xFFFFC000  }
0xa2: {  	[tilespmem:s18], [sflag:$0x2] =	stream.indirect.gather [hbm4b:s4+s16], $0x80, s25, s16, $0xb8;
	[tilespmem:$0x1E400] =	vst v63  }
0xa3: {  	_ =	swait.ge [sflag:s19], $0x4000  }
0xa4: {  	[sflag:s19] =	ssyncset.done $0x0  }
0xa5: {  	[sflag:s19] =	ssyncadd.s32 $0xFFFFC000  }
0xa6: {  	[spmem:s1] =	stream.indirect.scatter.add.f32 [tilespmem:s17], [sflag:$0x3], $0x80, s26, s16, $0xb8;
	[tilespmem:$0x1E400] =	vst v63  }
0xa7: {  	_ =	swait.ge [sflag:s20], $0x4000  }
0xa8: {  	[sflag:s20] =	ssyncset.done $0x0  }
0xa9: {  	[sflag:s20] =	ssyncadd.s32 $0xFFFFC000  }
0xaa: {  	[tilespmem:s17], [sflag:$0x1] =	stream.indirect.gather [hbm4b:s4+s16], $0x80, s25, s16, $0xb8;
	[tilespmem:$0x1E400] =	vst v63  }
0xab: {  	_ =	swait.ge [sflag:s22], $0x4000  }
0xac: {  	[sflag:s22] =	ssyncset.done $0x0  }
0xad: {  	[sflag:s22] =	ssyncadd.s32 $0xFFFFC000  }
0xae: {  	[spmem:s1] =	stream.indirect.scatter.add.f32 [tilespmem:s18], [sflag:$0x4], $0x80, s28, s16, $0xb8;
	[tilespmem:$0x1E400] =	vst v63  }
0xaf: {  	_ =	swait.ge [sflag:s24], $0x4000  }
0xb0: {  	[sflag:s24] =	ssyncset.done $0x0  }
0xb1: {  	[sflag:s24] =	ssyncadd.s32 $0xFFFFC000  }
0xb2: {  	_ =	swait.ge [sflag:s19], $0x4000  }
0xb3: {  	s29 =	sadd.s32 $0x1, s29;
	[sflag:s19] =	ssyncset.done $0x0  }
0xb4: {  	p0 =	sne.s32 s29, s12;
	[sflag:s19] =	ssyncadd.s32 $0xFFFFC000  }
.Ltmp2:
0xb5: {  	[bflag:$0x0] =	sbarrier.arrive $0xFFFF;
	(pc) =	sbr.rel @p0 .LBB2_1-.Ltmp2, $4  }
0xb6: {  	[hbm:s11], [sflag:s6] =	dma.local [spmem:s13], $0x2780  }
0xb7: {  	_ =	swait.ge [sflag:s14], $0x2780  }
0xb8: {  	[sflag:s14] =	ssyncset.done $0x0  }
0xb9: {  	[sflag:s14] =	ssyncadd.s32 $0xFFFFD880  }
0xba: {  	_ =	sfence.sel $0x180000  }
0xbb: {  	[bflag:$0x0] =	sbarrier.arrive $0xFFFF  }
0xbc: {  	_ =	strace $0x90000050  }
0xbd: {  	[bflag:$0x2] =	sbarrier.arrive $0xFFFF  }
0xbe: {  	p0 =	sne.s32 s2, $0x0;
	s0 =	rddreg [dreg:$0x3]  }
0xbf: {  	s0 =	sadd.s32 @!p0 $0x100000, s0  }
0xc0: {  	[sflag:s0] =	ssyncadd.tile.s32 @!p0 $0x1;
	_ =	shalt  }
.Lfunc_end2:
_tile_overlayer_lowered:
.L_overlay_start_2:
0xc1: {  	(tag) =	ssettag $0x2  }
0xc2: {  	s0 =	rddreg [dreg:$0x0];
	s2 =	stileid.u32  }
0xc3: {  	s1 =	rddreg [dreg:$0x1];
	p0 =	sne.s32 s2, $0x0  }
0xc4: {  	s3 =	rddreg [dreg:$0x2];
	[bflag:$0x3] =	sbarrier.arrive $0xFFFF;
	s2 =	simm.s32 @!p0 $0x1C05  }
0xc5: {  	[timem:s3], [sflag:s2] =	dma.local @!p0 [hbm:s0], s1  }
0xc6: {  	s0 =	simm.s32 @!p0 $0x5  }
0xc7: {  	_ =	swait.ge @!p0 [sflag:s0], s1  }
0xc8: {  	s1 =	ssub.s32 @!p0 $0x0, s1;
	[sflag:s0] =	ssyncset.done @!p0 $0x0  }
0xc9: {  	[sflag:s0] =	ssyncadd.s32 @!p0 s1  }
0xca: {  	[bflag:$0x3] =	sbarrier.arrive $0xFFFF  }
0xcb: {  	_ =	shalt  }

// kernel: kernel.9.cloned.1.call-start
scs
__scs_entry_jumppad:
0x0: {  	(pc) =	sbr.rel $0x88, $3  }
0x1: {  	(tag) =	ssettag $0x0;
	lr =	simm.s32 $0x1  }
0x2: {  	[smem:$0x3F96] =	sst lr;
	_ =	strace $0xD0000000  }
0x3: {  	_ = 	snop  }
0x4: {  	_ = 	snop  }
0x5: {  	_ = 	snop  }
0x6: {  	_ = 	snop  }
0x7: {  	_ = 	snop  }
__scs_overlays_trampoline_lowered:
0x8: {  	[smem:$0x3FA5] =	sst s0  }
0x9: {  	[smem:$0x3FA6] =	sst s1  }
0xa: {  	[smem:$0x3FA7] =	sst s2  }
0xb: {  	[smem:$0x3FA8] =	sst s3  }
0xc: {  	[smem:$0x3FA9] =	sst s4  }
0xd: {  	[smem:$0x3FAA] =	sst s5  }
0xe: {  	[smem:$0x3FAB] =	sst s6  }
0xf: {  	[smem:$0x3FAC] =	sst s7  }
0x10: {  	[smem:$0x3FAD] =	sst s8  }
0x11: {  	[smem:$0x3FAE] =	sst s9;
	s0 =	simm.s32 @!p0 $0x0  }
0x12: {  	s1 =	sld [smem:$0x3F94];
	s0 =	simm.s32 @p0 $0x1  }
0x13: {  	[smem:$0x3FAF] =	sst s0;
	s0 =	simm.s32 @!p1 $0x0  }
0x14: {  	s2 =	sld [smem:$0x3F93];
	s0 =	simm.s32 @p1 $0x1  }
0x15: {  	[smem:$0x3FB0] =	sst s0;
	s0 =	simm.s32 @!p2 $0x0  }
0x16: {  	s3 =	sld [smem:$0x3FDB];
	s0 =	simm.s32 @p2 $0x1  }
0x17: {  	s4 =	simm.s32 $0x1BF5;
	[smem:$0x3FB2] =	sst s0  }
0x18: {  	s0 =	sld [smem:$0x3F95];
	_ =	swait.ge [sflag:s4], $0x0  }
0x19: {  	s7 =	sld [smem:$0x3F96]  }
0x1a: {  	s8 =	sadd.s32 $0xFFFFE003, lr  }
0x1b: {  	s9 =	sadd.s32 $0xFFFFFEF7, lr;
	s5 =	simm.s32 $0xFFFFFFFF;
	p2 =	slt.u32 s8, $0xFFFFF086  }
0x1c: {  	p1 =	slt.u32 s9, $0xF7A;
	s5 =	simm.s32 @!p2 $0x0  }
0x1d: {  	s5 =	simm.s32 @p1 $0x1;
	p0 =	seq.s32 s7, s2  }
0x1e: {  	s7 =	smul.u32 @!p0 $0xF7A, s2;
	p2 =	seq.s32 @!p0 s5, $0x0  }
0x1f: {  	s9 =	smul.u32 $0xF7A, s1;
	s8 =	simm.s32 @!p0 $0x1BF5;
	p2 =	por !p2, p0  }
0x20: {  	[sflag:s8] =	ssyncset.s32 @!p0 $0xFFFFF086;
	s6 =	sadd.s32 @!p0 s3, s7;
	s7 =	simm.s32 @!p0 $0x108  }
0x21: {  	s3 =	sadd.s32 s3, s9;
	s6 =	sadd.s32 @!p0 $0x88, s6;
	s7 =	simm.s32 @p2 $0x1082  }
0x22: {  	[simem:s7], [sflag:s8] =	dma.local @!p0 [hbm:s6], $0xF7A  }
0x23: {  	s9 =	sor.u32 $0xD0000000, s2;
	s6 =	simm.s32 $0x108;
	_ =	swait.ge @!p0 [sflag:s8], $0x0  }
0x24: {  	s3 =	sadd.s32 $0x88, s3;
	s6 =	simm.s32 @!p1 $0x1082;
	[sflag:s4] =	ssyncset.s32 $0xFFFFF086  }
0x25: {  	[simem:s6], [sflag:s4] =	dma.local [hbm:s3], $0xF7A  }
0x26: {  	[smem:$0x3F96] =	sst s1;
	(tag) =	ssettag s2;
	_ =	strace s9  }
0x27: {  	s1 =	sld [smem:$0x3FA6]  }
0x28: {  	s2 =	sld [smem:$0x3FA7]  }
0x29: {  	s4 =	sld [smem:$0x3FA9]  }
0x2a: {  	p0 =	seq.s32 s5, $0x0;
	s5 =	sld [smem:$0x3FAA]  }
0x2b: {  	s6 =	sld [smem:$0x3FAB]  }
0x2c: {  	s7 =	sld [smem:$0x3FAC]  }
0x2d: {  	s3 =	simm.s32 $0x108;
	s8 =	sld [smem:$0x3FAD]  }
0x2e: {  	s3 =	simm.s32 @!p0 $0x1082;
	s9 =	sld [smem:$0x3FAE]  }
0x2f: {  	lr =	sadd.s32 s0, s3;
	s0 =	sld [smem:$0x3FA5]  }
0x30: {  	s3 =	sld [smem:$0x3FA8]  }
0x31: {  	[smem:$0x3FB1] =	sst s10  }
0x32: {  	s10 =	sld [smem:$0x3FAF];
	_ =	sdelay $0x3  }
0x33: {  	p0 =	seq.s32 s10, $0x1;
	s10 =	sld [smem:$0x3FB1];
	_ =	sdelay $0x3  }
0x34: {  	[smem:$0x3FB1] =	sst s10  }
0x35: {  	s10 =	sld [smem:$0x3FB0];
	_ =	sdelay $0x3  }
0x36: {  	p1 =	seq.s32 s10, $0x1;
	s10 =	sld [smem:$0x3FB1];
	_ =	sdelay $0x3  }
0x37: {  	[smem:$0x3FB1] =	sst s10  }
0x38: {  	s10 =	sld [smem:$0x3FB2]  }
0x39: {  	_ = 	snop;
	(pc) =	sbr.ind lr, $3  }
0x3a: {  	_ = 	snop  }
0x3b: {  	_ = 	snop  }
0x3c: {  	p2 =	seq.s32 s10, $0x1;
	s10 =	sld [smem:$0x3FB1]  }
0x3d: {  	_ =	shalt  }
0x3e: {  	_ =	shalt  }
0x3f: {  	_ =	shalt  }
0x40: {  	_ =	shalt  }
0x41: {  	_ =	shalt  }
0x42: {  	_ =	shalt  }
0x43: {  	_ =	shalt  }
0x44: {  	_ =	shalt  }
0x45: {  	_ =	shalt  }
0x46: {  	_ =	shalt  }
0x47: {  	_ =	shalt  }
0x48: {  	_ =	shalt  }
0x49: {  	_ =	shalt  }
0x4a: {  	_ =	shalt  }
0x4b: {  	_ =	shalt  }
0x4c: {  	_ =	shalt  }
0x4d: {  	_ =	shalt  }
0x4e: {  	_ =	shalt  }
0x4f: {  	_ =	shalt  }
0x50: {  	_ =	shalt  }
0x51: {  	_ =	shalt  }
0x52: {  	_ =	shalt  }
0x53: {  	_ =	shalt  }
0x54: {  	_ =	shalt  }
0x55: {  	_ =	shalt  }
0x56: {  	_ =	shalt  }
0x57: {  	_ =	shalt  }
0x58: {  	_ =	shalt  }
0x59: {  	_ =	shalt  }
0x5a: {  	_ =	shalt  }
0x5b: {  	_ =	shalt  }
0x5c: {  	_ =	shalt  }
0x5d: {  	_ =	shalt  }
0x5e: {  	_ =	shalt  }
0x5f: {  	_ =	shalt  }
0x60: {  	_ =	shalt  }
0x61: {  	_ =	shalt  }
0x62: {  	_ =	shalt  }
0x63: {  	_ =	shalt  }
0x64: {  	_ =	shalt  }
0x65: {  	_ =	shalt  }
0x66: {  	_ =	shalt  }
0x67: {  	_ =	shalt  }
0x68: {  	_ =	shalt  }
0x69: {  	_ =	shalt  }
0x6a: {  	_ =	shalt  }
0x6b: {  	_ =	shalt  }
0x6c: {  	_ =	shalt  }
0x6d: {  	_ =	shalt  }
0x6e: {  	_ =	shalt  }
0x6f: {  	_ =	shalt  }
0x70: {  	_ =	shalt  }
0x71: {  	_ =	shalt  }
0x72: {  	_ =	shalt  }
0x73: {  	_ =	shalt  }
0x74: {  	_ =	shalt  }
0x75: {  	_ =	shalt  }
0x76: {  	_ =	shalt  }
0x77: {  	_ =	shalt  }
0x78: {  	_ =	shalt  }
0x79: {  	_ =	shalt  }
0x7a: {  	_ =	shalt  }
0x7b: {  	_ =	shalt  }
0x7c: {  	_ =	shalt  }
0x7d: {  	_ =	shalt  }
0x7e: {  	_ =	shalt  }
0x7f: {  	_ =	shalt  }
0x80: {  	_ =	shalt  }
0x81: {  	_ =	shalt  }
0x82: {  	_ =	shalt  }
0x83: {  	_ =	shalt  }
0x84: {  	_ =	shalt  }
0x85: {  	_ =	shalt  }
0x86: {  	_ =	shalt  }
0x87: {  	_ =	shalt  }
.Lfunc_end0:
.L_simem_size_0:
called_computation_lowered:
.L_overlay_start_0:
0x88: {  	s2 =	sld [smem:$0x3FD9]  }
0x89: {  	s3 =	sld [smem:$0x3FFE];
	_ =	sdelay $0x1  }
0x8a: {  	s1 =	srdreg.scid  }
0x8b: {  	s0 =	sand.u32 $0x1, s1  }
0x8c: {  	s17 =	sshll.u32 s0, $0xA;
	s2 =	sadd.s32 s3, s2  }
0x8d: {  	s2 =	sadd.s32 s2, s17  }
0x8e: {  	[smem:$0x3FBD] =	sst s2  }
0x8f: {  	_ = 	snop  }
0x90: {  	(tm) =	ssettm $0x1  }
0x91: {  	s18 =	sld [smem:$0x3FFB];
	_ =	sdelay $0x3  }
0x92: {  	_ =	strace s18  }
0x93: {  	s2 =	sld [smem:$0x3FFC];
	_ =	sdelay $0x3  }
0x94: {  	_ =	strace s2  }
0x95: {  	s2 =	sld [smem:$0x3FFD];
	_ =	sdelay $0x3  }
0x96: {  	_ =	strace s2  }
0x97: {  	_ =	strace $0x8FFFFFFF  }
0x98: {  	s19 =	sld [smem:$0x3FDB];
	_ =	sdelay $0x1  }
0x99: {  	s20 =	simm.s32 $_scs_section_size  }
0x9a: {  	s4 =	simm.s32 $_size__tile_overlayer_lowered;
	s5 =	simm.s32 $_tile_overlayer_lowered  }
0x9b: {  	s6 =	simm.s32 $0x1BFF;
	s21 =	sshll.u32 s5, $0x1;
	s3 =	sadd.s32 s20, s19  }
0x9c: {  	s22 =	simm.s32 $0x0;
	s4 =	sshll.u32 s4, $0x1;
	s5 =	sadd.s32 s21, s3  }
0x9d: {  	[timem:s22], [sflag:s6] =	dma.local [hbm:s5], s4  }
0x9e: {  	_ =	swait.ge [sflag:s6], s4  }
0x9f: {  	s4 =	ssub.s32 $0x0, s4;
	[sflag:s6] =	ssyncset.done $0x0  }
0xa0: {  	[sflag:s6] =	ssyncadd.s32 s4;
	_ =	sdelay $0x1  }
0xa1: {  	s23 =	simm.s32 $0x1B8B  }
0xa2: {  	_ =	swait.ge [sflag:s23], $0x1  }
0xa3: {  	[sflag:s23] =	ssyncset.done $0x0  }
0xa4: {  	[sflag:s23] =	ssyncadd.s32 $0xFFFFFFFF  }
0xa5: {  	s4 =	sld [smem:$0x0]  }
0xa6: {  	s5 =	sand.u32 $0xFFFFFFFE, s1  }
0xa7: {  	p0 =	sne.s32 s1, s5  }
0xa8: {  	s5 =	sshll.u32 @p0 s5, $0xE  }
0xa9: {  	s5 =	sadd.s32 @p0 $0x11B8D, s5;
	s6 =	sshll.u32 @p0 s4, $0x11  }
0xaa: {  	s5 =	sor.u32 @p0 s6, s5  }
0xab: {  	[sflag:s5] =	ssyncadd.remote.s32 @p0 $0x1;
	_ =	sdelay $0x1  }
0xac: {  	s5 =	simm.s32 @p0 $0x1B8D  }
0xad: {  	_ =	swait.eq @p0 [sflag:s5], $0x1  }
0xae: {  	[sflag:s5] =	ssyncadd.s32 @p0 $0xFFFFFFFF  }
0xaf: {  	s6 =	sshll.u32 @!p0 s1, $0xE  }
0xb0: {  	s6 =	sor.u32 @!p0 $0x4000, s6;
	s5 =	simm.s32 @!p0 $0x1B8D  }
0xb1: {  	s4 =	sshll.u32 @!p0 s4, $0x11;
	s6 =	sadd.s32 @!p0 $0x11B8D, s6;
	_ =	swait.eq @!p0 [sflag:s5], $0x1  }
0xb2: {  	s4 =	sor.u32 @!p0 s4, s6;
	[sflag:s5] =	ssyncadd.s32 @!p0 $0xFFFFFFFF  }
0xb3: {  	s25 =	simm.s32 $0x1B8E;
	s24 =	sld [smem:$0x3FFE];
	[sflag:s4] =	ssyncadd.remote.s32 @!p0 $0x1  }
0xb4: {  	s26 =	simm.s32 $execute0_lowered;
	[smem:$0x3FD2] =	sst s25  }
0xb5: {  	s5 =	sshll.u32 s26, $0x1;
	_ =	strace $0x80000049;
	[dreg:$0x1] =	wrdreg $0xFFFFFFFF  }
0xb6: {  	s28 =	simm.s32 $_size_execute0_lowered;
	s3 =	sadd.s32 s3, s5;
	[dreg:$0x0] =	wrdreg $0x0  }
0xb7: {  	s5 =	sshll.u32 s28, $0x1;
	[dreg:$0x2] =	wrdreg s3  }
0xb8: {  	[dreg:$0x3] =	wrdreg s5  }
0xb9: {  	[dreg:$0x4] =	wrdreg $0xC0  }
0xba: {  	_ =	task [dreg:s22], $0x5FFFF  }
0xbb: {  	[dreg:$0x1] =	wrdreg $0xFFFFFFFF  }
0xbc: {  	[dreg:$0x0] =	wrdreg $0x60  }
0xbd: {  	[dreg:$0x2] =	wrdreg s24  }
0xbe: {  	[dreg:$0x3] =	wrdreg $0x68000  }
0xbf: {  	[dreg:$0x4] =	wrdreg $0x9  }
0xc0: {  	_ =	task.clear_ibuf [dreg:s22], $0x5FFFF;
	_ =	strace $0x90000049  }
0xc1: {  	s29 =	simm.s32 $0x9;
	_ =	strace $0x8000004B  }
0xc2: {  	_ =	swait.ge [sflag:s29], $0x1  }
0xc3: {  	[sflag:s29] =	ssyncadd.s32 $0xFFFFFFFF  }
0xc4: {  	_ =	strace $0x9000004B  }
0xc5: {  	_ =	sfence  }
0xc6: {  	s30 =	sld [smem:$0x0];
	_ =	sdelay $0x2  }
0xc7: {  	s31 =	sshll.u32 s1, $0xD;
	s1 =	sshrl.u32 s1, $0x2  }
0xc8: {  	s4 =	sand.u32 $0x4000, s31;
	s1 =	sadd.s32 s1, s30  }
0xc9: {  	s0 =	sor.u32 s4, s0;
	s1 =	sshll.u32 s1, $0x11  }
0xca: {  	s0 =	sor.u32 s1, s0  }
0xcb: {  	s0 =	sadd.s32 $0x8F2B, s0  }
0xcc: {  	[sflag:s0] =	ssyncadd.remote.s32 $0x1  }
0xcd: {  	_ =	sfence.sel $0xFFFF  }
0xce: {  	[dreg:$0x0] =	wrdreg $0xFFFFFFFF;
	(pc) =	sbr.abs _section_cstart, $3  }
0xcf: {  	[dreg:$0x1] =	wrdreg $0xFFFFFFFF  }
0xd0: {  	_ =	task.clear_ibuf [dreg:s22], $0x2FFFF;
	_ =	strace $0x9FFFFFFF  }
0xd1: {  	(tm) =	ssettm $0x7FFFFFFF  }
tec
execute0_lowered:
.L_overlay_start_1:
0x0: {  	(tag) =	ssettag $0x1  }
0x1: {  	s7 =	rddreg [dreg:$0x0]  }
0x2: {  	s0 =	srdreg.scid;
	s2 =	rddreg [dreg:$0x1]  }
0x3: {  	s3 =	simm.s32 $0x0;
	s12 =	simm.s32 $0x2800;
	s13 =	simm.s32 $0x80  }
0x4: {  	s14 =	simm.s32 $0x100;
	s15 =	simm.s32 $0x180;
	s6 =	sand.u32 $0x1, s0  }
0x5: {  	s16 =	simm.s32 $0x1;
	s0 =	stileid.u32;
	s5 =	smul.u32 $0x13C000, s6  }
0x6: {  	s17 =	simm.s32 $0x0;
	[smem:$0x7FF] =	sst s3;
	s8 =	smul.u32 $0x13C00, s0  }
0x7: {  	s1 =	sshll.u32 s6, $0x4;
	s10 =	smul.u32 $0x4F000, s0;
	s6 =	ssub.s32 $0x2, s6  }
0x8: {  	s31 =	sshll.u32 s0, $0x6;
	s1 =	sor.u32 s0, s1;
	s30 =	sshrl.u32 s6, $0x1  }
0x9: {  	s4 =	smul.u32 $0x500, s1;
	s1 =	rddreg [dreg:$0x2];
	_ =	strace $0x8000004A  }
0xa: {  	s8 =	sadd.s32 s8, s5;
	s5 =	sadd.s32 $0x86800, s7;
	s10 =	sshrl.u32 s10, $0x2  }
0xb: {  	s11 =	ssub.s32 s6, s30;
	s6 =	sor.u32 $0x1C02, s31;
	s8 =	sshrl.u32 s8, $0x3  }
0xc: {  	s10 =	sadd.s32 s10, s2;
	s9 =	sadd.s32 s4, s7;
	s4 =	sadd.s32 $0x35000, s7  }
0xd: {  	s8 =	sadd.s32 s8, s7;
	s10 =	sshrl.u32 s10, $0x3;
	s7 =	sadd.s32 $0x3800, s9  }
0xe: {  	s8 =	sadd.s32 $0x87000, s8;
	s9 =	smax.u32 s11, $0x1;
	s11 =	simm.s32 $0x2  }
.LBB2_1:
0xf: {  	[spmem:s10], [sflag:s6] =	dma.local [hbm:s4], $0x2780  }
0x10: {  	_ =	swait.ge [sflag:s11], $0x2780  }
0x11: {  	[sflag:s11] =	ssyncset.done $0x0  }
0x12: {  	[sflag:s11] =	ssyncadd.s32 $0xFFFFD880  }
0x13: {  	[tilespmem:s12], [sflag:$0x2] =	stream.linear.gather [hbm4b:s5+s3], $0x4000, $0x38;
	[tilespmem:$0x1A400] =	vst v63  }
0x14: {  	_ =	swait.ge [sflag:s11], $0x4000  }
0x15: {  	[sflag:s11] =	ssyncset.done $0x0  }
0x16: {  	[sflag:s11] =	ssyncadd.s32 $0xFFFFC000  }
0x17: {  	[tilespmem:s3], [sflag:$0x2] =	stream.linear.gather [hbm4b:s7+s3], $0x2800, $0x38;
	[tilespmem:$0x1A400] =	vst v63  }
0x18: {  	_ =	swait.ge [sflag:s11], $0x2800  }
0x19: {  	[sflag:s11] =	ssyncset.done $0x0  }
0x1a: {  	[sflag:s11] =	ssyncadd.s32 $0xFFFFD800  }
0x1b: {  	[bflag:$0x0] =	sbarrier.arrive $0xFFFF  }
0x1c: {  	[spmem:s2] =	stream.indirect.scatter.add.f32 [tilespmem:s12], [sflag:$0x1], $0x80, s3, s13, $0xb8;
	[tilespmem:$0x1A400] =	vst v63  }
0x1d: {  	_ = 	snop  }
0x1e: {  	[spmem:s2] =	stream.indirect.scatter.add.f32 [tilespmem:s12], [sflag:$0x1], $0x80, s13, s13, $0xb8;
	[tilespmem:$0x1A400] =	vst v63  }
0x1f: {  	_ = 	snop  }
0x20: {  	[spmem:s2] =	stream.indirect.scatter.add.f32 [tilespmem:s12], [sflag:$0x1], $0x80, s14, s13, $0xb8;
	[tilespmem:$0x1A400] =	vst v63  }
0x21: {  	_ = 	snop  }
0x22: {  	[spmem:s2] =	stream.indirect.scatter.add.f32 [tilespmem:s12], [sflag:$0x1], $0x80, s15, s13, $0xb8;
	[tilespmem:$0x1A400] =	vst v63  }
0x23: {  	_ =	swait.ge [sflag:s16], $0x4000  }
0x24: {  	[sflag:s16] =	ssyncset.done $0x0  }
0x25: {  	s18 =	simm.s32 $0xA00;
	s19 =	simm.s32 $0x200;
	[sflag:s16] =	ssyncadd.s32 $0xFFFFC000  }
.LBB2_2:
0x26: {  	[spmem:s2] =	stream.indirect.scatter.add.f32 [tilespmem:s12], [sflag:$0x1], $0x80, s19, s13, $0xb8;
	[tilespmem:$0x1A400] =	vst v63  }
0x27: {  	s19 =	smov.u32 s18;
	p0 =	sne.s32 s18, $0x9E00  }
.Ltmp0:
0x28: {  	s18 =	sadd.s32 $0x200, s18;
	(pc) =	sbr.rel @p0 .LBB2_2-.Ltmp0, $4  }
0x29: {  	_ = 	snop  }
0x2a: {  	_ =	swait.ge [sflag:s16], $0x4000  }
0x2b: {  	[sflag:s16] =	ssyncset.done $0x0  }
0x2c: {  	s19 =	sshra.s32 s19, $0x2;
	[sflag:s16] =	ssyncadd.s32 $0xFFFFC000  }
0x2d: {  	[spmem:s2] =	stream.indirect.scatter.add.f32 [tilespmem:s12], [sflag:$0x1], $0x80, s19, s13, $0xb8;
	[tilespmem:$0x1A400] =	vst v63  }
0x2e: {  	_ =	swait.ge [sflag:s16], $0x4000  }
0x2f: {  	[sflag:s16] =	ssyncset.done $0x0  }
0x30: {  	[sflag:s16] =	ssyncadd.s32 $0xFFFFC000  }
0x31: {  	_ =	swait.ge [sflag:s16], $0x4000  }
0x32: {  	[sflag:s16] =	ssyncset.done $0x0  }
0x33: {  	[sflag:s16] =	ssyncadd.s32 $0xFFFFC000  }
0x34: {  	_ =	swait.ge [sflag:s16], $0x4000  }
0x35: {  	[sflag:s16] =	ssyncset.done $0x0  }
0x36: {  	[sflag:s16] =	ssyncadd.s32 $0xFFFFC000  }
0x37: {  	_ =	swait.ge [sflag:s16], $0x4000  }
0x38: {  	s17 =	sadd.s32 $0x1, s17;
	[sflag:s16] =	ssyncset.done $0x0  }
0x39: {  	p0 =	sne.s32 s17, s9;
	[sflag:s16] =	ssyncadd.s32 $0xFFFFC000  }
.Ltmp1:
0x3a: {  	[bflag:$0x0] =	sbarrier.arrive $0xFFFF;
	(pc) =	sbr.rel @p0 .LBB2_1-.Ltmp1, $4  }
0x3b: {  	[hbm:s8], [sflag:s6] =	dma.local [spmem:s10], $0x2780  }
0x3c: {  	_ =	swait.ge [sflag:s11], $0x2780  }
0x3d: {  	[sflag:s11] =	ssyncset.done $0x0  }
0x3e: {  	[sflag:s11] =	ssyncadd.s32 $0xFFFFD880  }
0x3f: {  	_ =	sfence.sel $0x180000  }
0x40: {  	[bflag:$0x0] =	sbarrier.arrive $0xFFFF  }
0x41: {  	p0 =	sne.s32 s0, $0x0;
	_ =	strace $0x9000004A  }
0x42: {  	s0 =	sadd.s32 @!p0 $0x100000, s1;
	[bflag:$0x2] =	sbarrier.arrive $0xFFFF  }
0x43: {  	[sflag:s0] =	ssyncadd.tile.s32 @!p0 $0x1;
	_ =	shalt  }
.Lfunc_end2:
_tile_overlayer_lowered:
.L_overlay_start_2:
0x44: {  	(tag) =	ssettag $0x2  }
0x45: {  	s0 =	rddreg [dreg:$0x0];
	s2 =	stileid.u32  }
0x46: {  	s1 =	rddreg [dreg:$0x1];
	p0 =	sne.s32 s2, $0x0  }
0x47: {  	s3 =	rddreg [dreg:$0x2];
	[bflag:$0x3] =	sbarrier.arrive $0xFFFF;
	s2 =	simm.s32 @!p0 $0x1C02  }
0x48: {  	[timem:s3], [sflag:s2] =	dma.local @!p0 [hbm:s0], s1  }
0x49: {  	s0 =	simm.s32 @!p0 $0x2  }
0x4a: {  	_ =	swait.ge @!p0 [sflag:s0], s1  }
0x4b: {  	s1 =	ssub.s32 @!p0 $0x0, s1;
	[sflag:s0] =	ssyncset.done @!p0 $0x0  }
0x4c: {  	[sflag:s0] =	ssyncadd.s32 @!p0 s1  }
0x4d: {  	[bflag:$0x3] =	sbarrier.arrive $0xFFFF  }
0x4e: {  	_ =	shalt  }

</sc_bundles>
